<compile_context>
chip_gen: v7x
topology: tpu7x:2x2x1
jax: 0.10.2.dev20260603
libtpu: 0.0.44.dev20260713+nightly
codegen_flags: <defaults>
</compile_context>

<pallas_src>
import functools

import jax
import jax.numpy as jnp
from jax import lax
from jax.experimental import pallas as pl
from jax.experimental.pallas import tpu as pltpu
from jax.experimental.pallas import tpu_sc as plsc

_N_NODES = 100000
_BATCH = 16384
_MEM_DIM = 128
_LANES = 16

_NC = 2
_NS = 16
_NW = _NC * _NS

_PER_TILE = _BATCH // _NS
_CHUNK = 128
_NCHUNK = _PER_TILE // _CHUNK
_VPC = _CHUNK // _LANES
_ROWS_PER_W = _BATCH // _NW
_RCHUNKS = _ROWS_PER_W // _CHUNK
_RVEC = _ROWS_PER_W // _LANES
_FIXCAP = _RCHUNKS * _CHUNK + 2 * _LANES

_TBL_WORDS = _N_NODES + _NS * _CHUNK

_MESH = plsc.VectorSubcoreMesh(core_axis_name="c", subcore_axis_name="s")


@functools.partial(
    pl.kernel,
    out_type=jax.ShapeDtypeStruct((_BATCH, _MEM_DIM), jnp.float32),
    mesh=_MESH,
    scratch_types=[
        pltpu.VMEM_SHARED((_TBL_WORDS,), jnp.int32),
        pltpu.VMEM_SHARED((_NS * _LANES,), jnp.int32),
        pltpu.VMEM((_NCHUNK, _CHUNK), jnp.int32),
        pltpu.VMEM((_PER_TILE,), jnp.int32),
        pltpu.VMEM((_NCHUNK, _CHUNK), jnp.int32),
        pltpu.VMEM((_PER_TILE,), jnp.int32),
        pltpu.VMEM((_LANES,), jnp.int32),
        pltpu.VMEM((_NS * _LANES,), jnp.int32),
        pltpu.VMEM((_ROWS_PER_W, _MEM_DIM), jnp.float32),
        pltpu.VMEM((_FIXCAP,), jnp.int32),
        pltpu.VMEM((_FIXCAP,), jnp.int32),
        pltpu.VMEM((_RCHUNKS, _CHUNK), jnp.int32),
        pltpu.VMEM((_RCHUNKS, _CHUNK), jnp.int32),
        pltpu.VMEM((_CHUNK, _MEM_DIM), jnp.float32),
        pltpu.SemaphoreType.DMA,
        pltpu.SemaphoreType.DMA,
    ],
    compiler_params=pltpu.CompilerParams(needs_layout_passes=False),
)
def _FUSED_KERNEL(idx_hbm, values_hbm, out_hbm,
                  tbl_sh, cnt_sh, idx_v, j_v, sidx_v, w_v, cntrow_v,
                  cntall_v, rows_v, fixi_v, fixw_v, fixi2_v, fixw2_v,
                  frows_v, sem, wsem):
    cid = lax.axis_index("c")
    sid = lax.axis_index("s")
    wid = sid * _NC + cid
    iota = lax.iota(jnp.int32, _LANES)
    dump_base = _N_NODES + sid * _CHUNK
    my_base = sid * _PER_TILE
    out_base = wid * _ROWS_PER_W

    spec = [
        pltpu.async_copy(
            values_hbm.at[pl.ds(out_base + ch * _CHUNK, _CHUNK)],
            rows_v.at[pl.ds(ch * _CHUNK, _CHUNK)],
            wsem,
        )
        for ch in range(_RCHUNKS)
    ]

    cp0 = pltpu.async_copy(idx_hbm.at[sid], idx_v, sem)
    cp1 = pltpu.async_copy(idx_hbm.at[sid], sidx_v, sem)

    def _fill(v, carry):
        j_v[pl.ds(v * _LANES, _LANES)] = my_base + v * _LANES + iota
        return carry

    lax.fori_loop(0, _PER_TILE // _LANES, _fill, jnp.int32(0))
    cp0.wait()
    cp1.wait()

    def _round(_):
        cps = [
            pltpu.async_copy(
                j_v.at[pl.ds(ch * _CHUNK, _CHUNK)],
                tbl_sh.at[sidx_v.at[ch]],
                sem,
            )
            for ch in range(_NCHUNK)
        ]
        for cp in cps:
            cp.wait()
        plsc.subcore_barrier()

        cps = [
            pltpu.async_copy(
                tbl_sh.at[idx_v.at[ch]],
                w_v.at[pl.ds(ch * _CHUNK, _CHUNK)],
                sem,
            )
            for ch in range(_NCHUNK)
        ]
        acc = jnp.zeros((_LANES,), jnp.int32)
        for ch in range(_NCHUNK):
            cps[ch].wait()

            def _cmp(v, a, ch=ch):
                o = ch * _CHUNK + v * _LANES
                n = idx_v[ch, pl.ds(v * _LANES, _LANES)]
                t = w_v[pl.ds(o, _LANES)]
                j = my_base + o + iota
                m = j > t
                pad = dump_base + v * _LANES + iota
                sidx_v[ch, pl.ds(v * _LANES, _LANES)] = jnp.where(m, n, pad)
                return a + m.astype(jnp.int32)

            acc = lax.fori_loop(0, _VPC, _cmp, acc)

        cntrow_v[...] = jnp.broadcast_to(jnp.sum(acc), (_LANES,))
        pltpu.sync_copy(cntrow_v, cnt_sh.at[pl.ds(sid * _LANES, _LANES)])
        plsc.subcore_barrier()
        pltpu.sync_copy(cnt_sh, cntall_v)
        tot = jnp.zeros((_LANES,), jnp.int32)
        for r in range(_NS):
            tot = tot + cntall_v[pl.ds(r * _LANES, _LANES)]
        return jnp.sum(tot)

    lax.while_loop(lambda c: c > 0, _round, jnp.int32(1))
    row0 = cid * _ROWS_PER_W

    outs = []
    for ch in range(_RCHUNKS):
        spec[ch].wait()
        outs.append(
            pltpu.async_copy(
                rows_v.at[pl.ds(ch * _CHUNK, _CHUNK)],
                out_hbm.at[pl.ds(out_base + ch * _CHUNK, _CHUNK)],
                wsem,
            )
        )

    def _pre(k, carry):
        r = k * _LANES - (k // _RVEC) * _ROWS_PER_W
        fixi_v[pl.ds(k * _LANES, _LANES)] = out_base + r + iota
        fixw_v[pl.ds(k * _LANES, _LANES)] = w_v[pl.ds(row0 + r, _LANES)]
        return carry

    lax.fori_loop(0, _FIXCAP // _LANES, _pre, jnp.int32(0))

    def _compact(v, off):
        o = row0 + v * _LANES
        i_vec = out_base + v * _LANES + iota
        wv = w_v[pl.ds(o, _LANES)]
        m = wv != i_vec
        plsc.store_compressed(fixi_v.at[pl.ds(off, _LANES)], i_vec, mask=m)
        plsc.store_compressed(fixw_v.at[pl.ds(off, _LANES)], wv, mask=m)
        cnt = plsc.all_reduce_population_count(m)
        return off + jnp.max(cnt)

    n_fix = lax.fori_loop(0, _RVEC, _compact, jnp.int32(0))

    def _mk2(v, carry):
        c, r = v // _VPC, v - (v // _VPC) * _VPC
        fixi2_v[c, pl.ds(r * _LANES, _LANES)] = fixi_v[pl.ds(v * _LANES, _LANES)]
        fixw2_v[c, pl.ds(r * _LANES, _LANES)] = fixw_v[pl.ds(v * _LANES, _LANES)]
        return carry

    for v in range(_RCHUNKS * _VPC):
        _mk2(v, 0)

    for cp in outs:
        cp.wait()

    for c in range(_RCHUNKS):
        @pl.when(n_fix > c * _CHUNK)
        def _(c=c):
            pltpu.async_copy(
                values_hbm.at[fixw2_v.at[c]], frows_v, sem
            ).wait()
            pltpu.async_copy(
                frows_v, out_hbm.at[fixi2_v.at[c]], sem
            ).wait()


def kernel(memory, node_idxs, values):
    del memory
    idx3 = node_idxs.reshape(_NS, _NCHUNK, _CHUNK)
    return _FUSED_KERNEL(idx3, values)

# --- scband reference (transcript-rebuilt; emitter-appended) ---
"""Pipeline reference for scband-memory-72052371357834 (READ-ONLY COPY).

The authoritative reference and input builder live on the scoring server;
editing this copy changes nothing except your own understanding.
"""

import jax, jax.numpy as jnp
import numpy as np

N_NODES = 100000
MEM_DIM = 128
BATCH = 16384


def setup_inputs(seed: int = 0) -> dict:
    key = jax.random.key(seed)
    k1, k2 = jax.random.split(key, 2)
    node_idxs = jax.random.randint(k1, (BATCH,), 0, N_NODES, dtype=jnp.int64 if jax.config.jax_enable_x64 else jnp.int32).astype(jnp.int32)
    values = jax.random.normal(k2, (BATCH, MEM_DIM), dtype=jnp.float32)
    # Learned/state parameter: the memory table, initialized to zeros as in __init_memory__
    memory = jnp.zeros((N_NODES, MEM_DIM), dtype=jnp.float32)
    return {"memory": memory, "node_idxs": node_idxs, "values": values}


def reference(memory, node_idxs, values):
    # Faithful translation of Memory.set_memory followed by Memory.get_memory:
    #   self.memory[node_idxs, :] = values   (scatter-overwrite)
    #   return self.memory[node_idxs, :]     (gather)
    updated_memory = memory.at[node_idxs].set(values)
    out = updated_memory[node_idxs, :]
    return out

if __name__ == "__main__":
    import jax
    _d = setup_inputs()
    print(jax.jit(kernel)(*tuple(_d.values())))

</pallas_src>

<mosaic_0001>
#map = affine_map<(d0, d1) -> (0, 0, 0)>
#map1 = affine_map<(d0, d1) -> (0, 0)>
module attributes {stable_mosaic.version = 14 : i64} {
  func.func @_FUSED_KERNEL(%arg0: i32, %arg1: i32, %arg2: memref<16x8x128xi32, #tpu.memory_space<hbm>>, %arg3: memref<16384x128xf32, #tpu.memory_space<hbm>>, %arg4: memref<16384x128xf32, #tpu.memory_space<hbm>>, %arg5: memref<102048xi32, #tpu.memory_space<vmem_shared>>, %arg6: memref<256xi32, #tpu.memory_space<vmem_shared>>, %arg7: memref<8x128xi32, #tpu.memory_space<vmem>>, %arg8: memref<1024xi32, #tpu.memory_space<vmem>>, %arg9: memref<8x128xi32, #tpu.memory_space<vmem>>, %arg10: memref<1024xi32, #tpu.memory_space<vmem>>, %arg11: memref<16xi32, #tpu.memory_space<vmem>>, %arg12: memref<256xi32, #tpu.memory_space<vmem>>, %arg13: memref<512x128xf32, #tpu.memory_space<vmem>>, %arg14: memref<544xi32, #tpu.memory_space<vmem>>, %arg15: memref<544xi32, #tpu.memory_space<vmem>>, %arg16: memref<4x128xi32, #tpu.memory_space<vmem>>, %arg17: memref<4x128xi32, #tpu.memory_space<vmem>>, %arg18: memref<128x128xf32, #tpu.memory_space<vmem>>, %arg19: memref<!tpu.dma_semaphore, #tpu.memory_space<semaphore_mem>>, %arg20: memref<!tpu.dma_semaphore, #tpu.memory_space<semaphore_mem>>) attributes {dimension_semantics = [#tpu.dimension_semantics<core_parallel>, #tpu.dimension_semantics<subcore_parallel>], iteration_bounds = array<i64: 2, 16>, scalar_prefetch = 0 : i64, scratch_operands = 16 : i64, tpu.core_type = #tpu.core_type<sc_vector_subcore>, window_params = [{transform_indices = #map}, {transform_indices = #map1}, {transform_indices = #map1}]} {
    %mul3A = arith.constant 2 : i32
    %mul3A_0 = arith.muli %arg1, %mul3A : i32
    %add3A = arith.addi %mul3A_0, %arg0 : i32
    %iota3A = tpu.iota {dimensions = array<i32: 0>} : vector<16xi32>
    %mul3A_1 = arith.constant 128 : i32
    %mul3A_2 = arith.muli %arg1, %mul3A_1 : i32
    %add3A_3 = arith.constant 100000 : i32
    %add3A_4 = arith.addi %add3A_3, %mul3A_2 : i32
    %mul3A_5 = arith.constant 1024 : i32
    %mul3A_6 = arith.muli %arg1, %mul3A_5 : i32
    %mul3A_7 = arith.constant 512 : i32
    %mul3A_8 = arith.muli %add3A, %mul3A_7 : i32
    %add3A_9 = arith.constant 0 : i32
    %add3A_10 = arith.addi %mul3A_8, %add3A_9 : i32
    %dma_start3A = arith.constant 0 : i32
    %dma_start3A_11 = arith.constant 0 : i32
    %dma_start3A_12 = tpu.memref_slice %arg13[%dma_start3A, %dma_start3A_11] : memref<512x128xf32, #tpu.memory_space<vmem>> -> memref<128x128xf32, #tpu.memory_space<vmem>>
    %dma_start3A_13 = arith.constant 0 : i32
    %dma_start3A_14 = tpu.memref_slice %arg3[%add3A_10, %dma_start3A_13] : memref<16384x128xf32, #tpu.memory_space<hbm>> -> memref<128x128xf32, #tpu.memory_space<hbm>>
    %dma_start3A_15 = arith.constant 0 : i32
    %dma_start3A_16 = arith.constant 0 : i32
    %dma_start3A_17 = tpu.memref_slice %arg13[%dma_start3A_15, %dma_start3A_16] : memref<512x128xf32, #tpu.memory_space<vmem>> -> memref<128x128xf32, #tpu.memory_space<vmem>>
    %dma_start3A_18 = arith.constant 0 : i32
    %dma_start3A_19 = tpu.memref_slice %arg3[%add3A_10, %dma_start3A_18] : memref<16384x128xf32, #tpu.memory_space<hbm>> -> memref<128x128xf32, #tpu.memory_space<hbm>>
    tpu.enqueue_dma source(%dma_start3A_19 : memref<128x128xf32, #tpu.memory_space<hbm>>) target(%dma_start3A_17 : memref<128x128xf32, #tpu.memory_space<vmem>>) target_semaphore(%arg20 : memref<!tpu.dma_semaphore, #tpu.memory_space<semaphore_mem>>)
    %add3A_20 = arith.constant 128 : i32
    %add3A_21 = arith.addi %mul3A_8, %add3A_20 : i32
    %dma_start3A_22 = arith.constant 128 : i32
    %dma_start3A_23 = arith.constant 0 : i32
    %dma_start3A_24 = tpu.memref_slice %arg13[%dma_start3A_22, %dma_start3A_23] : memref<512x128xf32, #tpu.memory_space<vmem>> -> memref<128x128xf32, #tpu.memory_space<vmem>>
    %dma_start3A_25 = arith.constant 0 : i32
    %dma_start3A_26 = tpu.memref_slice %arg3[%add3A_21, %dma_start3A_25] : memref<16384x128xf32, #tpu.memory_space<hbm>> -> memref<128x128xf32, #tpu.memory_space<hbm>>
    %dma_start3A_27 = arith.constant 128 : i32
    %dma_start3A_28 = arith.constant 0 : i32
    %dma_start3A_29 = tpu.memref_slice %arg13[%dma_start3A_27, %dma_start3A_28] : memref<512x128xf32, #tpu.memory_space<vmem>> -> memref<128x128xf32, #tpu.memory_space<vmem>>
    %dma_start3A_30 = arith.constant 0 : i32
    %dma_start3A_31 = tpu.memref_slice %arg3[%add3A_21, %dma_start3A_30] : memref<16384x128xf32, #tpu.memory_space<hbm>> -> memref<128x128xf32, #tpu.memory_space<hbm>>
    tpu.enqueue_dma source(%dma_start3A_31 : memref<128x128xf32, #tpu.memory_space<hbm>>) target(%dma_start3A_29 : memref<128x128xf32, #tpu.memory_space<vmem>>) target_semaphore(%arg20 : memref<!tpu.dma_semaphore, #tpu.memory_space<semaphore_mem>>)
    %add3A_32 = arith.constant 256 : i32
    %add3A_33 = arith.addi %mul3A_8, %add3A_32 : i32
    %dma_start3A_34 = arith.constant 256 : i32
    %dma_start3A_35 = arith.constant 0 : i32
    %dma_start3A_36 = tpu.memref_slice %arg13[%dma_start3A_34, %dma_start3A_35] : memref<512x128xf32, #tpu.memory_space<vmem>> -> memref<128x128xf32, #tpu.memory_space<vmem>>
    %dma_start3A_37 = arith.constant 0 : i32
    %dma_start3A_38 = tpu.memref_slice %arg3[%add3A_33, %dma_start3A_37] : memref<16384x128xf32, #tpu.memory_space<hbm>> -> memref<128x128xf32, #tpu.memory_space<hbm>>
    %dma_start3A_39 = arith.constant 256 : i32
    %dma_start3A_40 = arith.constant 0 : i32
    %dma_start3A_41 = tpu.memref_slice %arg13[%dma_start3A_39, %dma_start3A_40] : memref<512x128xf32, #tpu.memory_space<vmem>> -> memref<128x128xf32, #tpu.memory_space<vmem>>
    %dma_start3A_42 = arith.constant 0 : i32
    %dma_start3A_43 = tpu.memref_slice %arg3[%add3A_33, %dma_start3A_42] : memref<16384x128xf32, #tpu.memory_space<hbm>> -> memref<128x128xf32, #tpu.memory_space<hbm>>
    tpu.enqueue_dma source(%dma_start3A_43 : memref<128x128xf32, #tpu.memory_space<hbm>>) target(%dma_start3A_41 : memref<128x128xf32, #tpu.memory_space<vmem>>) target_semaphore(%arg20 : memref<!tpu.dma_semaphore, #tpu.memory_space<semaphore_mem>>)
    %add3A_44 = arith.constant 384 : i32
    %add3A_45 = arith.addi %mul3A_8, %add3A_44 : i32
    %dma_start3A_46 = arith.constant 384 : i32
    %dma_start3A_47 = arith.constant 0 : i32
    %dma_start3A_48 = tpu.memref_slice %arg13[%dma_start3A_46, %dma_start3A_47] : memref<512x128xf32, #tpu.memory_space<vmem>> -> memref<128x128xf32, #tpu.memory_space<vmem>>
    %dma_start3A_49 = arith.constant 0 : i32
    %dma_start3A_50 = tpu.memref_slice %arg3[%add3A_45, %dma_start3A_49] : memref<16384x128xf32, #tpu.memory_space<hbm>> -> memref<128x128xf32, #tpu.memory_space<hbm>>
    %dma_start3A_51 = arith.constant 384 : i32
    %dma_start3A_52 = arith.constant 0 : i32
    %dma_start3A_53 = tpu.memref_slice %arg13[%dma_start3A_51, %dma_start3A_52] : memref<512x128xf32, #tpu.memory_space<vmem>> -> memref<128x128xf32, #tpu.memory_space<vmem>>
    %dma_start3A_54 = arith.constant 0 : i32
    %dma_start3A_55 = tpu.memref_slice %arg3[%add3A_45, %dma_start3A_54] : memref<16384x128xf32, #tpu.memory_space<hbm>> -> memref<128x128xf32, #tpu.memory_space<hbm>>
    tpu.enqueue_dma source(%dma_start3A_55 : memref<128x128xf32, #tpu.memory_space<hbm>>) target(%dma_start3A_53 : memref<128x128xf32, #tpu.memory_space<vmem>>) target_semaphore(%arg20 : memref<!tpu.dma_semaphore, #tpu.memory_space<semaphore_mem>>)
    %dma_start3A_56 = arith.constant 0 : i32
    %dma_start3A_57 = arith.constant 0 : i32
    %dma_start3A_58 = tpu.memref_slice %arg2[%arg1, %dma_start3A_56, %dma_start3A_57] : memref<16x8x128xi32, #tpu.memory_space<hbm>> -> memref<1x8x128xi32, #tpu.memory_space<hbm>>
    %dma_start3A_59 = tpu.memref_squeeze %dma_start3A_58 : memref<1x8x128xi32, #tpu.memory_space<hbm>> -> memref<8x128xi32, #tpu.memory_space<hbm>>
    %dma_start3A_60 = arith.constant 0 : i32
    %dma_start3A_61 = arith.constant 0 : i32
    %dma_start3A_62 = tpu.memref_slice %arg2[%arg1, %dma_start3A_60, %dma_start3A_61] : memref<16x8x128xi32, #tpu.memory_space<hbm>> -> memref<1x8x128xi32, #tpu.memory_space<hbm>>
    %dma_start3A_63 = tpu.memref_squeeze %dma_start3A_62 : memref<1x8x128xi32, #tpu.memory_space<hbm>> -> memref<8x128xi32, #tpu.memory_space<hbm>>
    tpu.enqueue_dma source(%dma_start3A_63 : memref<8x128xi32, #tpu.memory_space<hbm>>) target(%arg7 : memref<8x128xi32, #tpu.memory_space<vmem>>) target_semaphore(%arg19 : memref<!tpu.dma_semaphore, #tpu.memory_space<semaphore_mem>>)
    %dma_start3A_64 = arith.constant 0 : i32
    %dma_start3A_65 = arith.constant 0 : i32
    %dma_start3A_66 = tpu.memref_slice %arg2[%arg1, %dma_start3A_64, %dma_start3A_65] : memref<16x8x128xi32, #tpu.memory_space<hbm>> -> memref<1x8x128xi32, #tpu.memory_space<hbm>>
    %dma_start3A_67 = tpu.memref_squeeze %dma_start3A_66 : memref<1x8x128xi32, #tpu.memory_space<hbm>> -> memref<8x128xi32, #tpu.memory_space<hbm>>
    %dma_start3A_68 = arith.constant 0 : i32
    %dma_start3A_69 = arith.constant 0 : i32
    %dma_start3A_70 = tpu.memref_slice %arg2[%arg1, %dma_start3A_68, %dma_start3A_69] : memref<16x8x128xi32, #tpu.memory_space<hbm>> -> memref<1x8x128xi32, #tpu.memory_space<hbm>>
    %dma_start3A_71 = tpu.memref_squeeze %dma_start3A_70 : memref<1x8x128xi32, #tpu.memory_space<hbm>> -> memref<8x128xi32, #tpu.memory_space<hbm>>
    tpu.enqueue_dma source(%dma_start3A_71 : memref<8x128xi32, #tpu.memory_space<hbm>>) target(%arg9 : memref<8x128xi32, #tpu.memory_space<vmem>>) target_semaphore(%arg19 : memref<!tpu.dma_semaphore, #tpu.memory_space<semaphore_mem>>)
    %scan3A = arith.constant 0 : i32
    %scan3A_72 = arith.constant 0 : i32
    %scan3A_73 = arith.constant 64 : i32
    %scan3A_74 = arith.addi %scan3A_72, %scan3A_73 : i32
    %scan3A_75 = arith.constant 1 : i32
    scf.for %scan3A_635 = %scan3A_72 to %scan3A_74 step %scan3A_75  : i32 {
      %mul3A_636 = arith.constant 16 : i32
      %mul3A_637 = arith.muli %scan3A_635, %mul3A_636 : i32
      %add3A_638 = arith.addi %mul3A_6, %mul3A_637 : i32
      %add3A_639 = vector.broadcast %add3A_638 : i32 to vector<16xi32>
      %add3A_640 = arith.addi %add3A_639, %iota3A : vector<16xi32>
      %mul3A_641 = arith.constant 16 : i32
      %mul3A_642 = arith.muli %scan3A_635, %mul3A_641 : i32
      %swap3A_643 = arith.index_cast %mul3A_642 : i32 to index
      %swap3A_644 = tpu.vector_load %arg8[%swap3A_643] {strides = array<i32>} : memref<1024xi32, #tpu.memory_space<vmem>>, vector<16xi32>,
      tpu.vector_store %arg8[%swap3A_643], %add3A_640 {strides = array<i32>} : memref<1024xi32, #tpu.memory_space<vmem>>, vector<16xi32>,
    }
    %scan3A_76 = arith.constant 64 : i32
    %dma_wait3A = arith.constant 0 : i32
    %dma_wait3A_77 = arith.constant 0 : i32
    %dma_wait3A_78 = tpu.memref_slice %arg2[%arg1, %dma_wait3A, %dma_wait3A_77] : memref<16x8x128xi32, #tpu.memory_space<hbm>> -> memref<1x8x128xi32, #tpu.memory_space<hbm>>
    %dma_wait3A_79 = tpu.memref_squeeze %dma_wait3A_78 : memref<1x8x128xi32, #tpu.memory_space<hbm>> -> memref<8x128xi32, #tpu.memory_space<hbm>>
    %dma_wait3A_80 = arith.constant 0 : i32
    %dma_wait3A_81 = arith.constant 0 : i32
    %dma_wait3A_82 = tpu.memref_slice %arg2[%arg1, %dma_wait3A_80, %dma_wait3A_81] : memref<16x8x128xi32, #tpu.memory_space<hbm>> -> memref<1x8x128xi32, #tpu.memory_space<hbm>>
    %dma_wait3A_83 = tpu.memref_squeeze %dma_wait3A_82 : memref<1x8x128xi32, #tpu.memory_space<hbm>> -> memref<8x128xi32, #tpu.memory_space<hbm>>
    tpu.wait_dma2 semaphore(%arg19 : memref<!tpu.dma_semaphore, #tpu.memory_space<semaphore_mem>>) src(%dma_wait3A_83 : memref<8x128xi32, #tpu.memory_space<hbm>>) dst(%arg7 : memref<8x128xi32, #tpu.memory_space<vmem>>)
    %dma_wait3A_84 = arith.constant 0 : i32
    %dma_wait3A_85 = arith.constant 0 : i32
    %dma_wait3A_86 = tpu.memref_slice %arg2[%arg1, %dma_wait3A_84, %dma_wait3A_85] : memref<16x8x128xi32, #tpu.memory_space<hbm>> -> memref<1x8x128xi32, #tpu.memory_space<hbm>>
    %dma_wait3A_87 = tpu.memref_squeeze %dma_wait3A_86 : memref<1x8x128xi32, #tpu.memory_space<hbm>> -> memref<8x128xi32, #tpu.memory_space<hbm>>
    %dma_wait3A_88 = arith.constant 0 : i32
    %dma_wait3A_89 = arith.constant 0 : i32
    %dma_wait3A_90 = tpu.memref_slice %arg2[%arg1, %dma_wait3A_88, %dma_wait3A_89] : memref<16x8x128xi32, #tpu.memory_space<hbm>> -> memref<1x8x128xi32, #tpu.memory_space<hbm>>
    %dma_wait3A_91 = tpu.memref_squeeze %dma_wait3A_90 : memref<1x8x128xi32, #tpu.memory_space<hbm>> -> memref<8x128xi32, #tpu.memory_space<hbm>>
    tpu.wait_dma2 semaphore(%arg19 : memref<!tpu.dma_semaphore, #tpu.memory_space<semaphore_mem>>) src(%dma_wait3A_91 : memref<8x128xi32, #tpu.memory_space<hbm>>) dst(%arg9 : memref<8x128xi32, #tpu.memory_space<vmem>>)
    %while3A = arith.constant 1 : i32
    %while3A_92 = scf.while (%while3A_635 = %while3A) : (i32) -> i32 {
      %gt3A_636 = arith.constant 0 : i32
      %gt3A_637 = arith.cmpi sgt, %while3A_635, %gt3A_636 : i32
      scf.condition(%gt3A_637) %while3A_635 : i32
    } do {
    ^bb0(%while3A_635: i32):
      %dma_start3A_636 = arith.constant 0 : i32
      %dma_start3A_637 = arith.constant 0 : i32
      %dma_start3A_638 = tpu.memref_slice %arg8[%dma_start3A_637] : memref<1024xi32, #tpu.memory_space<vmem>> -> memref<128xi32, #tpu.memory_space<vmem>>
      %dma_start3A_639 = arith.constant 0 : i32
      %dma_start3A_640 = tpu.memref_slice %arg9[%dma_start3A_636, %dma_start3A_639] : memref<8x128xi32, #tpu.memory_space<vmem>> -> memref<1x128xi32, #tpu.memory_space<vmem>>
      %dma_start3A_641 = tpu.memref_squeeze %dma_start3A_640 : memref<1x128xi32, #tpu.memory_space<vmem>> -> memref<128xi32, #tpu.memory_space<vmem>>
      %dma_start3A_642 = arith.constant 0 : i32
      %dma_start3A_643 = tpu.memref_slice %arg5[%dma_start3A_642] : memref<102048xi32, #tpu.memory_space<vmem_shared>> -> memref<102048xi32, #tpu.memory_space<vmem_shared>>
      tpu.enqueue_indirect_dma source(%dma_start3A_638 : memref<128xi32, #tpu.memory_space<vmem>>) target(%dma_start3A_643 : memref<102048xi32, #tpu.memory_space<vmem_shared>>) offsets(%dma_start3A_641 : memref<128xi32, #tpu.memory_space<vmem>>) semaphore(%arg19 : memref<!tpu.dma_semaphore, #tpu.memory_space<semaphore_mem>>)
      %dma_start3A_644 = arith.constant 1 : i32
      %dma_start3A_645 = arith.constant 128 : i32
      %dma_start3A_646 = tpu.memref_slice %arg8[%dma_start3A_645] : memref<1024xi32, #tpu.memory_space<vmem>> -> memref<128xi32, #tpu.memory_space<vmem>>
      %dma_start3A_647 = arith.constant 0 : i32
      %dma_start3A_648 = tpu.memref_slice %arg9[%dma_start3A_644, %dma_start3A_647] : memref<8x128xi32, #tpu.memory_space<vmem>> -> memref<1x128xi32, #tpu.memory_space<vmem>>
      %dma_start3A_649 = tpu.memref_squeeze %dma_start3A_648 : memref<1x128xi32, #tpu.memory_space<vmem>> -> memref<128xi32, #tpu.memory_space<vmem>>
      %dma_start3A_650 = arith.constant 0 : i32
      %dma_start3A_651 = tpu.memref_slice %arg5[%dma_start3A_650] : memref<102048xi32, #tpu.memory_space<vmem_shared>> -> memref<102048xi32, #tpu.memory_space<vmem_shared>>
      tpu.enqueue_indirect_dma source(%dma_start3A_646 : memref<128xi32, #tpu.memory_space<vmem>>) target(%dma_start3A_651 : memref<102048xi32, #tpu.memory_space<vmem_shared>>) offsets(%dma_start3A_649 : memref<128xi32, #tpu.memory_space<vmem>>) semaphore(%arg19 : memref<!tpu.dma_semaphore, #tpu.memory_space<semaphore_mem>>)
      %dma_start3A_652 = arith.constant 2 : i32
      %dma_start3A_653 = arith.constant 256 : i32
      %dma_start3A_654 = tpu.memref_slice %arg8[%dma_start3A_653] : memref<1024xi32, #tpu.memory_space<vmem>> -> memref<128xi32, #tpu.memory_space<vmem>>
      %dma_start3A_655 = arith.constant 0 : i32
      %dma_start3A_656 = tpu.memref_slice %arg9[%dma_start3A_652, %dma_start3A_655] : memref<8x128xi32, #tpu.memory_space<vmem>> -> memref<1x128xi32, #tpu.memory_space<vmem>>
      %dma_start3A_657 = tpu.memref_squeeze %dma_start3A_656 : memref<1x128xi32, #tpu.memory_space<vmem>> -> memref<128xi32, #tpu.memory_space<vmem>>
      %dma_start3A_658 = arith.constant 0 : i32
      %dma_start3A_659 = tpu.memref_slice %arg5[%dma_start3A_658] : memref<102048xi32, #tpu.memory_space<vmem_shared>> -> memref<102048xi32, #tpu.memory_space<vmem_shared>>
      tpu.enqueue_indirect_dma source(%dma_start3A_654 : memref<128xi32, #tpu.memory_space<vmem>>) target(%dma_start3A_659 : memref<102048xi32, #tpu.memory_space<vmem_shared>>) offsets(%dma_start3A_657 : memref<128xi32, #tpu.memory_space<vmem>>) semaphore(%arg19 : memref<!tpu.dma_semaphore, #tpu.memory_space<semaphore_mem>>)
      %dma_start3A_660 = arith.constant 3 : i32
      %dma_start3A_661 = arith.constant 384 : i32
      %dma_start3A_662 = tpu.memref_slice %arg8[%dma_start3A_661] : memref<1024xi32, #tpu.memory_space<vmem>> -> memref<128xi32, #tpu.memory_space<vmem>>
      %dma_start3A_663 = arith.constant 0 : i32
      %dma_start3A_664 = tpu.memref_slice %arg9[%dma_start3A_660, %dma_start3A_663] : memref<8x128xi32, #tpu.memory_space<vmem>> -> memref<1x128xi32, #tpu.memory_space<vmem>>
      %dma_start3A_665 = tpu.memref_squeeze %dma_start3A_664 : memref<1x128xi32, #tpu.memory_space<vmem>> -> memref<128xi32, #tpu.memory_space<vmem>>
      %dma_start3A_666 = arith.constant 0 : i32
      %dma_start3A_667 = tpu.memref_slice %arg5[%dma_start3A_666] : memref<102048xi32, #tpu.memory_space<vmem_shared>> -> memref<102048xi32, #tpu.memory_space<vmem_shared>>
      tpu.enqueue_indirect_dma source(%dma_start3A_662 : memref<128xi32, #tpu.memory_space<vmem>>) target(%dma_start3A_667 : memref<102048xi32, #tpu.memory_space<vmem_shared>>) offsets(%dma_start3A_665 : memref<128xi32, #tpu.memory_space<vmem>>) semaphore(%arg19 : memref<!tpu.dma_semaphore, #tpu.memory_space<semaphore_mem>>)
      %dma_start3A_668 = arith.constant 4 : i32
      %dma_start3A_669 = arith.constant 512 : i32
      %dma_start3A_670 = tpu.memref_slice %arg8[%dma_start3A_669] : memref<1024xi32, #tpu.memory_space<vmem>> -> memref<128xi32, #tpu.memory_space<vmem>>
      %dma_start3A_671 = arith.constant 0 : i32
      %dma_start3A_672 = tpu.memref_slice %arg9[%dma_start3A_668, %dma_start3A_671] : memref<8x128xi32, #tpu.memory_space<vmem>> -> memref<1x128xi32, #tpu.memory_space<vmem>>
      %dma_start3A_673 = tpu.memref_squeeze %dma_start3A_672 : memref<1x128xi32, #tpu.memory_space<vmem>> -> memref<128xi32, #tpu.memory_space<vmem>>
      %dma_start3A_674 = arith.constant 0 : i32
      %dma_start3A_675 = tpu.memref_slice %arg5[%dma_start3A_674] : memref<102048xi32, #tpu.memory_space<vmem_shared>> -> memref<102048xi32, #tpu.memory_space<vmem_shared>>
      tpu.enqueue_indirect_dma source(%dma_start3A_670 : memref<128xi32, #tpu.memory_space<vmem>>) target(%dma_start3A_675 : memref<102048xi32, #tpu.memory_space<vmem_shared>>) offsets(%dma_start3A_673 : memref<128xi32, #tpu.memory_space<vmem>>) semaphore(%arg19 : memref<!tpu.dma_semaphore, #tpu.memory_space<semaphore_mem>>)
      %dma_start3A_676 = arith.constant 5 : i32
      %dma_start3A_677 = arith.constant 640 : i32
      %dma_start3A_678 = tpu.memref_slice %arg8[%dma_start3A_677] : memref<1024xi32, #tpu.memory_space<vmem>> -> memref<128xi32, #tpu.memory_space<vmem>>
      %dma_start3A_679 = arith.constant 0 : i32
      %dma_start3A_680 = tpu.memref_slice %arg9[%dma_start3A_676, %dma_start3A_679] : memref<8x128xi32, #tpu.memory_space<vmem>> -> memref<1x128xi32, #tpu.memory_space<vmem>>
      %dma_start3A_681 = tpu.memref_squeeze %dma_start3A_680 : memref<1x128xi32, #tpu.memory_space<vmem>> -> memref<128xi32, #tpu.memory_space<vmem>>
      %dma_start3A_682 = arith.constant 0 : i32
      %dma_start3A_683 = tpu.memref_slice %arg5[%dma_start3A_682] : memref<102048xi32, #tpu.memory_space<vmem_shared>> -> memref<102048xi32, #tpu.memory_space<vmem_shared>>
      tpu.enqueue_indirect_dma source(%dma_start3A_678 : memref<128xi32, #tpu.memory_space<vmem>>) target(%dma_start3A_683 : memref<102048xi32, #tpu.memory_space<vmem_shared>>) offsets(%dma_start3A_681 : memref<128xi32, #tpu.memory_space<vmem>>) semaphore(%arg19 : memref<!tpu.dma_semaphore, #tpu.memory_space<semaphore_mem>>)
      %dma_start3A_684 = arith.constant 6 : i32
      %dma_start3A_685 = arith.constant 768 : i32
      %dma_start3A_686 = tpu.memref_slice %arg8[%dma_start3A_685] : memref<1024xi32, #tpu.memory_space<vmem>> -> memref<128xi32, #tpu.memory_space<vmem>>
      %dma_start3A_687 = arith.constant 0 : i32
      %dma_start3A_688 = tpu.memref_slice %arg9[%dma_start3A_684, %dma_start3A_687] : memref<8x128xi32, #tpu.memory_space<vmem>> -> memref<1x128xi32, #tpu.memory_space<vmem>>
      %dma_start3A_689 = tpu.memref_squeeze %dma_start3A_688 : memref<1x128xi32, #tpu.memory_space<vmem>> -> memref<128xi32, #tpu.memory_space<vmem>>
      %dma_start3A_690 = arith.constant 0 : i32
      %dma_start3A_691 = tpu.memref_slice %arg5[%dma_start3A_690] : memref<102048xi32, #tpu.memory_space<vmem_shared>> -> memref<102048xi32, #tpu.memory_space<vmem_shared>>
      tpu.enqueue_indirect_dma source(%dma_start3A_686 : memref<128xi32, #tpu.memory_space<vmem>>) target(%dma_start3A_691 : memref<102048xi32, #tpu.memory_space<vmem_shared>>) offsets(%dma_start3A_689 : memref<128xi32, #tpu.memory_space<vmem>>) semaphore(%arg19 : memref<!tpu.dma_semaphore, #tpu.memory_space<semaphore_mem>>)
      %dma_start3A_692 = arith.constant 7 : i32
      %dma_start3A_693 = arith.constant 896 : i32
      %dma_start3A_694 = tpu.memref_slice %arg8[%dma_start3A_693] : memref<1024xi32, #tpu.memory_space<vmem>> -> memref<128xi32, #tpu.memory_space<vmem>>
      %dma_start3A_695 = arith.constant 0 : i32
      %dma_start3A_696 = tpu.memref_slice %arg9[%dma_start3A_692, %dma_start3A_695] : memref<8x128xi32, #tpu.memory_space<vmem>> -> memref<1x128xi32, #tpu.memory_space<vmem>>
      %dma_start3A_697 = tpu.memref_squeeze %dma_start3A_696 : memref<1x128xi32, #tpu.memory_space<vmem>> -> memref<128xi32, #tpu.memory_space<vmem>>
      %dma_start3A_698 = arith.constant 0 : i32
      %dma_start3A_699 = tpu.memref_slice %arg5[%dma_start3A_698] : memref<102048xi32, #tpu.memory_space<vmem_shared>> -> memref<102048xi32, #tpu.memory_space<vmem_shared>>
      tpu.enqueue_indirect_dma source(%dma_start3A_694 : memref<128xi32, #tpu.memory_space<vmem>>) target(%dma_start3A_699 : memref<102048xi32, #tpu.memory_space<vmem_shared>>) offsets(%dma_start3A_697 : memref<128xi32, #tpu.memory_space<vmem>>) semaphore(%arg19 : memref<!tpu.dma_semaphore, #tpu.memory_space<semaphore_mem>>)
      %dma_wait3A_700 = arith.constant 0 : i32
      %dma_wait3A_701 = arith.constant 0 : i32
      %dma_wait3A_702 = tpu.memref_slice %arg8[%dma_wait3A_701] : memref<1024xi32, #tpu.memory_space<vmem>> -> memref<128xi32, #tpu.memory_space<vmem>>
      %dma_wait3A_703 = arith.constant 0 : i32
      %dma_wait3A_704 = tpu.memref_slice %arg9[%dma_wait3A_700, %dma_wait3A_703] : memref<8x128xi32, #tpu.memory_space<vmem>> -> memref<1x128xi32, #tpu.memory_space<vmem>>
      %dma_wait3A_705 = tpu.memref_squeeze %dma_wait3A_704 : memref<1x128xi32, #tpu.memory_space<vmem>> -> memref<128xi32, #tpu.memory_space<vmem>>
      %dma_wait3A_706 = arith.constant 0 : i32
      %dma_wait3A_707 = tpu.memref_slice %arg5[%dma_wait3A_706] : memref<102048xi32, #tpu.memory_space<vmem_shared>> -> memref<102048xi32, #tpu.memory_space<vmem_shared>>
      tpu.wait_indirect_dma semaphore(%arg19 : memref<!tpu.dma_semaphore, #tpu.memory_space<semaphore_mem>>) src(%dma_wait3A_702 : memref<128xi32, #tpu.memory_space<vmem>>) dst(%dma_wait3A_707 : memref<102048xi32, #tpu.memory_space<vmem_shared>>)
      %dma_wait3A_708 = arith.constant 1 : i32
      %dma_wait3A_709 = arith.constant 128 : i32
      %dma_wait3A_710 = tpu.memref_slice %arg8[%dma_wait3A_709] : memref<1024xi32, #tpu.memory_space<vmem>> -> memref<128xi32, #tpu.memory_space<vmem>>
      %dma_wait3A_711 = arith.constant 0 : i32
      %dma_wait3A_712 = tpu.memref_slice %arg9[%dma_wait3A_708, %dma_wait3A_711] : memref<8x128xi32, #tpu.memory_space<vmem>> -> memref<1x128xi32, #tpu.memory_space<vmem>>
      %dma_wait3A_713 = tpu.memref_squeeze %dma_wait3A_712 : memref<1x128xi32, #tpu.memory_space<vmem>> -> memref<128xi32, #tpu.memory_space<vmem>>
      %dma_wait3A_714 = arith.constant 0 : i32
      %dma_wait3A_715 = tpu.memref_slice %arg5[%dma_wait3A_714] : memref<102048xi32, #tpu.memory_space<vmem_shared>> -> memref<102048xi32, #tpu.memory_space<vmem_shared>>
      tpu.wait_indirect_dma semaphore(%arg19 : memref<!tpu.dma_semaphore, #tpu.memory_space<semaphore_mem>>) src(%dma_wait3A_710 : memref<128xi32, #tpu.memory_space<vmem>>) dst(%dma_wait3A_715 : memref<102048xi32, #tpu.memory_space<vmem_shared>>)
      %dma_wait3A_716 = arith.constant 2 : i32
      %dma_wait3A_717 = arith.constant 256 : i32
      %dma_wait3A_718 = tpu.memref_slice %arg8[%dma_wait3A_717] : memref<1024xi32, #tpu.memory_space<vmem>> -> memref<128xi32, #tpu.memory_space<vmem>>
      %dma_wait3A_719 = arith.constant 0 : i32
      %dma_wait3A_720 = tpu.memref_slice %arg9[%dma_wait3A_716, %dma_wait3A_719] : memref<8x128xi32, #tpu.memory_space<vmem>> -> memref<1x128xi32, #tpu.memory_space<vmem>>
      %dma_wait3A_721 = tpu.memref_squeeze %dma_wait3A_720 : memref<1x128xi32, #tpu.memory_space<vmem>> -> memref<128xi32, #tpu.memory_space<vmem>>
      %dma_wait3A_722 = arith.constant 0 : i32
      %dma_wait3A_723 = tpu.memref_slice %arg5[%dma_wait3A_722] : memref<102048xi32, #tpu.memory_space<vmem_shared>> -> memref<102048xi32, #tpu.memory_space<vmem_shared>>
      tpu.wait_indirect_dma semaphore(%arg19 : memref<!tpu.dma_semaphore, #tpu.memory_space<semaphore_mem>>) src(%dma_wait3A_718 : memref<128xi32, #tpu.memory_space<vmem>>) dst(%dma_wait3A_723 : memref<102048xi32, #tpu.memory_space<vmem_shared>>)
      %dma_wait3A_724 = arith.constant 3 : i32
      %dma_wait3A_725 = arith.constant 384 : i32
      %dma_wait3A_726 = tpu.memref_slice %arg8[%dma_wait3A_725] : memref<1024xi32, #tpu.memory_space<vmem>> -> memref<128xi32, #tpu.memory_space<vmem>>
      %dma_wait3A_727 = arith.constant 0 : i32
      %dma_wait3A_728 = tpu.memref_slice %arg9[%dma_wait3A_724, %dma_wait3A_727] : memref<8x128xi32, #tpu.memory_space<vmem>> -> memref<1x128xi32, #tpu.memory_space<vmem>>
      %dma_wait3A_729 = tpu.memref_squeeze %dma_wait3A_728 : memref<1x128xi32, #tpu.memory_space<vmem>> -> memref<128xi32, #tpu.memory_space<vmem>>
      %dma_wait3A_730 = arith.constant 0 : i32
      %dma_wait3A_731 = tpu.memref_slice %arg5[%dma_wait3A_730] : memref<102048xi32, #tpu.memory_space<vmem_shared>> -> memref<102048xi32, #tpu.memory_space<vmem_shared>>
      tpu.wait_indirect_dma semaphore(%arg19 : memref<!tpu.dma_semaphore, #tpu.memory_space<semaphore_mem>>) src(%dma_wait3A_726 : memref<128xi32, #tpu.memory_space<vmem>>) dst(%dma_wait3A_731 : memref<102048xi32, #tpu.memory_space<vmem_shared>>)
      %dma_wait3A_732 = arith.constant 4 : i32
      %dma_wait3A_733 = arith.constant 512 : i32
      %dma_wait3A_734 = tpu.memref_slice %arg8[%dma_wait3A_733] : memref<1024xi32, #tpu.memory_space<vmem>> -> memref<128xi32, #tpu.memory_space<vmem>>
      %dma_wait3A_735 = arith.constant 0 : i32
      %dma_wait3A_736 = tpu.memref_slice %arg9[%dma_wait3A_732, %dma_wait3A_735] : memref<8x128xi32, #tpu.memory_space<vmem>> -> memref<1x128xi32, #tpu.memory_space<vmem>>
      %dma_wait3A_737 = tpu.memref_squeeze %dma_wait3A_736 : memref<1x128xi32, #tpu.memory_space<vmem>> -> memref<128xi32, #tpu.memory_space<vmem>>
      %dma_wait3A_738 = arith.constant 0 : i32
      %dma_wait3A_739 = tpu.memref_slice %arg5[%dma_wait3A_738] : memref<102048xi32, #tpu.memory_space<vmem_shared>> -> memref<102048xi32, #tpu.memory_space<vmem_shared>>
      tpu.wait_indirect_dma semaphore(%arg19 : memref<!tpu.dma_semaphore, #tpu.memory_space<semaphore_mem>>) src(%dma_wait3A_734 : memref<128xi32, #tpu.memory_space<vmem>>) dst(%dma_wait3A_739 : memref<102048xi32, #tpu.memory_space<vmem_shared>>)
      %dma_wait3A_740 = arith.constant 5 : i32
      %dma_wait3A_741 = arith.constant 640 : i32
      %dma_wait3A_742 = tpu.memref_slice %arg8[%dma_wait3A_741] : memref<1024xi32, #tpu.memory_space<vmem>> -> memref<128xi32, #tpu.memory_space<vmem>>
      %dma_wait3A_743 = arith.constant 0 : i32
      %dma_wait3A_744 = tpu.memref_slice %arg9[%dma_wait3A_740, %dma_wait3A_743] : memref<8x128xi32, #tpu.memory_space<vmem>> -> memref<1x128xi32, #tpu.memory_space<vmem>>
      %dma_wait3A_745 = tpu.memref_squeeze %dma_wait3A_744 : memref<1x128xi32, #tpu.memory_space<vmem>> -> memref<128xi32, #tpu.memory_space<vmem>>
      %dma_wait3A_746 = arith.constant 0 : i32
      %dma_wait3A_747 = tpu.memref_slice %arg5[%dma_wait3A_746] : memref<102048xi32, #tpu.memory_space<vmem_shared>> -> memref<102048xi32, #tpu.memory_space<vmem_shared>>
      tpu.wait_indirect_dma semaphore(%arg19 : memref<!tpu.dma_semaphore, #tpu.memory_space<semaphore_mem>>) src(%dma_wait3A_742 : memref<128xi32, #tpu.memory_space<vmem>>) dst(%dma_wait3A_747 : memref<102048xi32, #tpu.memory_space<vmem_shared>>)
      %dma_wait3A_748 = arith.constant 6 : i32
      %dma_wait3A_749 = arith.constant 768 : i32
      %dma_wait3A_750 = tpu.memref_slice %arg8[%dma_wait3A_749] : memref<1024xi32, #tpu.memory_space<vmem>> -> memref<128xi32, #tpu.memory_space<vmem>>
      %dma_wait3A_751 = arith.constant 0 : i32
      %dma_wait3A_752 = tpu.memref_slice %arg9[%dma_wait3A_748, %dma_wait3A_751] : memref<8x128xi32, #tpu.memory_space<vmem>> -> memref<1x128xi32, #tpu.memory_space<vmem>>
      %dma_wait3A_753 = tpu.memref_squeeze %dma_wait3A_752 : memref<1x128xi32, #tpu.memory_space<vmem>> -> memref<128xi32, #tpu.memory_space<vmem>>
      %dma_wait3A_754 = arith.constant 0 : i32
      %dma_wait3A_755 = tpu.memref_slice %arg5[%dma_wait3A_754] : memref<102048xi32, #tpu.memory_space<vmem_shared>> -> memref<102048xi32, #tpu.memory_space<vmem_shared>>
      tpu.wait_indirect_dma semaphore(%arg19 : memref<!tpu.dma_semaphore, #tpu.memory_space<semaphore_mem>>) src(%dma_wait3A_750 : memref<128xi32, #tpu.memory_space<vmem>>) dst(%dma_wait3A_755 : memref<102048xi32, #tpu.memory_space<vmem_shared>>)
      %dma_wait3A_756 = arith.constant 7 : i32
      %dma_wait3A_757 = arith.constant 896 : i32
      %dma_wait3A_758 = tpu.memref_slice %arg8[%dma_wait3A_757] : memref<1024xi32, #tpu.memory_space<vmem>> -> memref<128xi32, #tpu.memory_space<vmem>>
      %dma_wait3A_759 = arith.constant 0 : i32
      %dma_wait3A_760 = tpu.memref_slice %arg9[%dma_wait3A_756, %dma_wait3A_759] : memref<8x128xi32, #tpu.memory_space<vmem>> -> memref<1x128xi32, #tpu.memory_space<vmem>>
      %dma_wait3A_761 = tpu.memref_squeeze %dma_wait3A_760 : memref<1x128xi32, #tpu.memory_space<vmem>> -> memref<128xi32, #tpu.memory_space<vmem>>
      %dma_wait3A_762 = arith.constant 0 : i32
      %dma_wait3A_763 = tpu.memref_slice %arg5[%dma_wait3A_762] : memref<102048xi32, #tpu.memory_space<vmem_shared>> -> memref<102048xi32, #tpu.memory_space<vmem_shared>>
      tpu.wait_indirect_dma semaphore(%arg19 : memref<!tpu.dma_semaphore, #tpu.memory_space<semaphore_mem>>) src(%dma_wait3A_758 : memref<128xi32, #tpu.memory_space<vmem>>) dst(%dma_wait3A_763 : memref<102048xi32, #tpu.memory_space<vmem_shared>>)
      %barrier3A = arith.constant 0 : index
      tpu.barrier barrier_id(%barrier3A)
      %dma_start3A_764 = arith.constant 0 : i32
      %dma_start3A_765 = arith.constant 0 : i32
      %dma_start3A_766 = tpu.memref_slice %arg10[%dma_start3A_765] : memref<1024xi32, #tpu.memory_space<vmem>> -> memref<128xi32, #tpu.memory_space<vmem>>
      %dma_start3A_767 = arith.constant 0 : i32
      %dma_start3A_768 = tpu.memref_slice %arg7[%dma_start3A_764, %dma_start3A_767] : memref<8x128xi32, #tpu.memory_space<vmem>> -> memref<1x128xi32, #tpu.memory_space<vmem>>
      %dma_start3A_769 = tpu.memref_squeeze %dma_start3A_768 : memref<1x128xi32, #tpu.memory_space<vmem>> -> memref<128xi32, #tpu.memory_space<vmem>>
      %dma_start3A_770 = arith.constant 0 : i32
      %dma_start3A_771 = tpu.memref_slice %arg5[%dma_start3A_770] : memref<102048xi32, #tpu.memory_space<vmem_shared>> -> memref<102048xi32, #tpu.memory_space<vmem_shared>>
      tpu.enqueue_indirect_dma source(%dma_start3A_771 : memref<102048xi32, #tpu.memory_space<vmem_shared>>) target(%dma_start3A_766 : memref<128xi32, #tpu.memory_space<vmem>>) offsets(%dma_start3A_769 : memref<128xi32, #tpu.memory_space<vmem>>) semaphore(%arg19 : memref<!tpu.dma_semaphore, #tpu.memory_space<semaphore_mem>>)
      %dma_start3A_772 = arith.constant 1 : i32
      %dma_start3A_773 = arith.constant 128 : i32
      %dma_start3A_774 = tpu.memref_slice %arg10[%dma_start3A_773] : memref<1024xi32, #tpu.memory_space<vmem>> -> memref<128xi32, #tpu.memory_space<vmem>>
      %dma_start3A_775 = arith.constant 0 : i32
      %dma_start3A_776 = tpu.memref_slice %arg7[%dma_start3A_772, %dma_start3A_775] : memref<8x128xi32, #tpu.memory_space<vmem>> -> memref<1x128xi32, #tpu.memory_space<vmem>>
      %dma_start3A_777 = tpu.memref_squeeze %dma_start3A_776 : memref<1x128xi32, #tpu.memory_space<vmem>> -> memref<128xi32, #tpu.memory_space<vmem>>
      %dma_start3A_778 = arith.constant 0 : i32
      %dma_start3A_779 = tpu.memref_slice %arg5[%dma_start3A_778] : memref<102048xi32, #tpu.memory_space<vmem_shared>> -> memref<102048xi32, #tpu.memory_space<vmem_shared>>
      tpu.enqueue_indirect_dma source(%dma_start3A_779 : memref<102048xi32, #tpu.memory_space<vmem_shared>>) target(%dma_start3A_774 : memref<128xi32, #tpu.memory_space<vmem>>) offsets(%dma_start3A_777 : memref<128xi32, #tpu.memory_space<vmem>>) semaphore(%arg19 : memref<!tpu.dma_semaphore, #tpu.memory_space<semaphore_mem>>)
      %dma_start3A_780 = arith.constant 2 : i32
      %dma_start3A_781 = arith.constant 256 : i32
      %dma_start3A_782 = tpu.memref_slice %arg10[%dma_start3A_781] : memref<1024xi32, #tpu.memory_space<vmem>> -> memref<128xi32, #tpu.memory_space<vmem>>
      %dma_start3A_783 = arith.constant 0 : i32
      %dma_start3A_784 = tpu.memref_slice %arg7[%dma_start3A_780, %dma_start3A_783] : memref<8x128xi32, #tpu.memory_space<vmem>> -> memref<1x128xi32, #tpu.memory_space<vmem>>
      %dma_start3A_785 = tpu.memref_squeeze %dma_start3A_784 : memref<1x128xi32, #tpu.memory_space<vmem>> -> memref<128xi32, #tpu.memory_space<vmem>>
      %dma_start3A_786 = arith.constant 0 : i32
      %dma_start3A_787 = tpu.memref_slice %arg5[%dma_start3A_786] : memref<102048xi32, #tpu.memory_space<vmem_shared>> -> memref<102048xi32, #tpu.memory_space<vmem_shared>>
      tpu.enqueue_indirect_dma source(%dma_start3A_787 : memref<102048xi32, #tpu.memory_space<vmem_shared>>) target(%dma_start3A_782 : memref<128xi32, #tpu.memory_space<vmem>>) offsets(%dma_start3A_785 : memref<128xi32, #tpu.memory_space<vmem>>) semaphore(%arg19 : memref<!tpu.dma_semaphore, #tpu.memory_space<semaphore_mem>>)
      %dma_start3A_788 = arith.constant 3 : i32
      %dma_start3A_789 = arith.constant 384 : i32
      %dma_start3A_790 = tpu.memref_slice %arg10[%dma_start3A_789] : memref<1024xi32, #tpu.memory_space<vmem>> -> memref<128xi32, #tpu.memory_space<vmem>>
      %dma_start3A_791 = arith.constant 0 : i32
      %dma_start3A_792 = tpu.memref_slice %arg7[%dma_start3A_788, %dma_start3A_791] : memref<8x128xi32, #tpu.memory_space<vmem>> -> memref<1x128xi32, #tpu.memory_space<vmem>>
      %dma_start3A_793 = tpu.memref_squeeze %dma_start3A_792 : memref<1x128xi32, #tpu.memory_space<vmem>> -> memref<128xi32, #tpu.memory_space<vmem>>
      %dma_start3A_794 = arith.constant 0 : i32
      %dma_start3A_795 = tpu.memref_slice %arg5[%dma_start3A_794] : memref<102048xi32, #tpu.memory_space<vmem_shared>> -> memref<102048xi32, #tpu.memory_space<vmem_shared>>
      tpu.enqueue_indirect_dma source(%dma_start3A_795 : memref<102048xi32, #tpu.memory_space<vmem_shared>>) target(%dma_start3A_790 : memref<128xi32, #tpu.memory_space<vmem>>) offsets(%dma_start3A_793 : memref<128xi32, #tpu.memory_space<vmem>>) semaphore(%arg19 : memref<!tpu.dma_semaphore, #tpu.memory_space<semaphore_mem>>)
      %dma_start3A_796 = arith.constant 4 : i32
      %dma_start3A_797 = arith.constant 512 : i32
      %dma_start3A_798 = tpu.memref_slice %arg10[%dma_start3A_797] : memref<1024xi32, #tpu.memory_space<vmem>> -> memref<128xi32, #tpu.memory_space<vmem>>
      %dma_start3A_799 = arith.constant 0 : i32
      %dma_start3A_800 = tpu.memref_slice %arg7[%dma_start3A_796, %dma_start3A_799] : memref<8x128xi32, #tpu.memory_space<vmem>> -> memref<1x128xi32, #tpu.memory_space<vmem>>
      %dma_start3A_801 = tpu.memref_squeeze %dma_start3A_800 : memref<1x128xi32, #tpu.memory_space<vmem>> -> memref<128xi32, #tpu.memory_space<vmem>>
      %dma_start3A_802 = arith.constant 0 : i32
      %dma_start3A_803 = tpu.memref_slice %arg5[%dma_start3A_802] : memref<102048xi32, #tpu.memory_space<vmem_shared>> -> memref<102048xi32, #tpu.memory_space<vmem_shared>>
      tpu.enqueue_indirect_dma source(%dma_start3A_803 : memref<102048xi32, #tpu.memory_space<vmem_shared>>) target(%dma_start3A_798 : memref<128xi32, #tpu.memory_space<vmem>>) offsets(%dma_start3A_801 : memref<128xi32, #tpu.memory_space<vmem>>) semaphore(%arg19 : memref<!tpu.dma_semaphore, #tpu.memory_space<semaphore_mem>>)
      %dma_start3A_804 = arith.constant 5 : i32
      %dma_start3A_805 = arith.constant 640 : i32
      %dma_start3A_806 = tpu.memref_slice %arg10[%dma_start3A_805] : memref<1024xi32, #tpu.memory_space<vmem>> -> memref<128xi32, #tpu.memory_space<vmem>>
      %dma_start3A_807 = arith.constant 0 : i32
      %dma_start3A_808 = tpu.memref_slice %arg7[%dma_start3A_804, %dma_start3A_807] : memref<8x128xi32, #tpu.memory_space<vmem>> -> memref<1x128xi32, #tpu.memory_space<vmem>>
      %dma_start3A_809 = tpu.memref_squeeze %dma_start3A_808 : memref<1x128xi32, #tpu.memory_space<vmem>> -> memref<128xi32, #tpu.memory_space<vmem>>
      %dma_start3A_810 = arith.constant 0 : i32
      %dma_start3A_811 = tpu.memref_slice %arg5[%dma_start3A_810] : memref<102048xi32, #tpu.memory_space<vmem_shared>> -> memref<102048xi32, #tpu.memory_space<vmem_shared>>
      tpu.enqueue_indirect_dma source(%dma_start3A_811 : memref<102048xi32, #tpu.memory_space<vmem_shared>>) target(%dma_start3A_806 : memref<128xi32, #tpu.memory_space<vmem>>) offsets(%dma_start3A_809 : memref<128xi32, #tpu.memory_space<vmem>>) semaphore(%arg19 : memref<!tpu.dma_semaphore, #tpu.memory_space<semaphore_mem>>)
      %dma_start3A_812 = arith.constant 6 : i32
      %dma_start3A_813 = arith.constant 768 : i32
      %dma_start3A_814 = tpu.memref_slice %arg10[%dma_start3A_813] : memref<1024xi32, #tpu.memory_space<vmem>> -> memref<128xi32, #tpu.memory_space<vmem>>
      %dma_start3A_815 = arith.constant 0 : i32
      %dma_start3A_816 = tpu.memref_slice %arg7[%dma_start3A_812, %dma_start3A_815] : memref<8x128xi32, #tpu.memory_space<vmem>> -> memref<1x128xi32, #tpu.memory_space<vmem>>
      %dma_start3A_817 = tpu.memref_squeeze %dma_start3A_816 : memref<1x128xi32, #tpu.memory_space<vmem>> -> memref<128xi32, #tpu.memory_space<vmem>>
      %dma_start3A_818 = arith.constant 0 : i32
      %dma_start3A_819 = tpu.memref_slice %arg5[%dma_start3A_818] : memref<102048xi32, #tpu.memory_space<vmem_shared>> -> memref<102048xi32, #tpu.memory_space<vmem_shared>>
      tpu.enqueue_indirect_dma source(%dma_start3A_819 : memref<102048xi32, #tpu.memory_space<vmem_shared>>) target(%dma_start3A_814 : memref<128xi32, #tpu.memory_space<vmem>>) offsets(%dma_start3A_817 : memref<128xi32, #tpu.memory_space<vmem>>) semaphore(%arg19 : memref<!tpu.dma_semaphore, #tpu.memory_space<semaphore_mem>>)
      %dma_start3A_820 = arith.constant 7 : i32
      %dma_start3A_821 = arith.constant 896 : i32
      %dma_start3A_822 = tpu.memref_slice %arg10[%dma_start3A_821] : memref<1024xi32, #tpu.memory_space<vmem>> -> memref<128xi32, #tpu.memory_space<vmem>>
      %dma_start3A_823 = arith.constant 0 : i32
      %dma_start3A_824 = tpu.memref_slice %arg7[%dma_start3A_820, %dma_start3A_823] : memref<8x128xi32, #tpu.memory_space<vmem>> -> memref<1x128xi32, #tpu.memory_space<vmem>>
      %dma_start3A_825 = tpu.memref_squeeze %dma_start3A_824 : memref<1x128xi32, #tpu.memory_space<vmem>> -> memref<128xi32, #tpu.memory_space<vmem>>
      %dma_start3A_826 = arith.constant 0 : i32
      %dma_start3A_827 = tpu.memref_slice %arg5[%dma_start3A_826] : memref<102048xi32, #tpu.memory_space<vmem_shared>> -> memref<102048xi32, #tpu.memory_space<vmem_shared>>
      tpu.enqueue_indirect_dma source(%dma_start3A_827 : memref<102048xi32, #tpu.memory_space<vmem_shared>>) target(%dma_start3A_822 : memref<128xi32, #tpu.memory_space<vmem>>) offsets(%dma_start3A_825 : memref<128xi32, #tpu.memory_space<vmem>>) semaphore(%arg19 : memref<!tpu.dma_semaphore, #tpu.memory_space<semaphore_mem>>)
      %broadcast_in_dim3A = arith.constant 0 : i32
      %broadcast_in_dim3A_828 = vector.broadcast %broadcast_in_dim3A : i32 to vector<16xi32>
      %dma_wait3A_829 = arith.constant 0 : i32
      %dma_wait3A_830 = arith.constant 0 : i32
      %dma_wait3A_831 = tpu.memref_slice %arg10[%dma_wait3A_830] : memref<1024xi32, #tpu.memory_space<vmem>> -> memref<128xi32, #tpu.memory_space<vmem>>
      %dma_wait3A_832 = arith.constant 0 : i32
      %dma_wait3A_833 = tpu.memref_slice %arg7[%dma_wait3A_829, %dma_wait3A_832] : memref<8x128xi32, #tpu.memory_space<vmem>> -> memref<1x128xi32, #tpu.memory_space<vmem>>
      %dma_wait3A_834 = tpu.memref_squeeze %dma_wait3A_833 : memref<1x128xi32, #tpu.memory_space<vmem>> -> memref<128xi32, #tpu.memory_space<vmem>>
      %dma_wait3A_835 = arith.constant 0 : i32
      %dma_wait3A_836 = tpu.memref_slice %arg5[%dma_wait3A_835] : memref<102048xi32, #tpu.memory_space<vmem_shared>> -> memref<102048xi32, #tpu.memory_space<vmem_shared>>
      tpu.wait_indirect_dma semaphore(%arg19 : memref<!tpu.dma_semaphore, #tpu.memory_space<semaphore_mem>>) src(%dma_wait3A_836 : memref<102048xi32, #tpu.memory_space<vmem_shared>>) dst(%dma_wait3A_831 : memref<128xi32, #tpu.memory_space<vmem>>)
      %scan3A_837 = arith.constant 0 : i32
      %scan3A_838 = arith.constant 8 : i32
      %scan3A_839 = arith.addi %scan3A_837, %scan3A_838 : i32
      %scan3A_840 = arith.constant 1 : i32
      %scan3A_841 = scf.for %scan3A_1004 = %scan3A_837 to %scan3A_839 step %scan3A_840 iter_args(%scan3A_1005 = %broadcast_in_dim3A_828) -> (vector<16xi32>)  : i32 {
        %mul3A_1006 = arith.constant 16 : i32
        %mul3A_1007 = arith.muli %scan3A_1004, %mul3A_1006 : i32
        %add3A_1008 = arith.constant 0 : i32
        %add3A_1009 = arith.addi %add3A_1008, %mul3A_1007 : i32
        %mul3A_1010 = arith.constant 16 : i32
        %mul3A_1011 = arith.muli %scan3A_1004, %mul3A_1010 : i32
        %get3A_1012 = arith.constant 0 : i32
        %get3A_1013 = arith.index_cast %get3A_1012 : i32 to index
        %get3A_1014 = arith.index_cast %mul3A_1011 : i32 to index
        %get3A_1015 = tpu.vector_load %arg7[%get3A_1013, %get3A_1014] {strides = array<i32>} : memref<8x128xi32, #tpu.memory_space<vmem>>, vector<16xi32>,
        %get3A_1016 = arith.index_cast %add3A_1009 : i32 to index
        %get3A_1017 = tpu.vector_load %arg10[%get3A_1016] {strides = array<i32>} : memref<1024xi32, #tpu.memory_space<vmem>>, vector<16xi32>,
        %add3A_1018 = arith.addi %mul3A_6, %add3A_1009 : i32
        %add3A_1019 = vector.broadcast %add3A_1018 : i32 to vector<16xi32>
        %add3A_1020 = arith.addi %add3A_1019, %iota3A : vector<16xi32>
        %gt3A_1021 = arith.cmpi sgt, %add3A_1020, %get3A_1017 : vector<16xi32>
        %mul3A_1022 = arith.constant 16 : i32
        %mul3A_1023 = arith.muli %scan3A_1004, %mul3A_1022 : i32
        %add3A_1024 = arith.addi %add3A_4, %mul3A_1023 : i32
        %add3A_1025 = vector.broadcast %add3A_1024 : i32 to vector<16xi32>
        %add3A_1026 = arith.addi %add3A_1025, %iota3A : vector<16xi32>
        %select_n3A = arith.select %gt3A_1021, %get3A_1015, %add3A_1026 : vector<16xi1>, vector<16xi32>
        %mul3A_1027 = arith.constant 16 : i32
        %mul3A_1028 = arith.muli %scan3A_1004, %mul3A_1027 : i32
        %swap3A_1029 = arith.constant 0 : i32
        %swap3A_1030 = arith.index_cast %swap3A_1029 : i32 to index
        %swap3A_1031 = arith.index_cast %mul3A_1028 : i32 to index
        %swap3A_1032 = tpu.vector_load %arg9[%swap3A_1030, %swap3A_1031] {strides = array<i32>} : memref<8x128xi32, #tpu.memory_space<vmem>>, vector<16xi32>,
        tpu.vector_store %arg9[%swap3A_1030, %swap3A_1031], %select_n3A {strides = array<i32>} : memref<8x128xi32, #tpu.memory_space<vmem>>, vector<16xi32>,
        %convert_element_type3A_1033 = arith.extui %gt3A_1021 : vector<16xi1> to vector<16xi32>
        %add3A_1034 = arith.addi %scan3A_1005, %convert_element_type3A_1033 : vector<16xi32>
        scf.yield %add3A_1034 : vector<16xi32>
      }
      %scan3A_842 = arith.constant 8 : i32
      %dma_wait3A_843 = arith.constant 1 : i32
      %dma_wait3A_844 = arith.constant 128 : i32
      %dma_wait3A_845 = tpu.memref_slice %arg10[%dma_wait3A_844] : memref<1024xi32, #tpu.memory_space<vmem>> -> memref<128xi32, #tpu.memory_space<vmem>>
      %dma_wait3A_846 = arith.constant 0 : i32
      %dma_wait3A_847 = tpu.memref_slice %arg7[%dma_wait3A_843, %dma_wait3A_846] : memref<8x128xi32, #tpu.memory_space<vmem>> -> memref<1x128xi32, #tpu.memory_space<vmem>>
      %dma_wait3A_848 = tpu.memref_squeeze %dma_wait3A_847 : memref<1x128xi32, #tpu.memory_space<vmem>> -> memref<128xi32, #tpu.memory_space<vmem>>
      %dma_wait3A_849 = arith.constant 0 : i32
      %dma_wait3A_850 = tpu.memref_slice %arg5[%dma_wait3A_849] : memref<102048xi32, #tpu.memory_space<vmem_shared>> -> memref<102048xi32, #tpu.memory_space<vmem_shared>>
      tpu.wait_indirect_dma semaphore(%arg19 : memref<!tpu.dma_semaphore, #tpu.memory_space<semaphore_mem>>) src(%dma_wait3A_850 : memref<102048xi32, #tpu.memory_space<vmem_shared>>) dst(%dma_wait3A_845 : memref<128xi32, #tpu.memory_space<vmem>>)
      %scan3A_851 = arith.constant 0 : i32
      %scan3A_852 = arith.constant 8 : i32
      %scan3A_853 = arith.addi %scan3A_851, %scan3A_852 : i32
      %scan3A_854 = arith.constant 1 : i32
      %scan3A_855 = scf.for %scan3A_1004 = %scan3A_851 to %scan3A_853 step %scan3A_854 iter_args(%scan3A_1005 = %scan3A_841) -> (vector<16xi32>)  : i32 {
        %mul3A_1006 = arith.constant 16 : i32
        %mul3A_1007 = arith.muli %scan3A_1004, %mul3A_1006 : i32
        %add3A_1008 = arith.constant 128 : i32
        %add3A_1009 = arith.addi %add3A_1008, %mul3A_1007 : i32
        %mul3A_1010 = arith.constant 16 : i32
        %mul3A_1011 = arith.muli %scan3A_1004, %mul3A_1010 : i32
        %get3A_1012 = arith.constant 1 : i32
        %get3A_1013 = arith.index_cast %get3A_1012 : i32 to index
        %get3A_1014 = arith.index_cast %mul3A_1011 : i32 to index
        %get3A_1015 = tpu.vector_load %arg7[%get3A_1013, %get3A_1014] {strides = array<i32>} : memref<8x128xi32, #tpu.memory_space<vmem>>, vector<16xi32>,
        %get3A_1016 = arith.index_cast %add3A_1009 : i32 to index
        %get3A_1017 = tpu.vector_load %arg10[%get3A_1016] {strides = array<i32>} : memref<1024xi32, #tpu.memory_space<vmem>>, vector<16xi32>,
        %add3A_1018 = arith.addi %mul3A_6, %add3A_1009 : i32
        %add3A_1019 = vector.broadcast %add3A_1018 : i32 to vector<16xi32>
        %add3A_1020 = arith.addi %add3A_1019, %iota3A : vector<16xi32>
        %gt3A_1021 = arith.cmpi sgt, %add3A_1020, %get3A_1017 : vector<16xi32>
        %mul3A_1022 = arith.constant 16 : i32
        %mul3A_1023 = arith.muli %scan3A_1004, %mul3A_1022 : i32
        %add3A_1024 = arith.addi %add3A_4, %mul3A_1023 : i32
        %add3A_1025 = vector.broadcast %add3A_1024 : i32 to vector<16xi32>
        %add3A_1026 = arith.addi %add3A_1025, %iota3A : vector<16xi32>
        %select_n3A = arith.select %gt3A_1021, %get3A_1015, %add3A_1026 : vector<16xi1>, vector<16xi32>
        %mul3A_1027 = arith.constant 16 : i32
        %mul3A_1028 = arith.muli %scan3A_1004, %mul3A_1027 : i32
        %swap3A_1029 = arith.constant 1 : i32
        %swap3A_1030 = arith.index_cast %swap3A_1029 : i32 to index
        %swap3A_1031 = arith.index_cast %mul3A_1028 : i32 to index
        %swap3A_1032 = tpu.vector_load %arg9[%swap3A_1030, %swap3A_1031] {strides = array<i32>} : memref<8x128xi32, #tpu.memory_space<vmem>>, vector<16xi32>,
        tpu.vector_store %arg9[%swap3A_1030, %swap3A_1031], %select_n3A {strides = array<i32>} : memref<8x128xi32, #tpu.memory_space<vmem>>, vector<16xi32>,
        %convert_element_type3A_1033 = arith.extui %gt3A_1021 : vector<16xi1> to vector<16xi32>
        %add3A_1034 = arith.addi %scan3A_1005, %convert_element_type3A_1033 : vector<16xi32>
        scf.yield %add3A_1034 : vector<16xi32>
      }
      %scan3A_856 = arith.constant 8 : i32
      %dma_wait3A_857 = arith.constant 2 : i32
      %dma_wait3A_858 = arith.constant 256 : i32
      %dma_wait3A_859 = tpu.memref_slice %arg10[%dma_wait3A_858] : memref<1024xi32, #tpu.memory_space<vmem>> -> memref<128xi32, #tpu.memory_space<vmem>>
      %dma_wait3A_860 = arith.constant 0 : i32
      %dma_wait3A_861 = tpu.memref_slice %arg7[%dma_wait3A_857, %dma_wait3A_860] : memref<8x128xi32, #tpu.memory_space<vmem>> -> memref<1x128xi32, #tpu.memory_space<vmem>>
      %dma_wait3A_862 = tpu.memref_squeeze %dma_wait3A_861 : memref<1x128xi32, #tpu.memory_space<vmem>> -> memref<128xi32, #tpu.memory_space<vmem>>
      %dma_wait3A_863 = arith.constant 0 : i32
      %dma_wait3A_864 = tpu.memref_slice %arg5[%dma_wait3A_863] : memref<102048xi32, #tpu.memory_space<vmem_shared>> -> memref<102048xi32, #tpu.memory_space<vmem_shared>>
      tpu.wait_indirect_dma semaphore(%arg19 : memref<!tpu.dma_semaphore, #tpu.memory_space<semaphore_mem>>) src(%dma_wait3A_864 : memref<102048xi32, #tpu.memory_space<vmem_shared>>) dst(%dma_wait3A_859 : memref<128xi32, #tpu.memory_space<vmem>>)
      %scan3A_865 = arith.constant 0 : i32
      %scan3A_866 = arith.constant 8 : i32
      %scan3A_867 = arith.addi %scan3A_865, %scan3A_866 : i32
      %scan3A_868 = arith.constant 1 : i32
      %scan3A_869 = scf.for %scan3A_1004 = %scan3A_865 to %scan3A_867 step %scan3A_868 iter_args(%scan3A_1005 = %scan3A_855) -> (vector<16xi32>)  : i32 {
        %mul3A_1006 = arith.constant 16 : i32
        %mul3A_1007 = arith.muli %scan3A_1004, %mul3A_1006 : i32
        %add3A_1008 = arith.constant 256 : i32
        %add3A_1009 = arith.addi %add3A_1008, %mul3A_1007 : i32
        %mul3A_1010 = arith.constant 16 : i32
        %mul3A_1011 = arith.muli %scan3A_1004, %mul3A_1010 : i32
        %get3A_1012 = arith.constant 2 : i32
        %get3A_1013 = arith.index_cast %get3A_1012 : i32 to index
        %get3A_1014 = arith.index_cast %mul3A_1011 : i32 to index
        %get3A_1015 = tpu.vector_load %arg7[%get3A_1013, %get3A_1014] {strides = array<i32>} : memref<8x128xi32, #tpu.memory_space<vmem>>, vector<16xi32>,
        %get3A_1016 = arith.index_cast %add3A_1009 : i32 to index
        %get3A_1017 = tpu.vector_load %arg10[%get3A_1016] {strides = array<i32>} : memref<1024xi32, #tpu.memory_space<vmem>>, vector<16xi32>,
        %add3A_1018 = arith.addi %mul3A_6, %add3A_1009 : i32
        %add3A_1019 = vector.broadcast %add3A_1018 : i32 to vector<16xi32>
        %add3A_1020 = arith.addi %add3A_1019, %iota3A : vector<16xi32>
        %gt3A_1021 = arith.cmpi sgt, %add3A_1020, %get3A_1017 : vector<16xi32>
        %mul3A_1022 = arith.constant 16 : i32
        %mul3A_1023 = arith.muli %scan3A_1004, %mul3A_1022 : i32
        %add3A_1024 = arith.addi %add3A_4, %mul3A_1023 : i32
        %add3A_1025 = vector.broadcast %add3A_1024 : i32 to vector<16xi32>
        %add3A_1026 = arith.addi %add3A_1025, %iota3A : vector<16xi32>
        %select_n3A = arith.select %gt3A_1021, %get3A_1015, %add3A_1026 : vector<16xi1>, vector<16xi32>
        %mul3A_1027 = arith.constant 16 : i32
        %mul3A_1028 = arith.muli %scan3A_1004, %mul3A_1027 : i32
        %swap3A_1029 = arith.constant 2 : i32
        %swap3A_1030 = arith.index_cast %swap3A_1029 : i32 to index
        %swap3A_1031 = arith.index_cast %mul3A_1028 : i32 to index
        %swap3A_1032 = tpu.vector_load %arg9[%swap3A_1030, %swap3A_1031] {strides = array<i32>} : memref<8x128xi32, #tpu.memory_space<vmem>>, vector<16xi32>,
        tpu.vector_store %arg9[%swap3A_1030, %swap3A_1031], %select_n3A {strides = array<i32>} : memref<8x128xi32, #tpu.memory_space<vmem>>, vector<16xi32>,
        %convert_element_type3A_1033 = arith.extui %gt3A_1021 : vector<16xi1> to vector<16xi32>
        %add3A_1034 = arith.addi %scan3A_1005, %convert_element_type3A_1033 : vector<16xi32>
        scf.yield %add3A_1034 : vector<16xi32>
      }
      %scan3A_870 = arith.constant 8 : i32
      %dma_wait3A_871 = arith.constant 3 : i32
      %dma_wait3A_872 = arith.constant 384 : i32
      %dma_wait3A_873 = tpu.memref_slice %arg10[%dma_wait3A_872] : memref<1024xi32, #tpu.memory_space<vmem>> -> memref<128xi32, #tpu.memory_space<vmem>>
      %dma_wait3A_874 = arith.constant 0 : i32
      %dma_wait3A_875 = tpu.memref_slice %arg7[%dma_wait3A_871, %dma_wait3A_874] : memref<8x128xi32, #tpu.memory_space<vmem>> -> memref<1x128xi32, #tpu.memory_space<vmem>>
      %dma_wait3A_876 = tpu.memref_squeeze %dma_wait3A_875 : memref<1x128xi32, #tpu.memory_space<vmem>> -> memref<128xi32, #tpu.memory_space<vmem>>
      %dma_wait3A_877 = arith.constant 0 : i32
      %dma_wait3A_878 = tpu.memref_slice %arg5[%dma_wait3A_877] : memref<102048xi32, #tpu.memory_space<vmem_shared>> -> memref<102048xi32, #tpu.memory_space<vmem_shared>>
      tpu.wait_indirect_dma semaphore(%arg19 : memref<!tpu.dma_semaphore, #tpu.memory_space<semaphore_mem>>) src(%dma_wait3A_878 : memref<102048xi32, #tpu.memory_space<vmem_shared>>) dst(%dma_wait3A_873 : memref<128xi32, #tpu.memory_space<vmem>>)
      %scan3A_879 = arith.constant 0 : i32
      %scan3A_880 = arith.constant 8 : i32
      %scan3A_881 = arith.addi %scan3A_879, %scan3A_880 : i32
      %scan3A_882 = arith.constant 1 : i32
      %scan3A_883 = scf.for %scan3A_1004 = %scan3A_879 to %scan3A_881 step %scan3A_882 iter_args(%scan3A_1005 = %scan3A_869) -> (vector<16xi32>)  : i32 {
        %mul3A_1006 = arith.constant 16 : i32
        %mul3A_1007 = arith.muli %scan3A_1004, %mul3A_1006 : i32
        %add3A_1008 = arith.constant 384 : i32
        %add3A_1009 = arith.addi %add3A_1008, %mul3A_1007 : i32
        %mul3A_1010 = arith.constant 16 : i32
        %mul3A_1011 = arith.muli %scan3A_1004, %mul3A_1010 : i32
        %get3A_1012 = arith.constant 3 : i32
        %get3A_1013 = arith.index_cast %get3A_1012 : i32 to index
        %get3A_1014 = arith.index_cast %mul3A_1011 : i32 to index
        %get3A_1015 = tpu.vector_load %arg7[%get3A_1013, %get3A_1014] {strides = array<i32>} : memref<8x128xi32, #tpu.memory_space<vmem>>, vector<16xi32>,
        %get3A_1016 = arith.index_cast %add3A_1009 : i32 to index
        %get3A_1017 = tpu.vector_load %arg10[%get3A_1016] {strides = array<i32>} : memref<1024xi32, #tpu.memory_space<vmem>>, vector<16xi32>,
        %add3A_1018 = arith.addi %mul3A_6, %add3A_1009 : i32
        %add3A_1019 = vector.broadcast %add3A_1018 : i32 to vector<16xi32>
        %add3A_1020 = arith.addi %add3A_1019, %iota3A : vector<16xi32>
        %gt3A_1021 = arith.cmpi sgt, %add3A_1020, %get3A_1017 : vector<16xi32>
        %mul3A_1022 = arith.constant 16 : i32
        %mul3A_1023 = arith.muli %scan3A_1004, %mul3A_1022 : i32
        %add3A_1024 = arith.addi %add3A_4, %mul3A_1023 : i32
        %add3A_1025 = vector.broadcast %add3A_1024 : i32 to vector<16xi32>
        %add3A_1026 = arith.addi %add3A_1025, %iota3A : vector<16xi32>
        %select_n3A = arith.select %gt3A_1021, %get3A_1015, %add3A_1026 : vector<16xi1>, vector<16xi32>
        %mul3A_1027 = arith.constant 16 : i32
        %mul3A_1028 = arith.muli %scan3A_1004, %mul3A_1027 : i32
        %swap3A_1029 = arith.constant 3 : i32
        %swap3A_1030 = arith.index_cast %swap3A_1029 : i32 to index
        %swap3A_1031 = arith.index_cast %mul3A_1028 : i32 to index
        %swap3A_1032 = tpu.vector_load %arg9[%swap3A_1030, %swap3A_1031] {strides = array<i32>} : memref<8x128xi32, #tpu.memory_space<vmem>>, vector<16xi32>,
        tpu.vector_store %arg9[%swap3A_1030, %swap3A_1031], %select_n3A {strides = array<i32>} : memref<8x128xi32, #tpu.memory_space<vmem>>, vector<16xi32>,
        %convert_element_type3A_1033 = arith.extui %gt3A_1021 : vector<16xi1> to vector<16xi32>
        %add3A_1034 = arith.addi %scan3A_1005, %convert_element_type3A_1033 : vector<16xi32>
        scf.yield %add3A_1034 : vector<16xi32>
      }
      %scan3A_884 = arith.constant 8 : i32
      %dma_wait3A_885 = arith.constant 4 : i32
      %dma_wait3A_886 = arith.constant 512 : i32
      %dma_wait3A_887 = tpu.memref_slice %arg10[%dma_wait3A_886] : memref<1024xi32, #tpu.memory_space<vmem>> -> memref<128xi32, #tpu.memory_space<vmem>>
      %dma_wait3A_888 = arith.constant 0 : i32
      %dma_wait3A_889 = tpu.memref_slice %arg7[%dma_wait3A_885, %dma_wait3A_888] : memref<8x128xi32, #tpu.memory_space<vmem>> -> memref<1x128xi32, #tpu.memory_space<vmem>>
      %dma_wait3A_890 = tpu.memref_squeeze %dma_wait3A_889 : memref<1x128xi32, #tpu.memory_space<vmem>> -> memref<128xi32, #tpu.memory_space<vmem>>
      %dma_wait3A_891 = arith.constant 0 : i32
      %dma_wait3A_892 = tpu.memref_slice %arg5[%dma_wait3A_891] : memref<102048xi32, #tpu.memory_space<vmem_shared>> -> memref<102048xi32, #tpu.memory_space<vmem_shared>>
      tpu.wait_indirect_dma semaphore(%arg19 : memref<!tpu.dma_semaphore, #tpu.memory_space<semaphore_mem>>) src(%dma_wait3A_892 : memref<102048xi32, #tpu.memory_space<vmem_shared>>) dst(%dma_wait3A_887 : memref<128xi32, #tpu.memory_space<vmem>>)
      %scan3A_893 = arith.constant 0 : i32
      %scan3A_894 = arith.constant 8 : i32
      %scan3A_895 = arith.addi %scan3A_893, %scan3A_894 : i32
      %scan3A_896 = arith.constant 1 : i32
      %scan3A_897 = scf.for %scan3A_1004 = %scan3A_893 to %scan3A_895 step %scan3A_896 iter_args(%scan3A_1005 = %scan3A_883) -> (vector<16xi32>)  : i32 {
        %mul3A_1006 = arith.constant 16 : i32
        %mul3A_1007 = arith.muli %scan3A_1004, %mul3A_1006 : i32
        %add3A_1008 = arith.constant 512 : i32
        %add3A_1009 = arith.addi %add3A_1008, %mul3A_1007 : i32
        %mul3A_1010 = arith.constant 16 : i32
        %mul3A_1011 = arith.muli %scan3A_1004, %mul3A_1010 : i32
        %get3A_1012 = arith.constant 4 : i32
        %get3A_1013 = arith.index_cast %get3A_1012 : i32 to index
        %get3A_1014 = arith.index_cast %mul3A_1011 : i32 to index
        %get3A_1015 = tpu.vector_load %arg7[%get3A_1013, %get3A_1014] {strides = array<i32>} : memref<8x128xi32, #tpu.memory_space<vmem>>, vector<16xi32>,
        %get3A_1016 = arith.index_cast %add3A_1009 : i32 to index
        %get3A_1017 = tpu.vector_load %arg10[%get3A_1016] {strides = array<i32>} : memref<1024xi32, #tpu.memory_space<vmem>>, vector<16xi32>,
        %add3A_1018 = arith.addi %mul3A_6, %add3A_1009 : i32
        %add3A_1019 = vector.broadcast %add3A_1018 : i32 to vector<16xi32>
        %add3A_1020 = arith.addi %add3A_1019, %iota3A : vector<16xi32>
        %gt3A_1021 = arith.cmpi sgt, %add3A_1020, %get3A_1017 : vector<16xi32>
        %mul3A_1022 = arith.constant 16 : i32
        %mul3A_1023 = arith.muli %scan3A_1004, %mul3A_1022 : i32
        %add3A_1024 = arith.addi %add3A_4, %mul3A_1023 : i32
        %add3A_1025 = vector.broadcast %add3A_1024 : i32 to vector<16xi32>
        %add3A_1026 = arith.addi %add3A_1025, %iota3A : vector<16xi32>
        %select_n3A = arith.select %gt3A_1021, %get3A_1015, %add3A_1026 : vector<16xi1>, vector<16xi32>
        %mul3A_1027 = arith.constant 16 : i32
        %mul3A_1028 = arith.muli %scan3A_1004, %mul3A_1027 : i32
        %swap3A_1029 = arith.constant 4 : i32
        %swap3A_1030 = arith.index_cast %swap3A_1029 : i32 to index
        %swap3A_1031 = arith.index_cast %mul3A_1028 : i32 to index
        %swap3A_1032 = tpu.vector_load %arg9[%swap3A_1030, %swap3A_1031] {strides = array<i32>} : memref<8x128xi32, #tpu.memory_space<vmem>>, vector<16xi32>,
        tpu.vector_store %arg9[%swap3A_1030, %swap3A_1031], %select_n3A {strides = array<i32>} : memref<8x128xi32, #tpu.memory_space<vmem>>, vector<16xi32>,
        %convert_element_type3A_1033 = arith.extui %gt3A_1021 : vector<16xi1> to vector<16xi32>
        %add3A_1034 = arith.addi %scan3A_1005, %convert_element_type3A_1033 : vector<16xi32>
        scf.yield %add3A_1034 : vector<16xi32>
      }
      %scan3A_898 = arith.constant 8 : i32
      %dma_wait3A_899 = arith.constant 5 : i32
      %dma_wait3A_900 = arith.constant 640 : i32
      %dma_wait3A_901 = tpu.memref_slice %arg10[%dma_wait3A_900] : memref<1024xi32, #tpu.memory_space<vmem>> -> memref<128xi32, #tpu.memory_space<vmem>>
      %dma_wait3A_902 = arith.constant 0 : i32
      %dma_wait3A_903 = tpu.memref_slice %arg7[%dma_wait3A_899, %dma_wait3A_902] : memref<8x128xi32, #tpu.memory_space<vmem>> -> memref<1x128xi32, #tpu.memory_space<vmem>>
      %dma_wait3A_904 = tpu.memref_squeeze %dma_wait3A_903 : memref<1x128xi32, #tpu.memory_space<vmem>> -> memref<128xi32, #tpu.memory_space<vmem>>
      %dma_wait3A_905 = arith.constant 0 : i32
      %dma_wait3A_906 = tpu.memref_slice %arg5[%dma_wait3A_905] : memref<102048xi32, #tpu.memory_space<vmem_shared>> -> memref<102048xi32, #tpu.memory_space<vmem_shared>>
      tpu.wait_indirect_dma semaphore(%arg19 : memref<!tpu.dma_semaphore, #tpu.memory_space<semaphore_mem>>) src(%dma_wait3A_906 : memref<102048xi32, #tpu.memory_space<vmem_shared>>) dst(%dma_wait3A_901 : memref<128xi32, #tpu.memory_space<vmem>>)
      %scan3A_907 = arith.constant 0 : i32
      %scan3A_908 = arith.constant 8 : i32
      %scan3A_909 = arith.addi %scan3A_907, %scan3A_908 : i32
      %scan3A_910 = arith.constant 1 : i32
      %scan3A_911 = scf.for %scan3A_1004 = %scan3A_907 to %scan3A_909 step %scan3A_910 iter_args(%scan3A_1005 = %scan3A_897) -> (vector<16xi32>)  : i32 {
        %mul3A_1006 = arith.constant 16 : i32
        %mul3A_1007 = arith.muli %scan3A_1004, %mul3A_1006 : i32
        %add3A_1008 = arith.constant 640 : i32
        %add3A_1009 = arith.addi %add3A_1008, %mul3A_1007 : i32
        %mul3A_1010 = arith.constant 16 : i32
        %mul3A_1011 = arith.muli %scan3A_1004, %mul3A_1010 : i32
        %get3A_1012 = arith.constant 5 : i32
        %get3A_1013 = arith.index_cast %get3A_1012 : i32 to index
        %get3A_1014 = arith.index_cast %mul3A_1011 : i32 to index
        %get3A_1015 = tpu.vector_load %arg7[%get3A_1013, %get3A_1014] {strides = array<i32>} : memref<8x128xi32, #tpu.memory_space<vmem>>, vector<16xi32>,
        %get3A_1016 = arith.index_cast %add3A_1009 : i32 to index
        %get3A_1017 = tpu.vector_load %arg10[%get3A_1016] {strides = array<i32>} : memref<1024xi32, #tpu.memory_space<vmem>>, vector<16xi32>,
        %add3A_1018 = arith.addi %mul3A_6, %add3A_1009 : i32
        %add3A_1019 = vector.broadcast %add3A_1018 : i32 to vector<16xi32>
        %add3A_1020 = arith.addi %add3A_1019, %iota3A : vector<16xi32>
        %gt3A_1021 = arith.cmpi sgt, %add3A_1020, %get3A_1017 : vector<16xi32>
        %mul3A_1022 = arith.constant 16 : i32
        %mul3A_1023 = arith.muli %scan3A_1004, %mul3A_1022 : i32
        %add3A_1024 = arith.addi %add3A_4, %mul3A_1023 : i32
        %add3A_1025 = vector.broadcast %add3A_1024 : i32 to vector<16xi32>
        %add3A_1026 = arith.addi %add3A_1025, %iota3A : vector<16xi32>
        %select_n3A = arith.select %gt3A_1021, %get3A_1015, %add3A_1026 : vector<16xi1>, vector<16xi32>
        %mul3A_1027 = arith.constant 16 : i32
        %mul3A_1028 = arith.muli %scan3A_1004, %mul3A_1027 : i32
        %swap3A_1029 = arith.constant 5 : i32
        %swap3A_1030 = arith.index_cast %swap3A_1029 : i32 to index
        %swap3A_1031 = arith.index_cast %mul3A_1028 : i32 to index
        %swap3A_1032 = tpu.vector_load %arg9[%swap3A_1030, %swap3A_1031] {strides = array<i32>} : memref<8x128xi32, #tpu.memory_space<vmem>>, vector<16xi32>,
        tpu.vector_store %arg9[%swap3A_1030, %swap3A_1031], %select_n3A {strides = array<i32>} : memref<8x128xi32, #tpu.memory_space<vmem>>, vector<16xi32>,
        %convert_element_type3A_1033 = arith.extui %gt3A_1021 : vector<16xi1> to vector<16xi32>
        %add3A_1034 = arith.addi %scan3A_1005, %convert_element_type3A_1033 : vector<16xi32>
        scf.yield %add3A_1034 : vector<16xi32>
      }
      %scan3A_912 = arith.constant 8 : i32
      %dma_wait3A_913 = arith.constant 6 : i32
      %dma_wait3A_914 = arith.constant 768 : i32
      %dma_wait3A_915 = tpu.memref_slice %arg10[%dma_wait3A_914] : memref<1024xi32, #tpu.memory_space<vmem>> -> memref<128xi32, #tpu.memory_space<vmem>>
      %dma_wait3A_916 = arith.constant 0 : i32
      %dma_wait3A_917 = tpu.memref_slice %arg7[%dma_wait3A_913, %dma_wait3A_916] : memref<8x128xi32, #tpu.memory_space<vmem>> -> memref<1x128xi32, #tpu.memory_space<vmem>>
      %dma_wait3A_918 = tpu.memref_squeeze %dma_wait3A_917 : memref<1x128xi32, #tpu.memory_space<vmem>> -> memref<128xi32, #tpu.memory_space<vmem>>
      %dma_wait3A_919 = arith.constant 0 : i32
      %dma_wait3A_920 = tpu.memref_slice %arg5[%dma_wait3A_919] : memref<102048xi32, #tpu.memory_space<vmem_shared>> -> memref<102048xi32, #tpu.memory_space<vmem_shared>>
      tpu.wait_indirect_dma semaphore(%arg19 : memref<!tpu.dma_semaphore, #tpu.memory_space<semaphore_mem>>) src(%dma_wait3A_920 : memref<102048xi32, #tpu.memory_space<vmem_shared>>) dst(%dma_wait3A_915 : memref<128xi32, #tpu.memory_space<vmem>>)
      %scan3A_921 = arith.constant 0 : i32
      %scan3A_922 = arith.constant 8 : i32
      %scan3A_923 = arith.addi %scan3A_921, %scan3A_922 : i32
      %scan3A_924 = arith.constant 1 : i32
      %scan3A_925 = scf.for %scan3A_1004 = %scan3A_921 to %scan3A_923 step %scan3A_924 iter_args(%scan3A_1005 = %scan3A_911) -> (vector<16xi32>)  : i32 {
        %mul3A_1006 = arith.constant 16 : i32
        %mul3A_1007 = arith.muli %scan3A_1004, %mul3A_1006 : i32
        %add3A_1008 = arith.constant 768 : i32
        %add3A_1009 = arith.addi %add3A_1008, %mul3A_1007 : i32
        %mul3A_1010 = arith.constant 16 : i32
        %mul3A_1011 = arith.muli %scan3A_1004, %mul3A_1010 : i32
        %get3A_1012 = arith.constant 6 : i32
        %get3A_1013 = arith.index_cast %get3A_1012 : i32 to index
        %get3A_1014 = arith.index_cast %mul3A_1011 : i32 to index
        %get3A_1015 = tpu.vector_load %arg7[%get3A_1013, %get3A_1014] {strides = array<i32>} : memref<8x128xi32, #tpu.memory_space<vmem>>, vector<16xi32>,
        %get3A_1016 = arith.index_cast %add3A_1009 : i32 to index
        %get3A_1017 = tpu.vector_load %arg10[%get3A_1016] {strides = array<i32>} : memref<1024xi32, #tpu.memory_space<vmem>>, vector<16xi32>,
        %add3A_1018 = arith.addi %mul3A_6, %add3A_1009 : i32
        %add3A_1019 = vector.broadcast %add3A_1018 : i32 to vector<16xi32>
        %add3A_1020 = arith.addi %add3A_1019, %iota3A : vector<16xi32>
        %gt3A_1021 = arith.cmpi sgt, %add3A_1020, %get3A_1017 : vector<16xi32>
        %mul3A_1022 = arith.constant 16 : i32
        %mul3A_1023 = arith.muli %scan3A_1004, %mul3A_1022 : i32
        %add3A_1024 = arith.addi %add3A_4, %mul3A_1023 : i32
        %add3A_1025 = vector.broadcast %add3A_1024 : i32 to vector<16xi32>
        %add3A_1026 = arith.addi %add3A_1025, %iota3A : vector<16xi32>
        %select_n3A = arith.select %gt3A_1021, %get3A_1015, %add3A_1026 : vector<16xi1>, vector<16xi32>
        %mul3A_1027 = arith.constant 16 : i32
        %mul3A_1028 = arith.muli %scan3A_1004, %mul3A_1027 : i32
        %swap3A_1029 = arith.constant 6 : i32
        %swap3A_1030 = arith.index_cast %swap3A_1029 : i32 to index
        %swap3A_1031 = arith.index_cast %mul3A_1028 : i32 to index
        %swap3A_1032 = tpu.vector_load %arg9[%swap3A_1030, %swap3A_1031] {strides = array<i32>} : memref<8x128xi32, #tpu.memory_space<vmem>>, vector<16xi32>,
        tpu.vector_store %arg9[%swap3A_1030, %swap3A_1031], %select_n3A {strides = array<i32>} : memref<8x128xi32, #tpu.memory_space<vmem>>, vector<16xi32>,
        %convert_element_type3A_1033 = arith.extui %gt3A_1021 : vector<16xi1> to vector<16xi32>
        %add3A_1034 = arith.addi %scan3A_1005, %convert_element_type3A_1033 : vector<16xi32>
        scf.yield %add3A_1034 : vector<16xi32>
      }
      %scan3A_926 = arith.constant 8 : i32
      %dma_wait3A_927 = arith.constant 7 : i32
      %dma_wait3A_928 = arith.constant 896 : i32
      %dma_wait3A_929 = tpu.memref_slice %arg10[%dma_wait3A_928] : memref<1024xi32, #tpu.memory_space<vmem>> -> memref<128xi32, #tpu.memory_space<vmem>>
      %dma_wait3A_930 = arith.constant 0 : i32
      %dma_wait3A_931 = tpu.memref_slice %arg7[%dma_wait3A_927, %dma_wait3A_930] : memref<8x128xi32, #tpu.memory_space<vmem>> -> memref<1x128xi32, #tpu.memory_space<vmem>>
      %dma_wait3A_932 = tpu.memref_squeeze %dma_wait3A_931 : memref<1x128xi32, #tpu.memory_space<vmem>> -> memref<128xi32, #tpu.memory_space<vmem>>
      %dma_wait3A_933 = arith.constant 0 : i32
      %dma_wait3A_934 = tpu.memref_slice %arg5[%dma_wait3A_933] : memref<102048xi32, #tpu.memory_space<vmem_shared>> -> memref<102048xi32, #tpu.memory_space<vmem_shared>>
      tpu.wait_indirect_dma semaphore(%arg19 : memref<!tpu.dma_semaphore, #tpu.memory_space<semaphore_mem>>) src(%dma_wait3A_934 : memref<102048xi32, #tpu.memory_space<vmem_shared>>) dst(%dma_wait3A_929 : memref<128xi32, #tpu.memory_space<vmem>>)
      %scan3A_935 = arith.constant 0 : i32
      %scan3A_936 = arith.constant 8 : i32
      %scan3A_937 = arith.addi %scan3A_935, %scan3A_936 : i32
      %scan3A_938 = arith.constant 1 : i32
      %scan3A_939 = scf.for %scan3A_1004 = %scan3A_935 to %scan3A_937 step %scan3A_938 iter_args(%scan3A_1005 = %scan3A_925) -> (vector<16xi32>)  : i32 {
        %mul3A_1006 = arith.constant 16 : i32
        %mul3A_1007 = arith.muli %scan3A_1004, %mul3A_1006 : i32
        %add3A_1008 = arith.constant 896 : i32
        %add3A_1009 = arith.addi %add3A_1008, %mul3A_1007 : i32
        %mul3A_1010 = arith.constant 16 : i32
        %mul3A_1011 = arith.muli %scan3A_1004, %mul3A_1010 : i32
        %get3A_1012 = arith.constant 7 : i32
        %get3A_1013 = arith.index_cast %get3A_1012 : i32 to index
        %get3A_1014 = arith.index_cast %mul3A_1011 : i32 to index
        %get3A_1015 = tpu.vector_load %arg7[%get3A_1013, %get3A_1014] {strides = array<i32>} : memref<8x128xi32, #tpu.memory_space<vmem>>, vector<16xi32>,
        %get3A_1016 = arith.index_cast %add3A_1009 : i32 to index
        %get3A_1017 = tpu.vector_load %arg10[%get3A_1016] {strides = array<i32>} : memref<1024xi32, #tpu.memory_space<vmem>>, vector<16xi32>,
        %add3A_1018 = arith.addi %mul3A_6, %add3A_1009 : i32
        %add3A_1019 = vector.broadcast %add3A_1018 : i32 to vector<16xi32>
        %add3A_1020 = arith.addi %add3A_1019, %iota3A : vector<16xi32>
        %gt3A_1021 = arith.cmpi sgt, %add3A_1020, %get3A_1017 : vector<16xi32>
        %mul3A_1022 = arith.constant 16 : i32
        %mul3A_1023 = arith.muli %scan3A_1004, %mul3A_1022 : i32
        %add3A_1024 = arith.addi %add3A_4, %mul3A_1023 : i32
        %add3A_1025 = vector.broadcast %add3A_1024 : i32 to vector<16xi32>
        %add3A_1026 = arith.addi %add3A_1025, %iota3A : vector<16xi32>
        %select_n3A = arith.select %gt3A_1021, %get3A_1015, %add3A_1026 : vector<16xi1>, vector<16xi32>
        %mul3A_1027 = arith.constant 16 : i32
        %mul3A_1028 = arith.muli %scan3A_1004, %mul3A_1027 : i32
        %swap3A_1029 = arith.constant 7 : i32
        %swap3A_1030 = arith.index_cast %swap3A_1029 : i32 to index
        %swap3A_1031 = arith.index_cast %mul3A_1028 : i32 to index
        %swap3A_1032 = tpu.vector_load %arg9[%swap3A_1030, %swap3A_1031] {strides = array<i32>} : memref<8x128xi32, #tpu.memory_space<vmem>>, vector<16xi32>,
        tpu.vector_store %arg9[%swap3A_1030, %swap3A_1031], %select_n3A {strides = array<i32>} : memref<8x128xi32, #tpu.memory_space<vmem>>, vector<16xi32>,
        %convert_element_type3A_1033 = arith.extui %gt3A_1021 : vector<16xi1> to vector<16xi32>
        %add3A_1034 = arith.addi %scan3A_1005, %convert_element_type3A_1033 : vector<16xi32>
        scf.yield %add3A_1034 : vector<16xi32>
      }
      %scan3A_940 = arith.constant 8 : i32
      %reduce_sum3A = arith.constant true
      %reduce_sum3A_941 = vector.broadcast %reduce_sum3A : i1 to vector<16xi1>
      %reduce_sum3A_942 = tpu.scan <sum>, %scan3A_939 masked %reduce_sum3A_941 : vector<16xi32>, vector<16xi1> -> vector<16xi32>
      %reduce_sum3A_943 = vector.extract %reduce_sum3A_942[15] : i32 from vector<16xi32>
      %broadcast_in_dim3A_944 = vector.broadcast %reduce_sum3A_943 : i32 to vector<16xi32>
      %swap3A_945 = arith.constant 0 : index
      %swap3A_946 = tpu.vector_load %arg11[%swap3A_945] {strides = array<i32>} : memref<16xi32, #tpu.memory_space<vmem>>, vector<16xi32>,
      tpu.vector_store %arg11[%swap3A_945], %broadcast_in_dim3A_944 {strides = array<i32>} : memref<16xi32, #tpu.memory_space<vmem>>, vector<16xi32>,
      %mul3A_947 = arith.constant 16 : i32
      %mul3A_948 = arith.muli %arg1, %mul3A_947 : i32
      "tpu.region"() ({
        %run_scoped3A = tpu.sem_alloc : memref<!tpu.dma_semaphore, #tpu.memory_space<semaphore_mem>>
        %dma_start3A_1004 = tpu.memref_slice %arg6[%mul3A_948] : memref<256xi32, #tpu.memory_space<vmem_shared>> -> memref<16xi32, #tpu.memory_space<vmem_shared>>
        %dma_start3A_1005 = tpu.memref_slice %arg6[%mul3A_948] : memref<256xi32, #tpu.memory_space<vmem_shared>> -> memref<16xi32, #tpu.memory_space<vmem_shared>>
        tpu.enqueue_dma source(%arg11 : memref<16xi32, #tpu.memory_space<vmem>>) target(%dma_start3A_1005 : memref<16xi32, #tpu.memory_space<vmem_shared>>) target_semaphore(%run_scoped3A : memref<!tpu.dma_semaphore, #tpu.memory_space<semaphore_mem>>)
        %dma_wait3A_1006 = tpu.memref_slice %arg6[%mul3A_948] : memref<256xi32, #tpu.memory_space<vmem_shared>> -> memref<16xi32, #tpu.memory_space<vmem_shared>>
        %dma_wait3A_1007 = tpu.memref_slice %arg6[%mul3A_948] : memref<256xi32, #tpu.memory_space<vmem_shared>> -> memref<16xi32, #tpu.memory_space<vmem_shared>>
        tpu.wait_dma2 semaphore(%run_scoped3A : memref<!tpu.dma_semaphore, #tpu.memory_space<semaphore_mem>>) src(%arg11 : memref<16xi32, #tpu.memory_space<vmem>>) dst(%dma_wait3A_1007 : memref<16xi32, #tpu.memory_space<vmem_shared>>)
        tpu.yield
      }) : () -> ()
      %barrier3A_949 = arith.constant 0 : index
      tpu.barrier barrier_id(%barrier3A_949)
      "tpu.region"() ({
        %run_scoped3A = tpu.sem_alloc : memref<!tpu.dma_semaphore, #tpu.memory_space<semaphore_mem>>
        tpu.enqueue_dma source(%arg6 : memref<256xi32, #tpu.memory_space<vmem_shared>>) target(%arg12 : memref<256xi32, #tpu.memory_space<vmem>>) target_semaphore(%run_scoped3A : memref<!tpu.dma_semaphore, #tpu.memory_space<semaphore_mem>>)
        tpu.wait_dma2 semaphore(%run_scoped3A : memref<!tpu.dma_semaphore, #tpu.memory_space<semaphore_mem>>) src(%arg6 : memref<256xi32, #tpu.memory_space<vmem_shared>>) dst(%arg12 : memref<256xi32, #tpu.memory_space<vmem>>)
        tpu.yield
      }) : () -> ()
      %broadcast_in_dim3A_950 = arith.constant 0 : i32
      %broadcast_in_dim3A_951 = vector.broadcast %broadcast_in_dim3A_950 : i32 to vector<16xi32>
      %get3A_952 = arith.constant 0 : index
      %get3A_953 = tpu.vector_load %arg12[%get3A_952] {strides = array<i32>} : memref<256xi32, #tpu.memory_space<vmem>>, vector<16xi32>,
      %add3A_954 = arith.addi %broadcast_in_dim3A_951, %get3A_953 : vector<16xi32>
      %get3A_955 = arith.constant 16 : index
      %get3A_956 = tpu.vector_load %arg12[%get3A_955] {strides = array<i32>} : memref<256xi32, #tpu.memory_space<vmem>>, vector<16xi32>,
      %add3A_957 = arith.addi %add3A_954, %get3A_956 : vector<16xi32>
      %get3A_958 = arith.constant 32 : index
      %get3A_959 = tpu.vector_load %arg12[%get3A_958] {strides = array<i32>} : memref<256xi32, #tpu.memory_space<vmem>>, vector<16xi32>,
      %add3A_960 = arith.addi %add3A_957, %get3A_959 : vector<16xi32>
      %get3A_961 = arith.constant 48 : index
      %get3A_962 = tpu.vector_load %arg12[%get3A_961] {strides = array<i32>} : memref<256xi32, #tpu.memory_space<vmem>>, vector<16xi32>,
      %add3A_963 = arith.addi %add3A_960, %get3A_962 : vector<16xi32>
      %get3A_964 = arith.constant 64 : index
      %get3A_965 = tpu.vector_load %arg12[%get3A_964] {strides = array<i32>} : memref<256xi32, #tpu.memory_space<vmem>>, vector<16xi32>,
      %add3A_966 = arith.addi %add3A_963, %get3A_965 : vector<16xi32>
      %get3A_967 = arith.constant 80 : index
      %get3A_968 = tpu.vector_load %arg12[%get3A_967] {strides = array<i32>} : memref<256xi32, #tpu.memory_space<vmem>>, vector<16xi32>,
      %add3A_969 = arith.addi %add3A_966, %get3A_968 : vector<16xi32>
      %get3A_970 = arith.constant 96 : index
      %get3A_971 = tpu.vector_load %arg12[%get3A_970] {strides = array<i32>} : memref<256xi32, #tpu.memory_space<vmem>>, vector<16xi32>,
      %add3A_972 = arith.addi %add3A_969, %get3A_971 : vector<16xi32>
      %get3A_973 = arith.constant 112 : index
      %get3A_974 = tpu.vector_load %arg12[%get3A_973] {strides = array<i32>} : memref<256xi32, #tpu.memory_space<vmem>>, vector<16xi32>,
      %add3A_975 = arith.addi %add3A_972, %get3A_974 : vector<16xi32>
      %get3A_976 = arith.constant 128 : index
      %get3A_977 = tpu.vector_load %arg12[%get3A_976] {strides = array<i32>} : memref<256xi32, #tpu.memory_space<vmem>>, vector<16xi32>,
      %add3A_978 = arith.addi %add3A_975, %get3A_977 : vector<16xi32>
      %get3A_979 = arith.constant 144 : index
      %get3A_980 = tpu.vector_load %arg12[%get3A_979] {strides = array<i32>} : memref<256xi32, #tpu.memory_space<vmem>>, vector<16xi32>,
      %add3A_981 = arith.addi %add3A_978, %get3A_980 : vector<16xi32>
      %get3A_982 = arith.constant 160 : index
      %get3A_983 = tpu.vector_load %arg12[%get3A_982] {strides = array<i32>} : memref<256xi32, #tpu.memory_space<vmem>>, vector<16xi32>,
      %add3A_984 = arith.addi %add3A_981, %get3A_983 : vector<16xi32>
      %get3A_985 = arith.constant 176 : index
      %get3A_986 = tpu.vector_load %arg12[%get3A_985] {strides = array<i32>} : memref<256xi32, #tpu.memory_space<vmem>>, vector<16xi32>,
      %add3A_987 = arith.addi %add3A_984, %get3A_986 : vector<16xi32>
      %get3A_988 = arith.constant 192 : index
      %get3A_989 = tpu.vector_load %arg12[%get3A_988] {strides = array<i32>} : memref<256xi32, #tpu.memory_space<vmem>>, vector<16xi32>,
      %add3A_990 = arith.addi %add3A_987, %get3A_989 : vector<16xi32>
      %get3A_991 = arith.constant 208 : index
      %get3A_992 = tpu.vector_load %arg12[%get3A_991] {strides = array<i32>} : memref<256xi32, #tpu.memory_space<vmem>>, vector<16xi32>,
      %add3A_993 = arith.addi %add3A_990, %get3A_992 : vector<16xi32>
      %get3A_994 = arith.constant 224 : index
      %get3A_995 = tpu.vector_load %arg12[%get3A_994] {strides = array<i32>} : memref<256xi32, #tpu.memory_space<vmem>>, vector<16xi32>,
      %add3A_996 = arith.addi %add3A_993, %get3A_995 : vector<16xi32>
      %get3A_997 = arith.constant 240 : index
      %get3A_998 = tpu.vector_load %arg12[%get3A_997] {strides = array<i32>} : memref<256xi32, #tpu.memory_space<vmem>>, vector<16xi32>,
      %add3A_999 = arith.addi %add3A_996, %get3A_998 : vector<16xi32>
      %reduce_sum3A_1000 = arith.constant true
      %reduce_sum3A_1001 = vector.broadcast %reduce_sum3A_1000 : i1 to vector<16xi1>
      %reduce_sum3A_1002 = tpu.scan <sum>, %add3A_999 masked %reduce_sum3A_1001 : vector<16xi32>, vector<16xi1> -> vector<16xi32>
      %reduce_sum3A_1003 = vector.extract %reduce_sum3A_1002[15] : i32 from vector<16xi32>
      scf.yield %reduce_sum3A_1003 : i32
    }
    %mul3A_93 = arith.constant 512 : i32
    %mul3A_94 = arith.muli %arg0, %mul3A_93 : i32
    %dma_wait3A_95 = arith.constant 0 : i32
    %dma_wait3A_96 = arith.constant 0 : i32
    %dma_wait3A_97 = tpu.memref_slice %arg13[%dma_wait3A_95, %dma_wait3A_96] : memref<512x128xf32, #tpu.memory_space<vmem>> -> memref<128x128xf32, #tpu.memory_space<vmem>>
    %dma_wait3A_98 = arith.constant 0 : i32
    %dma_wait3A_99 = tpu.memref_slice %arg3[%add3A_10, %dma_wait3A_98] : memref<16384x128xf32, #tpu.memory_space<hbm>> -> memref<128x128xf32, #tpu.memory_space<hbm>>
    %dma_wait3A_100 = arith.constant 0 : i32
    %dma_wait3A_101 = arith.constant 0 : i32
    %dma_wait3A_102 = tpu.memref_slice %arg13[%dma_wait3A_100, %dma_wait3A_101] : memref<512x128xf32, #tpu.memory_space<vmem>> -> memref<128x128xf32, #tpu.memory_space<vmem>>
    %dma_wait3A_103 = arith.constant 0 : i32
    %dma_wait3A_104 = tpu.memref_slice %arg3[%add3A_10, %dma_wait3A_103] : memref<16384x128xf32, #tpu.memory_space<hbm>> -> memref<128x128xf32, #tpu.memory_space<hbm>>
    tpu.wait_dma2 semaphore(%arg20 : memref<!tpu.dma_semaphore, #tpu.memory_space<semaphore_mem>>) src(%dma_wait3A_104 : memref<128x128xf32, #tpu.memory_space<hbm>>) dst(%dma_wait3A_102 : memref<128x128xf32, #tpu.memory_space<vmem>>)
    %add3A_105 = arith.constant 0 : i32
    %add3A_106 = arith.addi %mul3A_8, %add3A_105 : i32
    %dma_start3A_107 = arith.constant 0 : i32
    %dma_start3A_108 = arith.constant 0 : i32
    %dma_start3A_109 = tpu.memref_slice %arg13[%dma_start3A_107, %dma_start3A_108] : memref<512x128xf32, #tpu.memory_space<vmem>> -> memref<128x128xf32, #tpu.memory_space<vmem>>
    %dma_start3A_110 = arith.constant 0 : i32
    %dma_start3A_111 = tpu.memref_slice %arg4[%add3A_106, %dma_start3A_110] : memref<16384x128xf32, #tpu.memory_space<hbm>> -> memref<128x128xf32, #tpu.memory_space<hbm>>
    %dma_start3A_112 = arith.constant 0 : i32
    %dma_start3A_113 = tpu.memref_slice %arg4[%add3A_106, %dma_start3A_112] : memref<16384x128xf32, #tpu.memory_space<hbm>> -> memref<128x128xf32, #tpu.memory_space<hbm>>
    %dma_start3A_114 = arith.constant 0 : i32
    %dma_start3A_115 = arith.constant 0 : i32
    %dma_start3A_116 = tpu.memref_slice %arg13[%dma_start3A_114, %dma_start3A_115] : memref<512x128xf32, #tpu.memory_space<vmem>> -> memref<128x128xf32, #tpu.memory_space<vmem>>
    tpu.enqueue_dma source(%dma_start3A_116 : memref<128x128xf32, #tpu.memory_space<vmem>>) target(%dma_start3A_113 : memref<128x128xf32, #tpu.memory_space<hbm>>) target_semaphore(%arg20 : memref<!tpu.dma_semaphore, #tpu.memory_space<semaphore_mem>>)
    %dma_wait3A_117 = arith.constant 128 : i32
    %dma_wait3A_118 = arith.constant 0 : i32
    %dma_wait3A_119 = tpu.memref_slice %arg13[%dma_wait3A_117, %dma_wait3A_118] : memref<512x128xf32, #tpu.memory_space<vmem>> -> memref<128x128xf32, #tpu.memory_space<vmem>>
    %dma_wait3A_120 = arith.constant 0 : i32
    %dma_wait3A_121 = tpu.memref_slice %arg3[%add3A_21, %dma_wait3A_120] : memref<16384x128xf32, #tpu.memory_space<hbm>> -> memref<128x128xf32, #tpu.memory_space<hbm>>
    %dma_wait3A_122 = arith.constant 128 : i32
    %dma_wait3A_123 = arith.constant 0 : i32
    %dma_wait3A_124 = tpu.memref_slice %arg13[%dma_wait3A_122, %dma_wait3A_123] : memref<512x128xf32, #tpu.memory_space<vmem>> -> memref<128x128xf32, #tpu.memory_space<vmem>>
    %dma_wait3A_125 = arith.constant 0 : i32
    %dma_wait3A_126 = tpu.memref_slice %arg3[%add3A_21, %dma_wait3A_125] : memref<16384x128xf32, #tpu.memory_space<hbm>> -> memref<128x128xf32, #tpu.memory_space<hbm>>
    tpu.wait_dma2 semaphore(%arg20 : memref<!tpu.dma_semaphore, #tpu.memory_space<semaphore_mem>>) src(%dma_wait3A_126 : memref<128x128xf32, #tpu.memory_space<hbm>>) dst(%dma_wait3A_124 : memref<128x128xf32, #tpu.memory_space<vmem>>)
    %add3A_127 = arith.constant 128 : i32
    %add3A_128 = arith.addi %mul3A_8, %add3A_127 : i32
    %dma_start3A_129 = arith.constant 128 : i32
    %dma_start3A_130 = arith.constant 0 : i32
    %dma_start3A_131 = tpu.memref_slice %arg13[%dma_start3A_129, %dma_start3A_130] : memref<512x128xf32, #tpu.memory_space<vmem>> -> memref<128x128xf32, #tpu.memory_space<vmem>>
    %dma_start3A_132 = arith.constant 0 : i32
    %dma_start3A_133 = tpu.memref_slice %arg4[%add3A_128, %dma_start3A_132] : memref<16384x128xf32, #tpu.memory_space<hbm>> -> memref<128x128xf32, #tpu.memory_space<hbm>>
    %dma_start3A_134 = arith.constant 0 : i32
    %dma_start3A_135 = tpu.memref_slice %arg4[%add3A_128, %dma_start3A_134] : memref<16384x128xf32, #tpu.memory_space<hbm>> -> memref<128x128xf32, #tpu.memory_space<hbm>>
    %dma_start3A_136 = arith.constant 128 : i32
    %dma_start3A_137 = arith.constant 0 : i32
    %dma_start3A_138 = tpu.memref_slice %arg13[%dma_start3A_136, %dma_start3A_137] : memref<512x128xf32, #tpu.memory_space<vmem>> -> memref<128x128xf32, #tpu.memory_space<vmem>>
    tpu.enqueue_dma source(%dma_start3A_138 : memref<128x128xf32, #tpu.memory_space<vmem>>) target(%dma_start3A_135 : memref<128x128xf32, #tpu.memory_space<hbm>>) target_semaphore(%arg20 : memref<!tpu.dma_semaphore, #tpu.memory_space<semaphore_mem>>)
    %dma_wait3A_139 = arith.constant 256 : i32
    %dma_wait3A_140 = arith.constant 0 : i32
    %dma_wait3A_141 = tpu.memref_slice %arg13[%dma_wait3A_139, %dma_wait3A_140] : memref<512x128xf32, #tpu.memory_space<vmem>> -> memref<128x128xf32, #tpu.memory_space<vmem>>
    %dma_wait3A_142 = arith.constant 0 : i32
    %dma_wait3A_143 = tpu.memref_slice %arg3[%add3A_33, %dma_wait3A_142] : memref<16384x128xf32, #tpu.memory_space<hbm>> -> memref<128x128xf32, #tpu.memory_space<hbm>>
    %dma_wait3A_144 = arith.constant 256 : i32
    %dma_wait3A_145 = arith.constant 0 : i32
    %dma_wait3A_146 = tpu.memref_slice %arg13[%dma_wait3A_144, %dma_wait3A_145] : memref<512x128xf32, #tpu.memory_space<vmem>> -> memref<128x128xf32, #tpu.memory_space<vmem>>
    %dma_wait3A_147 = arith.constant 0 : i32
    %dma_wait3A_148 = tpu.memref_slice %arg3[%add3A_33, %dma_wait3A_147] : memref<16384x128xf32, #tpu.memory_space<hbm>> -> memref<128x128xf32, #tpu.memory_space<hbm>>
    tpu.wait_dma2 semaphore(%arg20 : memref<!tpu.dma_semaphore, #tpu.memory_space<semaphore_mem>>) src(%dma_wait3A_148 : memref<128x128xf32, #tpu.memory_space<hbm>>) dst(%dma_wait3A_146 : memref<128x128xf32, #tpu.memory_space<vmem>>)
    %add3A_149 = arith.constant 256 : i32
    %add3A_150 = arith.addi %mul3A_8, %add3A_149 : i32
    %dma_start3A_151 = arith.constant 256 : i32
    %dma_start3A_152 = arith.constant 0 : i32
    %dma_start3A_153 = tpu.memref_slice %arg13[%dma_start3A_151, %dma_start3A_152] : memref<512x128xf32, #tpu.memory_space<vmem>> -> memref<128x128xf32, #tpu.memory_space<vmem>>
    %dma_start3A_154 = arith.constant 0 : i32
    %dma_start3A_155 = tpu.memref_slice %arg4[%add3A_150, %dma_start3A_154] : memref<16384x128xf32, #tpu.memory_space<hbm>> -> memref<128x128xf32, #tpu.memory_space<hbm>>
    %dma_start3A_156 = arith.constant 0 : i32
    %dma_start3A_157 = tpu.memref_slice %arg4[%add3A_150, %dma_start3A_156] : memref<16384x128xf32, #tpu.memory_space<hbm>> -> memref<128x128xf32, #tpu.memory_space<hbm>>
    %dma_start3A_158 = arith.constant 256 : i32
    %dma_start3A_159 = arith.constant 0 : i32
    %dma_start3A_160 = tpu.memref_slice %arg13[%dma_start3A_158, %dma_start3A_159] : memref<512x128xf32, #tpu.memory_space<vmem>> -> memref<128x128xf32, #tpu.memory_space<vmem>>
    tpu.enqueue_dma source(%dma_start3A_160 : memref<128x128xf32, #tpu.memory_space<vmem>>) target(%dma_start3A_157 : memref<128x128xf32, #tpu.memory_space<hbm>>) target_semaphore(%arg20 : memref<!tpu.dma_semaphore, #tpu.memory_space<semaphore_mem>>)
    %dma_wait3A_161 = arith.constant 384 : i32
    %dma_wait3A_162 = arith.constant 0 : i32
    %dma_wait3A_163 = tpu.memref_slice %arg13[%dma_wait3A_161, %dma_wait3A_162] : memref<512x128xf32, #tpu.memory_space<vmem>> -> memref<128x128xf32, #tpu.memory_space<vmem>>
    %dma_wait3A_164 = arith.constant 0 : i32
    %dma_wait3A_165 = tpu.memref_slice %arg3[%add3A_45, %dma_wait3A_164] : memref<16384x128xf32, #tpu.memory_space<hbm>> -> memref<128x128xf32, #tpu.memory_space<hbm>>
    %dma_wait3A_166 = arith.constant 384 : i32
    %dma_wait3A_167 = arith.constant 0 : i32
    %dma_wait3A_168 = tpu.memref_slice %arg13[%dma_wait3A_166, %dma_wait3A_167] : memref<512x128xf32, #tpu.memory_space<vmem>> -> memref<128x128xf32, #tpu.memory_space<vmem>>
    %dma_wait3A_169 = arith.constant 0 : i32
    %dma_wait3A_170 = tpu.memref_slice %arg3[%add3A_45, %dma_wait3A_169] : memref<16384x128xf32, #tpu.memory_space<hbm>> -> memref<128x128xf32, #tpu.memory_space<hbm>>
    tpu.wait_dma2 semaphore(%arg20 : memref<!tpu.dma_semaphore, #tpu.memory_space<semaphore_mem>>) src(%dma_wait3A_170 : memref<128x128xf32, #tpu.memory_space<hbm>>) dst(%dma_wait3A_168 : memref<128x128xf32, #tpu.memory_space<vmem>>)
    %add3A_171 = arith.constant 384 : i32
    %add3A_172 = arith.addi %mul3A_8, %add3A_171 : i32
    %dma_start3A_173 = arith.constant 384 : i32
    %dma_start3A_174 = arith.constant 0 : i32
    %dma_start3A_175 = tpu.memref_slice %arg13[%dma_start3A_173, %dma_start3A_174] : memref<512x128xf32, #tpu.memory_space<vmem>> -> memref<128x128xf32, #tpu.memory_space<vmem>>
    %dma_start3A_176 = arith.constant 0 : i32
    %dma_start3A_177 = tpu.memref_slice %arg4[%add3A_172, %dma_start3A_176] : memref<16384x128xf32, #tpu.memory_space<hbm>> -> memref<128x128xf32, #tpu.memory_space<hbm>>
    %dma_start3A_178 = arith.constant 0 : i32
    %dma_start3A_179 = tpu.memref_slice %arg4[%add3A_172, %dma_start3A_178] : memref<16384x128xf32, #tpu.memory_space<hbm>> -> memref<128x128xf32, #tpu.memory_space<hbm>>
    %dma_start3A_180 = arith.constant 384 : i32
    %dma_start3A_181 = arith.constant 0 : i32
    %dma_start3A_182 = tpu.memref_slice %arg13[%dma_start3A_180, %dma_start3A_181] : memref<512x128xf32, #tpu.memory_space<vmem>> -> memref<128x128xf32, #tpu.memory_space<vmem>>
    tpu.enqueue_dma source(%dma_start3A_182 : memref<128x128xf32, #tpu.memory_space<vmem>>) target(%dma_start3A_179 : memref<128x128xf32, #tpu.memory_space<hbm>>) target_semaphore(%arg20 : memref<!tpu.dma_semaphore, #tpu.memory_space<semaphore_mem>>)
    %scan3A_183 = arith.constant 0 : i32
    %scan3A_184 = arith.constant 0 : i32
    %scan3A_185 = arith.constant 34 : i32
    %scan3A_186 = arith.addi %scan3A_184, %scan3A_185 : i32
    %scan3A_187 = arith.constant 1 : i32
    scf.for %scan3A_635 = %scan3A_184 to %scan3A_186 step %scan3A_187  : i32 {
      %mul3A_636 = arith.constant 16 : i32
      %mul3A_637 = arith.muli %scan3A_635, %mul3A_636 : i32
      %jit3A = arith.constant 32 : i32
      %div3A = arith.divsi %scan3A_635, %jit3A : i32
      %sign3A = arith.constant 0 : i32
      %sign3A_638 = arith.cmpi sgt, %scan3A_635, %sign3A : i32
      %sign3A_639 = arith.extui %sign3A_638 : i1 to i32
      %sign3A_640 = arith.constant 0 : i32
      %sign3A_641 = arith.cmpi slt, %scan3A_635, %sign3A_640 : i32
      %sign3A_642 = arith.extui %sign3A_641 : i1 to i32
      %sign3A_643 = arith.subi %sign3A_639, %sign3A_642 : i32
      %sign3A_644 = arith.constant 0 : i32
      %sign3A_645 = arith.cmpi sgt, %jit3A, %sign3A_644 : i32
      %sign3A_646 = arith.extui %sign3A_645 : i1 to i32
      %sign3A_647 = arith.constant 0 : i32
      %sign3A_648 = arith.cmpi slt, %jit3A, %sign3A_647 : i32
      %sign3A_649 = arith.extui %sign3A_648 : i1 to i32
      %sign3A_650 = arith.subi %sign3A_646, %sign3A_649 : i32
      %ne3A = arith.cmpi ne, %sign3A_643, %sign3A_650 : i32
      %rem3A = arith.remsi %scan3A_635, %jit3A : i32
      %ne3A_651 = arith.constant 0 : i32
      %ne3A_652 = arith.cmpi ne, %rem3A, %ne3A_651 : i32
      %and3A = arith.andi %ne3A, %ne3A_652 : i1
      %sub3A = arith.constant 1 : i32
      %sub3A_653 = arith.subi %div3A, %sub3A : i32
      %select_n3A = arith.select %and3A, %sub3A_653, %div3A : i32
      %mul3A_654 = arith.constant 512 : i32
      %mul3A_655 = arith.muli %select_n3A, %mul3A_654 : i32
      %sub3A_656 = arith.subi %mul3A_637, %mul3A_655 : i32
      %add3A_657 = arith.addi %mul3A_8, %sub3A_656 : i32
      %add3A_658 = vector.broadcast %add3A_657 : i32 to vector<16xi32>
      %add3A_659 = arith.addi %add3A_658, %iota3A : vector<16xi32>
      %mul3A_660 = arith.constant 16 : i32
      %mul3A_661 = arith.muli %scan3A_635, %mul3A_660 : i32
      %swap3A_662 = arith.index_cast %mul3A_661 : i32 to index
      %swap3A_663 = tpu.vector_load %arg14[%swap3A_662] {strides = array<i32>} : memref<544xi32, #tpu.memory_space<vmem>>, vector<16xi32>,
      tpu.vector_store %arg14[%swap3A_662], %add3A_659 {strides = array<i32>} : memref<544xi32, #tpu.memory_space<vmem>>, vector<16xi32>,
      %add3A_664 = arith.addi %mul3A_94, %sub3A_656 : i32
      %get3A_665 = arith.index_cast %add3A_664 : i32 to index
      %get3A_666 = tpu.vector_load %arg10[%get3A_665] {strides = array<i32>} : memref<1024xi32, #tpu.memory_space<vmem>>, vector<16xi32>,
      %mul3A_667 = arith.constant 16 : i32
      %mul3A_668 = arith.muli %scan3A_635, %mul3A_667 : i32
      %swap3A_669 = arith.index_cast %mul3A_668 : i32 to index
      %swap3A_670 = tpu.vector_load %arg15[%swap3A_669] {strides = array<i32>} : memref<544xi32, #tpu.memory_space<vmem>>, vector<16xi32>,
      tpu.vector_store %arg15[%swap3A_669], %get3A_666 {strides = array<i32>} : memref<544xi32, #tpu.memory_space<vmem>>, vector<16xi32>,
    }
    %scan3A_188 = arith.constant 34 : i32
    %scan3A_189 = arith.constant 0 : i32
    %scan3A_190 = arith.constant 0 : i32
    %scan3A_191 = arith.constant 32 : i32
    %scan3A_192 = arith.addi %scan3A_190, %scan3A_191 : i32
    %scan3A_193 = arith.constant 1 : i32
    %scan3A_194 = scf.for %scan3A_635 = %scan3A_190 to %scan3A_192 step %scan3A_193 iter_args(%scan3A_636 = %scan3A_189) -> (i32)  : i32 {
      %mul3A_637 = arith.constant 16 : i32
      %mul3A_638 = arith.muli %scan3A_635, %mul3A_637 : i32
      %add3A_639 = arith.addi %mul3A_94, %mul3A_638 : i32
      %mul3A_640 = arith.constant 16 : i32
      %mul3A_641 = arith.muli %scan3A_635, %mul3A_640 : i32
      %add3A_642 = arith.addi %mul3A_8, %mul3A_641 : i32
      %add3A_643 = vector.broadcast %add3A_642 : i32 to vector<16xi32>
      %add3A_644 = arith.addi %add3A_643, %iota3A : vector<16xi32>
      %get3A_645 = arith.index_cast %add3A_639 : i32 to index
      %get3A_646 = tpu.vector_load %arg10[%get3A_645] {strides = array<i32>} : memref<1024xi32, #tpu.memory_space<vmem>>, vector<16xi32>,
      %ne3A = arith.cmpi ne, %get3A_646, %add3A_644 : vector<16xi32>
      %swap3A_647 = arith.index_cast %scan3A_636 : i32 to index
      %swap3A_648 = tpu.vector_load %arg14[%swap3A_647] masked %ne3A {strides = array<i32>} : memref<544xi32, #tpu.memory_space<vmem>>, vector<16xi32>, vector<16xi1>
      tpu.vector_store %arg14[%swap3A_647], %add3A_644 masked %ne3A {strides = array<i32>} : memref<544xi32, #tpu.memory_space<vmem>>, vector<16xi32>, vector<16xi1>
      %swap3A_649 = arith.index_cast %scan3A_636 : i32 to index
      %swap3A_650 = tpu.vector_load %arg15[%swap3A_649] masked %ne3A {strides = array<i32>} : memref<544xi32, #tpu.memory_space<vmem>>, vector<16xi32>, vector<16xi1>
      tpu.vector_store %arg15[%swap3A_649], %get3A_646 masked %ne3A {strides = array<i32>} : memref<544xi32, #tpu.memory_space<vmem>>, vector<16xi32>, vector<16xi1>
      %all_reduce_population_count3A = tpu.all_reduce %ne3A {dim = 0 : i64, kind = #tpu.reduction_kind<sum>} : vector<16xi1> -> vector<16xi32>
      %reduce_max3A = arith.constant true
      %reduce_max3A_651 = vector.broadcast %reduce_max3A : i1 to vector<16xi1>
      %reduce_max3A_652 = arith.constant -2147483648 : i32
      %reduce_max3A_653 = vector.broadcast %reduce_max3A_652 : i32 to vector<16xi32>
      %reduce_max3A_654 = arith.xori %all_reduce_population_count3A, %reduce_max3A_653 : vector<16xi32>
      %reduce_max3A_655 = tpu.scan <max>, %reduce_max3A_654 masked %reduce_max3A_651 : vector<16xi32>, vector<16xi1> -> vector<16xi32>
      %reduce_max3A_656 = arith.xori %reduce_max3A_655, %reduce_max3A_653 : vector<16xi32>
      %reduce_max3A_657 = vector.extract %reduce_max3A_656[15] : i32 from vector<16xi32>
      %add3A_658 = arith.addi %scan3A_636, %reduce_max3A_657 : i32
      scf.yield %add3A_658 : i32
    }
    %scan3A_195 = arith.constant 32 : i32
    %get3A = arith.constant 0 : index
    %get3A_196 = tpu.vector_load %arg14[%get3A] {strides = array<i32>} : memref<544xi32, #tpu.memory_space<vmem>>, vector<16xi32>,
    %swap3A = arith.constant 0 : i32
    %swap3A_197 = arith.index_cast %swap3A : i32 to index
    %swap3A_198 = arith.constant 0 : index
    %swap3A_199 = tpu.vector_load %arg16[%swap3A_197, %swap3A_198] {strides = array<i32>} : memref<4x128xi32, #tpu.memory_space<vmem>>, vector<16xi32>,
    tpu.vector_store %arg16[%swap3A_197, %swap3A_198], %get3A_196 {strides = array<i32>} : memref<4x128xi32, #tpu.memory_space<vmem>>, vector<16xi32>,
    %get3A_200 = arith.constant 0 : index
    %get3A_201 = tpu.vector_load %arg15[%get3A_200] {strides = array<i32>} : memref<544xi32, #tpu.memory_space<vmem>>, vector<16xi32>,
    %swap3A_202 = arith.constant 0 : i32
    %swap3A_203 = arith.index_cast %swap3A_202 : i32 to index
    %swap3A_204 = arith.constant 0 : index
    %swap3A_205 = tpu.vector_load %arg17[%swap3A_203, %swap3A_204] {strides = array<i32>} : memref<4x128xi32, #tpu.memory_space<vmem>>, vector<16xi32>,
    tpu.vector_store %arg17[%swap3A_203, %swap3A_204], %get3A_201 {strides = array<i32>} : memref<4x128xi32, #tpu.memory_space<vmem>>, vector<16xi32>,
    %get3A_206 = arith.constant 16 : index
    %get3A_207 = tpu.vector_load %arg14[%get3A_206] {strides = array<i32>} : memref<544xi32, #tpu.memory_space<vmem>>, vector<16xi32>,
    %swap3A_208 = arith.constant 0 : i32
    %swap3A_209 = arith.index_cast %swap3A_208 : i32 to index
    %swap3A_210 = arith.constant 16 : index
    %swap3A_211 = tpu.vector_load %arg16[%swap3A_209, %swap3A_210] {strides = array<i32>} : memref<4x128xi32, #tpu.memory_space<vmem>>, vector<16xi32>,
    tpu.vector_store %arg16[%swap3A_209, %swap3A_210], %get3A_207 {strides = array<i32>} : memref<4x128xi32, #tpu.memory_space<vmem>>, vector<16xi32>,
    %get3A_212 = arith.constant 16 : index
    %get3A_213 = tpu.vector_load %arg15[%get3A_212] {strides = array<i32>} : memref<544xi32, #tpu.memory_space<vmem>>, vector<16xi32>,
    %swap3A_214 = arith.constant 0 : i32
    %swap3A_215 = arith.index_cast %swap3A_214 : i32 to index
    %swap3A_216 = arith.constant 16 : index
    %swap3A_217 = tpu.vector_load %arg17[%swap3A_215, %swap3A_216] {strides = array<i32>} : memref<4x128xi32, #tpu.memory_space<vmem>>, vector<16xi32>,
    tpu.vector_store %arg17[%swap3A_215, %swap3A_216], %get3A_213 {strides = array<i32>} : memref<4x128xi32, #tpu.memory_space<vmem>>, vector<16xi32>,
    %get3A_218 = arith.constant 32 : index
    %get3A_219 = tpu.vector_load %arg14[%get3A_218] {strides = array<i32>} : memref<544xi32, #tpu.memory_space<vmem>>, vector<16xi32>,
    %swap3A_220 = arith.constant 0 : i32
    %swap3A_221 = arith.index_cast %swap3A_220 : i32 to index
    %swap3A_222 = arith.constant 32 : index
    %swap3A_223 = tpu.vector_load %arg16[%swap3A_221, %swap3A_222] {strides = array<i32>} : memref<4x128xi32, #tpu.memory_space<vmem>>, vector<16xi32>,
    tpu.vector_store %arg16[%swap3A_221, %swap3A_222], %get3A_219 {strides = array<i32>} : memref<4x128xi32, #tpu.memory_space<vmem>>, vector<16xi32>,
    %get3A_224 = arith.constant 32 : index
    %get3A_225 = tpu.vector_load %arg15[%get3A_224] {strides = array<i32>} : memref<544xi32, #tpu.memory_space<vmem>>, vector<16xi32>,
    %swap3A_226 = arith.constant 0 : i32
    %swap3A_227 = arith.index_cast %swap3A_226 : i32 to index
    %swap3A_228 = arith.constant 32 : index
    %swap3A_229 = tpu.vector_load %arg17[%swap3A_227, %swap3A_228] {strides = array<i32>} : memref<4x128xi32, #tpu.memory_space<vmem>>, vector<16xi32>,
    tpu.vector_store %arg17[%swap3A_227, %swap3A_228], %get3A_225 {strides = array<i32>} : memref<4x128xi32, #tpu.memory_space<vmem>>, vector<16xi32>,
    %get3A_230 = arith.constant 48 : index
    %get3A_231 = tpu.vector_load %arg14[%get3A_230] {strides = array<i32>} : memref<544xi32, #tpu.memory_space<vmem>>, vector<16xi32>,
    %swap3A_232 = arith.constant 0 : i32
    %swap3A_233 = arith.index_cast %swap3A_232 : i32 to index
    %swap3A_234 = arith.constant 48 : index
    %swap3A_235 = tpu.vector_load %arg16[%swap3A_233, %swap3A_234] {strides = array<i32>} : memref<4x128xi32, #tpu.memory_space<vmem>>, vector<16xi32>,
    tpu.vector_store %arg16[%swap3A_233, %swap3A_234], %get3A_231 {strides = array<i32>} : memref<4x128xi32, #tpu.memory_space<vmem>>, vector<16xi32>,
    %get3A_236 = arith.constant 48 : index
    %get3A_237 = tpu.vector_load %arg15[%get3A_236] {strides = array<i32>} : memref<544xi32, #tpu.memory_space<vmem>>, vector<16xi32>,
    %swap3A_238 = arith.constant 0 : i32
    %swap3A_239 = arith.index_cast %swap3A_238 : i32 to index
    %swap3A_240 = arith.constant 48 : index
    %swap3A_241 = tpu.vector_load %arg17[%swap3A_239, %swap3A_240] {strides = array<i32>} : memref<4x128xi32, #tpu.memory_space<vmem>>, vector<16xi32>,
    tpu.vector_store %arg17[%swap3A_239, %swap3A_240], %get3A_237 {strides = array<i32>} : memref<4x128xi32, #tpu.memory_space<vmem>>, vector<16xi32>,
    %get3A_242 = arith.constant 64 : index
    %get3A_243 = tpu.vector_load %arg14[%get3A_242] {strides = array<i32>} : memref<544xi32, #tpu.memory_space<vmem>>, vector<16xi32>,
    %swap3A_244 = arith.constant 0 : i32
    %swap3A_245 = arith.index_cast %swap3A_244 : i32 to index
    %swap3A_246 = arith.constant 64 : index
    %swap3A_247 = tpu.vector_load %arg16[%swap3A_245, %swap3A_246] {strides = array<i32>} : memref<4x128xi32, #tpu.memory_space<vmem>>, vector<16xi32>,
    tpu.vector_store %arg16[%swap3A_245, %swap3A_246], %get3A_243 {strides = array<i32>} : memref<4x128xi32, #tpu.memory_space<vmem>>, vector<16xi32>,
    %get3A_248 = arith.constant 64 : index
    %get3A_249 = tpu.vector_load %arg15[%get3A_248] {strides = array<i32>} : memref<544xi32, #tpu.memory_space<vmem>>, vector<16xi32>,
    %swap3A_250 = arith.constant 0 : i32
    %swap3A_251 = arith.index_cast %swap3A_250 : i32 to index
    %swap3A_252 = arith.constant 64 : index
    %swap3A_253 = tpu.vector_load %arg17[%swap3A_251, %swap3A_252] {strides = array<i32>} : memref<4x128xi32, #tpu.memory_space<vmem>>, vector<16xi32>,
    tpu.vector_store %arg17[%swap3A_251, %swap3A_252], %get3A_249 {strides = array<i32>} : memref<4x128xi32, #tpu.memory_space<vmem>>, vector<16xi32>,
    %get3A_254 = arith.constant 80 : index
    %get3A_255 = tpu.vector_load %arg14[%get3A_254] {strides = array<i32>} : memref<544xi32, #tpu.memory_space<vmem>>, vector<16xi32>,
    %swap3A_256 = arith.constant 0 : i32
    %swap3A_257 = arith.index_cast %swap3A_256 : i32 to index
    %swap3A_258 = arith.constant 80 : index
    %swap3A_259 = tpu.vector_load %arg16[%swap3A_257, %swap3A_258] {strides = array<i32>} : memref<4x128xi32, #tpu.memory_space<vmem>>, vector<16xi32>,
    tpu.vector_store %arg16[%swap3A_257, %swap3A_258], %get3A_255 {strides = array<i32>} : memref<4x128xi32, #tpu.memory_space<vmem>>, vector<16xi32>,
    %get3A_260 = arith.constant 80 : index
    %get3A_261 = tpu.vector_load %arg15[%get3A_260] {strides = array<i32>} : memref<544xi32, #tpu.memory_space<vmem>>, vector<16xi32>,
    %swap3A_262 = arith.constant 0 : i32
    %swap3A_263 = arith.index_cast %swap3A_262 : i32 to index
    %swap3A_264 = arith.constant 80 : index
    %swap3A_265 = tpu.vector_load %arg17[%swap3A_263, %swap3A_264] {strides = array<i32>} : memref<4x128xi32, #tpu.memory_space<vmem>>, vector<16xi32>,
    tpu.vector_store %arg17[%swap3A_263, %swap3A_264], %get3A_261 {strides = array<i32>} : memref<4x128xi32, #tpu.memory_space<vmem>>, vector<16xi32>,
    %get3A_266 = arith.constant 96 : index
    %get3A_267 = tpu.vector_load %arg14[%get3A_266] {strides = array<i32>} : memref<544xi32, #tpu.memory_space<vmem>>, vector<16xi32>,
    %swap3A_268 = arith.constant 0 : i32
    %swap3A_269 = arith.index_cast %swap3A_268 : i32 to index
    %swap3A_270 = arith.constant 96 : index
    %swap3A_271 = tpu.vector_load %arg16[%swap3A_269, %swap3A_270] {strides = array<i32>} : memref<4x128xi32, #tpu.memory_space<vmem>>, vector<16xi32>,
    tpu.vector_store %arg16[%swap3A_269, %swap3A_270], %get3A_267 {strides = array<i32>} : memref<4x128xi32, #tpu.memory_space<vmem>>, vector<16xi32>,
    %get3A_272 = arith.constant 96 : index
    %get3A_273 = tpu.vector_load %arg15[%get3A_272] {strides = array<i32>} : memref<544xi32, #tpu.memory_space<vmem>>, vector<16xi32>,
    %swap3A_274 = arith.constant 0 : i32
    %swap3A_275 = arith.index_cast %swap3A_274 : i32 to index
    %swap3A_276 = arith.constant 96 : index
    %swap3A_277 = tpu.vector_load %arg17[%swap3A_275, %swap3A_276] {strides = array<i32>} : memref<4x128xi32, #tpu.memory_space<vmem>>, vector<16xi32>,
    tpu.vector_store %arg17[%swap3A_275, %swap3A_276], %get3A_273 {strides = array<i32>} : memref<4x128xi32, #tpu.memory_space<vmem>>, vector<16xi32>,
    %get3A_278 = arith.constant 112 : index
    %get3A_279 = tpu.vector_load %arg14[%get3A_278] {strides = array<i32>} : memref<544xi32, #tpu.memory_space<vmem>>, vector<16xi32>,
    %swap3A_280 = arith.constant 0 : i32
    %swap3A_281 = arith.index_cast %swap3A_280 : i32 to index
    %swap3A_282 = arith.constant 112 : index
    %swap3A_283 = tpu.vector_load %arg16[%swap3A_281, %swap3A_282] {strides = array<i32>} : memref<4x128xi32, #tpu.memory_space<vmem>>, vector<16xi32>,
    tpu.vector_store %arg16[%swap3A_281, %swap3A_282], %get3A_279 {strides = array<i32>} : memref<4x128xi32, #tpu.memory_space<vmem>>, vector<16xi32>,
    %get3A_284 = arith.constant 112 : index
    %get3A_285 = tpu.vector_load %arg15[%get3A_284] {strides = array<i32>} : memref<544xi32, #tpu.memory_space<vmem>>, vector<16xi32>,
    %swap3A_286 = arith.constant 0 : i32
    %swap3A_287 = arith.index_cast %swap3A_286 : i32 to index
    %swap3A_288 = arith.constant 112 : index
    %swap3A_289 = tpu.vector_load %arg17[%swap3A_287, %swap3A_288] {strides = array<i32>} : memref<4x128xi32, #tpu.memory_space<vmem>>, vector<16xi32>,
    tpu.vector_store %arg17[%swap3A_287, %swap3A_288], %get3A_285 {strides = array<i32>} : memref<4x128xi32, #tpu.memory_space<vmem>>, vector<16xi32>,
    %get3A_290 = arith.constant 128 : index
    %get3A_291 = tpu.vector_load %arg14[%get3A_290] {strides = array<i32>} : memref<544xi32, #tpu.memory_space<vmem>>, vector<16xi32>,
    %swap3A_292 = arith.constant 1 : i32
    %swap3A_293 = arith.index_cast %swap3A_292 : i32 to index
    %swap3A_294 = arith.constant 0 : index
    %swap3A_295 = tpu.vector_load %arg16[%swap3A_293, %swap3A_294] {strides = array<i32>} : memref<4x128xi32, #tpu.memory_space<vmem>>, vector<16xi32>,
    tpu.vector_store %arg16[%swap3A_293, %swap3A_294], %get3A_291 {strides = array<i32>} : memref<4x128xi32, #tpu.memory_space<vmem>>, vector<16xi32>,
    %get3A_296 = arith.constant 128 : index
    %get3A_297 = tpu.vector_load %arg15[%get3A_296] {strides = array<i32>} : memref<544xi32, #tpu.memory_space<vmem>>, vector<16xi32>,
    %swap3A_298 = arith.constant 1 : i32
    %swap3A_299 = arith.index_cast %swap3A_298 : i32 to index
    %swap3A_300 = arith.constant 0 : index
    %swap3A_301 = tpu.vector_load %arg17[%swap3A_299, %swap3A_300] {strides = array<i32>} : memref<4x128xi32, #tpu.memory_space<vmem>>, vector<16xi32>,
    tpu.vector_store %arg17[%swap3A_299, %swap3A_300], %get3A_297 {strides = array<i32>} : memref<4x128xi32, #tpu.memory_space<vmem>>, vector<16xi32>,
    %get3A_302 = arith.constant 144 : index
    %get3A_303 = tpu.vector_load %arg14[%get3A_302] {strides = array<i32>} : memref<544xi32, #tpu.memory_space<vmem>>, vector<16xi32>,
    %swap3A_304 = arith.constant 1 : i32
    %swap3A_305 = arith.index_cast %swap3A_304 : i32 to index
    %swap3A_306 = arith.constant 16 : index
    %swap3A_307 = tpu.vector_load %arg16[%swap3A_305, %swap3A_306] {strides = array<i32>} : memref<4x128xi32, #tpu.memory_space<vmem>>, vector<16xi32>,
    tpu.vector_store %arg16[%swap3A_305, %swap3A_306], %get3A_303 {strides = array<i32>} : memref<4x128xi32, #tpu.memory_space<vmem>>, vector<16xi32>,
    %get3A_308 = arith.constant 144 : index
    %get3A_309 = tpu.vector_load %arg15[%get3A_308] {strides = array<i32>} : memref<544xi32, #tpu.memory_space<vmem>>, vector<16xi32>,
    %swap3A_310 = arith.constant 1 : i32
    %swap3A_311 = arith.index_cast %swap3A_310 : i32 to index
    %swap3A_312 = arith.constant 16 : index
    %swap3A_313 = tpu.vector_load %arg17[%swap3A_311, %swap3A_312] {strides = array<i32>} : memref<4x128xi32, #tpu.memory_space<vmem>>, vector<16xi32>,
    tpu.vector_store %arg17[%swap3A_311, %swap3A_312], %get3A_309 {strides = array<i32>} : memref<4x128xi32, #tpu.memory_space<vmem>>, vector<16xi32>,
    %get3A_314 = arith.constant 160 : index
    %get3A_315 = tpu.vector_load %arg14[%get3A_314] {strides = array<i32>} : memref<544xi32, #tpu.memory_space<vmem>>, vector<16xi32>,
    %swap3A_316 = arith.constant 1 : i32
    %swap3A_317 = arith.index_cast %swap3A_316 : i32 to index
    %swap3A_318 = arith.constant 32 : index
    %swap3A_319 = tpu.vector_load %arg16[%swap3A_317, %swap3A_318] {strides = array<i32>} : memref<4x128xi32, #tpu.memory_space<vmem>>, vector<16xi32>,
    tpu.vector_store %arg16[%swap3A_317, %swap3A_318], %get3A_315 {strides = array<i32>} : memref<4x128xi32, #tpu.memory_space<vmem>>, vector<16xi32>,
    %get3A_320 = arith.constant 160 : index
    %get3A_321 = tpu.vector_load %arg15[%get3A_320] {strides = array<i32>} : memref<544xi32, #tpu.memory_space<vmem>>, vector<16xi32>,
    %swap3A_322 = arith.constant 1 : i32
    %swap3A_323 = arith.index_cast %swap3A_322 : i32 to index
    %swap3A_324 = arith.constant 32 : index
    %swap3A_325 = tpu.vector_load %arg17[%swap3A_323, %swap3A_324] {strides = array<i32>} : memref<4x128xi32, #tpu.memory_space<vmem>>, vector<16xi32>,
    tpu.vector_store %arg17[%swap3A_323, %swap3A_324], %get3A_321 {strides = array<i32>} : memref<4x128xi32, #tpu.memory_space<vmem>>, vector<16xi32>,
    %get3A_326 = arith.constant 176 : index
    %get3A_327 = tpu.vector_load %arg14[%get3A_326] {strides = array<i32>} : memref<544xi32, #tpu.memory_space<vmem>>, vector<16xi32>,
    %swap3A_328 = arith.constant 1 : i32
    %swap3A_329 = arith.index_cast %swap3A_328 : i32 to index
    %swap3A_330 = arith.constant 48 : index
    %swap3A_331 = tpu.vector_load %arg16[%swap3A_329, %swap3A_330] {strides = array<i32>} : memref<4x128xi32, #tpu.memory_space<vmem>>, vector<16xi32>,
    tpu.vector_store %arg16[%swap3A_329, %swap3A_330], %get3A_327 {strides = array<i32>} : memref<4x128xi32, #tpu.memory_space<vmem>>, vector<16xi32>,
    %get3A_332 = arith.constant 176 : index
    %get3A_333 = tpu.vector_load %arg15[%get3A_332] {strides = array<i32>} : memref<544xi32, #tpu.memory_space<vmem>>, vector<16xi32>,
    %swap3A_334 = arith.constant 1 : i32
    %swap3A_335 = arith.index_cast %swap3A_334 : i32 to index
    %swap3A_336 = arith.constant 48 : index
    %swap3A_337 = tpu.vector_load %arg17[%swap3A_335, %swap3A_336] {strides = array<i32>} : memref<4x128xi32, #tpu.memory_space<vmem>>, vector<16xi32>,
    tpu.vector_store %arg17[%swap3A_335, %swap3A_336], %get3A_333 {strides = array<i32>} : memref<4x128xi32, #tpu.memory_space<vmem>>, vector<16xi32>,
    %get3A_338 = arith.constant 192 : index
    %get3A_339 = tpu.vector_load %arg14[%get3A_338] {strides = array<i32>} : memref<544xi32, #tpu.memory_space<vmem>>, vector<16xi32>,
    %swap3A_340 = arith.constant 1 : i32
    %swap3A_341 = arith.index_cast %swap3A_340 : i32 to index
    %swap3A_342 = arith.constant 64 : index
    %swap3A_343 = tpu.vector_load %arg16[%swap3A_341, %swap3A_342] {strides = array<i32>} : memref<4x128xi32, #tpu.memory_space<vmem>>, vector<16xi32>,
    tpu.vector_store %arg16[%swap3A_341, %swap3A_342], %get3A_339 {strides = array<i32>} : memref<4x128xi32, #tpu.memory_space<vmem>>, vector<16xi32>,
    %get3A_344 = arith.constant 192 : index
    %get3A_345 = tpu.vector_load %arg15[%get3A_344] {strides = array<i32>} : memref<544xi32, #tpu.memory_space<vmem>>, vector<16xi32>,
    %swap3A_346 = arith.constant 1 : i32
    %swap3A_347 = arith.index_cast %swap3A_346 : i32 to index
    %swap3A_348 = arith.constant 64 : index
    %swap3A_349 = tpu.vector_load %arg17[%swap3A_347, %swap3A_348] {strides = array<i32>} : memref<4x128xi32, #tpu.memory_space<vmem>>, vector<16xi32>,
    tpu.vector_store %arg17[%swap3A_347, %swap3A_348], %get3A_345 {strides = array<i32>} : memref<4x128xi32, #tpu.memory_space<vmem>>, vector<16xi32>,
    %get3A_350 = arith.constant 208 : index
    %get3A_351 = tpu.vector_load %arg14[%get3A_350] {strides = array<i32>} : memref<544xi32, #tpu.memory_space<vmem>>, vector<16xi32>,
    %swap3A_352 = arith.constant 1 : i32
    %swap3A_353 = arith.index_cast %swap3A_352 : i32 to index
    %swap3A_354 = arith.constant 80 : index
    %swap3A_355 = tpu.vector_load %arg16[%swap3A_353, %swap3A_354] {strides = array<i32>} : memref<4x128xi32, #tpu.memory_space<vmem>>, vector<16xi32>,
    tpu.vector_store %arg16[%swap3A_353, %swap3A_354], %get3A_351 {strides = array<i32>} : memref<4x128xi32, #tpu.memory_space<vmem>>, vector<16xi32>,
    %get3A_356 = arith.constant 208 : index
    %get3A_357 = tpu.vector_load %arg15[%get3A_356] {strides = array<i32>} : memref<544xi32, #tpu.memory_space<vmem>>, vector<16xi32>,
    %swap3A_358 = arith.constant 1 : i32
    %swap3A_359 = arith.index_cast %swap3A_358 : i32 to index
    %swap3A_360 = arith.constant 80 : index
    %swap3A_361 = tpu.vector_load %arg17[%swap3A_359, %swap3A_360] {strides = array<i32>} : memref<4x128xi32, #tpu.memory_space<vmem>>, vector<16xi32>,
    tpu.vector_store %arg17[%swap3A_359, %swap3A_360], %get3A_357 {strides = array<i32>} : memref<4x128xi32, #tpu.memory_space<vmem>>, vector<16xi32>,
    %get3A_362 = arith.constant 224 : index
    %get3A_363 = tpu.vector_load %arg14[%get3A_362] {strides = array<i32>} : memref<544xi32, #tpu.memory_space<vmem>>, vector<16xi32>,
    %swap3A_364 = arith.constant 1 : i32
    %swap3A_365 = arith.index_cast %swap3A_364 : i32 to index
    %swap3A_366 = arith.constant 96 : index
    %swap3A_367 = tpu.vector_load %arg16[%swap3A_365, %swap3A_366] {strides = array<i32>} : memref<4x128xi32, #tpu.memory_space<vmem>>, vector<16xi32>,
    tpu.vector_store %arg16[%swap3A_365, %swap3A_366], %get3A_363 {strides = array<i32>} : memref<4x128xi32, #tpu.memory_space<vmem>>, vector<16xi32>,
    %get3A_368 = arith.constant 224 : index
    %get3A_369 = tpu.vector_load %arg15[%get3A_368] {strides = array<i32>} : memref<544xi32, #tpu.memory_space<vmem>>, vector<16xi32>,
    %swap3A_370 = arith.constant 1 : i32
    %swap3A_371 = arith.index_cast %swap3A_370 : i32 to index
    %swap3A_372 = arith.constant 96 : index
    %swap3A_373 = tpu.vector_load %arg17[%swap3A_371, %swap3A_372] {strides = array<i32>} : memref<4x128xi32, #tpu.memory_space<vmem>>, vector<16xi32>,
    tpu.vector_store %arg17[%swap3A_371, %swap3A_372], %get3A_369 {strides = array<i32>} : memref<4x128xi32, #tpu.memory_space<vmem>>, vector<16xi32>,
    %get3A_374 = arith.constant 240 : index
    %get3A_375 = tpu.vector_load %arg14[%get3A_374] {strides = array<i32>} : memref<544xi32, #tpu.memory_space<vmem>>, vector<16xi32>,
    %swap3A_376 = arith.constant 1 : i32
    %swap3A_377 = arith.index_cast %swap3A_376 : i32 to index
    %swap3A_378 = arith.constant 112 : index
    %swap3A_379 = tpu.vector_load %arg16[%swap3A_377, %swap3A_378] {strides = array<i32>} : memref<4x128xi32, #tpu.memory_space<vmem>>, vector<16xi32>,
    tpu.vector_store %arg16[%swap3A_377, %swap3A_378], %get3A_375 {strides = array<i32>} : memref<4x128xi32, #tpu.memory_space<vmem>>, vector<16xi32>,
    %get3A_380 = arith.constant 240 : index
    %get3A_381 = tpu.vector_load %arg15[%get3A_380] {strides = array<i32>} : memref<544xi32, #tpu.memory_space<vmem>>, vector<16xi32>,
    %swap3A_382 = arith.constant 1 : i32
    %swap3A_383 = arith.index_cast %swap3A_382 : i32 to index
    %swap3A_384 = arith.constant 112 : index
    %swap3A_385 = tpu.vector_load %arg17[%swap3A_383, %swap3A_384] {strides = array<i32>} : memref<4x128xi32, #tpu.memory_space<vmem>>, vector<16xi32>,
    tpu.vector_store %arg17[%swap3A_383, %swap3A_384], %get3A_381 {strides = array<i32>} : memref<4x128xi32, #tpu.memory_space<vmem>>, vector<16xi32>,
    %get3A_386 = arith.constant 256 : index
    %get3A_387 = tpu.vector_load %arg14[%get3A_386] {strides = array<i32>} : memref<544xi32, #tpu.memory_space<vmem>>, vector<16xi32>,
    %swap3A_388 = arith.constant 2 : i32
    %swap3A_389 = arith.index_cast %swap3A_388 : i32 to index
    %swap3A_390 = arith.constant 0 : index
    %swap3A_391 = tpu.vector_load %arg16[%swap3A_389, %swap3A_390] {strides = array<i32>} : memref<4x128xi32, #tpu.memory_space<vmem>>, vector<16xi32>,
    tpu.vector_store %arg16[%swap3A_389, %swap3A_390], %get3A_387 {strides = array<i32>} : memref<4x128xi32, #tpu.memory_space<vmem>>, vector<16xi32>,
    %get3A_392 = arith.constant 256 : index
    %get3A_393 = tpu.vector_load %arg15[%get3A_392] {strides = array<i32>} : memref<544xi32, #tpu.memory_space<vmem>>, vector<16xi32>,
    %swap3A_394 = arith.constant 2 : i32
    %swap3A_395 = arith.index_cast %swap3A_394 : i32 to index
    %swap3A_396 = arith.constant 0 : index
    %swap3A_397 = tpu.vector_load %arg17[%swap3A_395, %swap3A_396] {strides = array<i32>} : memref<4x128xi32, #tpu.memory_space<vmem>>, vector<16xi32>,
    tpu.vector_store %arg17[%swap3A_395, %swap3A_396], %get3A_393 {strides = array<i32>} : memref<4x128xi32, #tpu.memory_space<vmem>>, vector<16xi32>,
    %get3A_398 = arith.constant 272 : index
    %get3A_399 = tpu.vector_load %arg14[%get3A_398] {strides = array<i32>} : memref<544xi32, #tpu.memory_space<vmem>>, vector<16xi32>,
    %swap3A_400 = arith.constant 2 : i32
    %swap3A_401 = arith.index_cast %swap3A_400 : i32 to index
    %swap3A_402 = arith.constant 16 : index
    %swap3A_403 = tpu.vector_load %arg16[%swap3A_401, %swap3A_402] {strides = array<i32>} : memref<4x128xi32, #tpu.memory_space<vmem>>, vector<16xi32>,
    tpu.vector_store %arg16[%swap3A_401, %swap3A_402], %get3A_399 {strides = array<i32>} : memref<4x128xi32, #tpu.memory_space<vmem>>, vector<16xi32>,
    %get3A_404 = arith.constant 272 : index
    %get3A_405 = tpu.vector_load %arg15[%get3A_404] {strides = array<i32>} : memref<544xi32, #tpu.memory_space<vmem>>, vector<16xi32>,
    %swap3A_406 = arith.constant 2 : i32
    %swap3A_407 = arith.index_cast %swap3A_406 : i32 to index
    %swap3A_408 = arith.constant 16 : index
    %swap3A_409 = tpu.vector_load %arg17[%swap3A_407, %swap3A_408] {strides = array<i32>} : memref<4x128xi32, #tpu.memory_space<vmem>>, vector<16xi32>,
    tpu.vector_store %arg17[%swap3A_407, %swap3A_408], %get3A_405 {strides = array<i32>} : memref<4x128xi32, #tpu.memory_space<vmem>>, vector<16xi32>,
    %get3A_410 = arith.constant 288 : index
    %get3A_411 = tpu.vector_load %arg14[%get3A_410] {strides = array<i32>} : memref<544xi32, #tpu.memory_space<vmem>>, vector<16xi32>,
    %swap3A_412 = arith.constant 2 : i32
    %swap3A_413 = arith.index_cast %swap3A_412 : i32 to index
    %swap3A_414 = arith.constant 32 : index
    %swap3A_415 = tpu.vector_load %arg16[%swap3A_413, %swap3A_414] {strides = array<i32>} : memref<4x128xi32, #tpu.memory_space<vmem>>, vector<16xi32>,
    tpu.vector_store %arg16[%swap3A_413, %swap3A_414], %get3A_411 {strides = array<i32>} : memref<4x128xi32, #tpu.memory_space<vmem>>, vector<16xi32>,
    %get3A_416 = arith.constant 288 : index
    %get3A_417 = tpu.vector_load %arg15[%get3A_416] {strides = array<i32>} : memref<544xi32, #tpu.memory_space<vmem>>, vector<16xi32>,
    %swap3A_418 = arith.constant 2 : i32
    %swap3A_419 = arith.index_cast %swap3A_418 : i32 to index
    %swap3A_420 = arith.constant 32 : index
    %swap3A_421 = tpu.vector_load %arg17[%swap3A_419, %swap3A_420] {strides = array<i32>} : memref<4x128xi32, #tpu.memory_space<vmem>>, vector<16xi32>,
    tpu.vector_store %arg17[%swap3A_419, %swap3A_420], %get3A_417 {strides = array<i32>} : memref<4x128xi32, #tpu.memory_space<vmem>>, vector<16xi32>,
    %get3A_422 = arith.constant 304 : index
    %get3A_423 = tpu.vector_load %arg14[%get3A_422] {strides = array<i32>} : memref<544xi32, #tpu.memory_space<vmem>>, vector<16xi32>,
    %swap3A_424 = arith.constant 2 : i32
    %swap3A_425 = arith.index_cast %swap3A_424 : i32 to index
    %swap3A_426 = arith.constant 48 : index
    %swap3A_427 = tpu.vector_load %arg16[%swap3A_425, %swap3A_426] {strides = array<i32>} : memref<4x128xi32, #tpu.memory_space<vmem>>, vector<16xi32>,
    tpu.vector_store %arg16[%swap3A_425, %swap3A_426], %get3A_423 {strides = array<i32>} : memref<4x128xi32, #tpu.memory_space<vmem>>, vector<16xi32>,
    %get3A_428 = arith.constant 304 : index
    %get3A_429 = tpu.vector_load %arg15[%get3A_428] {strides = array<i32>} : memref<544xi32, #tpu.memory_space<vmem>>, vector<16xi32>,
    %swap3A_430 = arith.constant 2 : i32
    %swap3A_431 = arith.index_cast %swap3A_430 : i32 to index
    %swap3A_432 = arith.constant 48 : index
    %swap3A_433 = tpu.vector_load %arg17[%swap3A_431, %swap3A_432] {strides = array<i32>} : memref<4x128xi32, #tpu.memory_space<vmem>>, vector<16xi32>,
    tpu.vector_store %arg17[%swap3A_431, %swap3A_432], %get3A_429 {strides = array<i32>} : memref<4x128xi32, #tpu.memory_space<vmem>>, vector<16xi32>,
    %get3A_434 = arith.constant 320 : index
    %get3A_435 = tpu.vector_load %arg14[%get3A_434] {strides = array<i32>} : memref<544xi32, #tpu.memory_space<vmem>>, vector<16xi32>,
    %swap3A_436 = arith.constant 2 : i32
    %swap3A_437 = arith.index_cast %swap3A_436 : i32 to index
    %swap3A_438 = arith.constant 64 : index
    %swap3A_439 = tpu.vector_load %arg16[%swap3A_437, %swap3A_438] {strides = array<i32>} : memref<4x128xi32, #tpu.memory_space<vmem>>, vector<16xi32>,
    tpu.vector_store %arg16[%swap3A_437, %swap3A_438], %get3A_435 {strides = array<i32>} : memref<4x128xi32, #tpu.memory_space<vmem>>, vector<16xi32>,
    %get3A_440 = arith.constant 320 : index
    %get3A_441 = tpu.vector_load %arg15[%get3A_440] {strides = array<i32>} : memref<544xi32, #tpu.memory_space<vmem>>, vector<16xi32>,
    %swap3A_442 = arith.constant 2 : i32
    %swap3A_443 = arith.index_cast %swap3A_442 : i32 to index
    %swap3A_444 = arith.constant 64 : index
    %swap3A_445 = tpu.vector_load %arg17[%swap3A_443, %swap3A_444] {strides = array<i32>} : memref<4x128xi32, #tpu.memory_space<vmem>>, vector<16xi32>,
    tpu.vector_store %arg17[%swap3A_443, %swap3A_444], %get3A_441 {strides = array<i32>} : memref<4x128xi32, #tpu.memory_space<vmem>>, vector<16xi32>,
    %get3A_446 = arith.constant 336 : index
    %get3A_447 = tpu.vector_load %arg14[%get3A_446] {strides = array<i32>} : memref<544xi32, #tpu.memory_space<vmem>>, vector<16xi32>,
    %swap3A_448 = arith.constant 2 : i32
    %swap3A_449 = arith.index_cast %swap3A_448 : i32 to index
    %swap3A_450 = arith.constant 80 : index
    %swap3A_451 = tpu.vector_load %arg16[%swap3A_449, %swap3A_450] {strides = array<i32>} : memref<4x128xi32, #tpu.memory_space<vmem>>, vector<16xi32>,
    tpu.vector_store %arg16[%swap3A_449, %swap3A_450], %get3A_447 {strides = array<i32>} : memref<4x128xi32, #tpu.memory_space<vmem>>, vector<16xi32>,
    %get3A_452 = arith.constant 336 : index
    %get3A_453 = tpu.vector_load %arg15[%get3A_452] {strides = array<i32>} : memref<544xi32, #tpu.memory_space<vmem>>, vector<16xi32>,
    %swap3A_454 = arith.constant 2 : i32
    %swap3A_455 = arith.index_cast %swap3A_454 : i32 to index
    %swap3A_456 = arith.constant 80 : index
    %swap3A_457 = tpu.vector_load %arg17[%swap3A_455, %swap3A_456] {strides = array<i32>} : memref<4x128xi32, #tpu.memory_space<vmem>>, vector<16xi32>,
    tpu.vector_store %arg17[%swap3A_455, %swap3A_456], %get3A_453 {strides = array<i32>} : memref<4x128xi32, #tpu.memory_space<vmem>>, vector<16xi32>,
    %get3A_458 = arith.constant 352 : index
    %get3A_459 = tpu.vector_load %arg14[%get3A_458] {strides = array<i32>} : memref<544xi32, #tpu.memory_space<vmem>>, vector<16xi32>,
    %swap3A_460 = arith.constant 2 : i32
    %swap3A_461 = arith.index_cast %swap3A_460 : i32 to index
    %swap3A_462 = arith.constant 96 : index
    %swap3A_463 = tpu.vector_load %arg16[%swap3A_461, %swap3A_462] {strides = array<i32>} : memref<4x128xi32, #tpu.memory_space<vmem>>, vector<16xi32>,
    tpu.vector_store %arg16[%swap3A_461, %swap3A_462], %get3A_459 {strides = array<i32>} : memref<4x128xi32, #tpu.memory_space<vmem>>, vector<16xi32>,
    %get3A_464 = arith.constant 352 : index
    %get3A_465 = tpu.vector_load %arg15[%get3A_464] {strides = array<i32>} : memref<544xi32, #tpu.memory_space<vmem>>, vector<16xi32>,
    %swap3A_466 = arith.constant 2 : i32
    %swap3A_467 = arith.index_cast %swap3A_466 : i32 to index
    %swap3A_468 = arith.constant 96 : index
    %swap3A_469 = tpu.vector_load %arg17[%swap3A_467, %swap3A_468] {strides = array<i32>} : memref<4x128xi32, #tpu.memory_space<vmem>>, vector<16xi32>,
    tpu.vector_store %arg17[%swap3A_467, %swap3A_468], %get3A_465 {strides = array<i32>} : memref<4x128xi32, #tpu.memory_space<vmem>>, vector<16xi32>,
    %get3A_470 = arith.constant 368 : index
    %get3A_471 = tpu.vector_load %arg14[%get3A_470] {strides = array<i32>} : memref<544xi32, #tpu.memory_space<vmem>>, vector<16xi32>,
    %swap3A_472 = arith.constant 2 : i32
    %swap3A_473 = arith.index_cast %swap3A_472 : i32 to index
    %swap3A_474 = arith.constant 112 : index
    %swap3A_475 = tpu.vector_load %arg16[%swap3A_473, %swap3A_474] {strides = array<i32>} : memref<4x128xi32, #tpu.memory_space<vmem>>, vector<16xi32>,
    tpu.vector_store %arg16[%swap3A_473, %swap3A_474], %get3A_471 {strides = array<i32>} : memref<4x128xi32, #tpu.memory_space<vmem>>, vector<16xi32>,
    %get3A_476 = arith.constant 368 : index
    %get3A_477 = tpu.vector_load %arg15[%get3A_476] {strides = array<i32>} : memref<544xi32, #tpu.memory_space<vmem>>, vector<16xi32>,
    %swap3A_478 = arith.constant 2 : i32
    %swap3A_479 = arith.index_cast %swap3A_478 : i32 to index
    %swap3A_480 = arith.constant 112 : index
    %swap3A_481 = tpu.vector_load %arg17[%swap3A_479, %swap3A_480] {strides = array<i32>} : memref<4x128xi32, #tpu.memory_space<vmem>>, vector<16xi32>,
    tpu.vector_store %arg17[%swap3A_479, %swap3A_480], %get3A_477 {strides = array<i32>} : memref<4x128xi32, #tpu.memory_space<vmem>>, vector<16xi32>,
    %get3A_482 = arith.constant 384 : index
    %get3A_483 = tpu.vector_load %arg14[%get3A_482] {strides = array<i32>} : memref<544xi32, #tpu.memory_space<vmem>>, vector<16xi32>,
    %swap3A_484 = arith.constant 3 : i32
    %swap3A_485 = arith.index_cast %swap3A_484 : i32 to index
    %swap3A_486 = arith.constant 0 : index
    %swap3A_487 = tpu.vector_load %arg16[%swap3A_485, %swap3A_486] {strides = array<i32>} : memref<4x128xi32, #tpu.memory_space<vmem>>, vector<16xi32>,
    tpu.vector_store %arg16[%swap3A_485, %swap3A_486], %get3A_483 {strides = array<i32>} : memref<4x128xi32, #tpu.memory_space<vmem>>, vector<16xi32>,
    %get3A_488 = arith.constant 384 : index
    %get3A_489 = tpu.vector_load %arg15[%get3A_488] {strides = array<i32>} : memref<544xi32, #tpu.memory_space<vmem>>, vector<16xi32>,
    %swap3A_490 = arith.constant 3 : i32
    %swap3A_491 = arith.index_cast %swap3A_490 : i32 to index
    %swap3A_492 = arith.constant 0 : index
    %swap3A_493 = tpu.vector_load %arg17[%swap3A_491, %swap3A_492] {strides = array<i32>} : memref<4x128xi32, #tpu.memory_space<vmem>>, vector<16xi32>,
    tpu.vector_store %arg17[%swap3A_491, %swap3A_492], %get3A_489 {strides = array<i32>} : memref<4x128xi32, #tpu.memory_space<vmem>>, vector<16xi32>,
    %get3A_494 = arith.constant 400 : index
    %get3A_495 = tpu.vector_load %arg14[%get3A_494] {strides = array<i32>} : memref<544xi32, #tpu.memory_space<vmem>>, vector<16xi32>,
    %swap3A_496 = arith.constant 3 : i32
    %swap3A_497 = arith.index_cast %swap3A_496 : i32 to index
    %swap3A_498 = arith.constant 16 : index
    %swap3A_499 = tpu.vector_load %arg16[%swap3A_497, %swap3A_498] {strides = array<i32>} : memref<4x128xi32, #tpu.memory_space<vmem>>, vector<16xi32>,
    tpu.vector_store %arg16[%swap3A_497, %swap3A_498], %get3A_495 {strides = array<i32>} : memref<4x128xi32, #tpu.memory_space<vmem>>, vector<16xi32>,
    %get3A_500 = arith.constant 400 : index
    %get3A_501 = tpu.vector_load %arg15[%get3A_500] {strides = array<i32>} : memref<544xi32, #tpu.memory_space<vmem>>, vector<16xi32>,
    %swap3A_502 = arith.constant 3 : i32
    %swap3A_503 = arith.index_cast %swap3A_502 : i32 to index
    %swap3A_504 = arith.constant 16 : index
    %swap3A_505 = tpu.vector_load %arg17[%swap3A_503, %swap3A_504] {strides = array<i32>} : memref<4x128xi32, #tpu.memory_space<vmem>>, vector<16xi32>,
    tpu.vector_store %arg17[%swap3A_503, %swap3A_504], %get3A_501 {strides = array<i32>} : memref<4x128xi32, #tpu.memory_space<vmem>>, vector<16xi32>,
    %get3A_506 = arith.constant 416 : index
    %get3A_507 = tpu.vector_load %arg14[%get3A_506] {strides = array<i32>} : memref<544xi32, #tpu.memory_space<vmem>>, vector<16xi32>,
    %swap3A_508 = arith.constant 3 : i32
    %swap3A_509 = arith.index_cast %swap3A_508 : i32 to index
    %swap3A_510 = arith.constant 32 : index
    %swap3A_511 = tpu.vector_load %arg16[%swap3A_509, %swap3A_510] {strides = array<i32>} : memref<4x128xi32, #tpu.memory_space<vmem>>, vector<16xi32>,
    tpu.vector_store %arg16[%swap3A_509, %swap3A_510], %get3A_507 {strides = array<i32>} : memref<4x128xi32, #tpu.memory_space<vmem>>, vector<16xi32>,
    %get3A_512 = arith.constant 416 : index
    %get3A_513 = tpu.vector_load %arg15[%get3A_512] {strides = array<i32>} : memref<544xi32, #tpu.memory_space<vmem>>, vector<16xi32>,
    %swap3A_514 = arith.constant 3 : i32
    %swap3A_515 = arith.index_cast %swap3A_514 : i32 to index
    %swap3A_516 = arith.constant 32 : index
    %swap3A_517 = tpu.vector_load %arg17[%swap3A_515, %swap3A_516] {strides = array<i32>} : memref<4x128xi32, #tpu.memory_space<vmem>>, vector<16xi32>,
    tpu.vector_store %arg17[%swap3A_515, %swap3A_516], %get3A_513 {strides = array<i32>} : memref<4x128xi32, #tpu.memory_space<vmem>>, vector<16xi32>,
    %get3A_518 = arith.constant 432 : index
    %get3A_519 = tpu.vector_load %arg14[%get3A_518] {strides = array<i32>} : memref<544xi32, #tpu.memory_space<vmem>>, vector<16xi32>,
    %swap3A_520 = arith.constant 3 : i32
    %swap3A_521 = arith.index_cast %swap3A_520 : i32 to index
    %swap3A_522 = arith.constant 48 : index
    %swap3A_523 = tpu.vector_load %arg16[%swap3A_521, %swap3A_522] {strides = array<i32>} : memref<4x128xi32, #tpu.memory_space<vmem>>, vector<16xi32>,
    tpu.vector_store %arg16[%swap3A_521, %swap3A_522], %get3A_519 {strides = array<i32>} : memref<4x128xi32, #tpu.memory_space<vmem>>, vector<16xi32>,
    %get3A_524 = arith.constant 432 : index
    %get3A_525 = tpu.vector_load %arg15[%get3A_524] {strides = array<i32>} : memref<544xi32, #tpu.memory_space<vmem>>, vector<16xi32>,
    %swap3A_526 = arith.constant 3 : i32
    %swap3A_527 = arith.index_cast %swap3A_526 : i32 to index
    %swap3A_528 = arith.constant 48 : index
    %swap3A_529 = tpu.vector_load %arg17[%swap3A_527, %swap3A_528] {strides = array<i32>} : memref<4x128xi32, #tpu.memory_space<vmem>>, vector<16xi32>,
    tpu.vector_store %arg17[%swap3A_527, %swap3A_528], %get3A_525 {strides = array<i32>} : memref<4x128xi32, #tpu.memory_space<vmem>>, vector<16xi32>,
    %get3A_530 = arith.constant 448 : index
    %get3A_531 = tpu.vector_load %arg14[%get3A_530] {strides = array<i32>} : memref<544xi32, #tpu.memory_space<vmem>>, vector<16xi32>,
    %swap3A_532 = arith.constant 3 : i32
    %swap3A_533 = arith.index_cast %swap3A_532 : i32 to index
    %swap3A_534 = arith.constant 64 : index
    %swap3A_535 = tpu.vector_load %arg16[%swap3A_533, %swap3A_534] {strides = array<i32>} : memref<4x128xi32, #tpu.memory_space<vmem>>, vector<16xi32>,
    tpu.vector_store %arg16[%swap3A_533, %swap3A_534], %get3A_531 {strides = array<i32>} : memref<4x128xi32, #tpu.memory_space<vmem>>, vector<16xi32>,
    %get3A_536 = arith.constant 448 : index
    %get3A_537 = tpu.vector_load %arg15[%get3A_536] {strides = array<i32>} : memref<544xi32, #tpu.memory_space<vmem>>, vector<16xi32>,
    %swap3A_538 = arith.constant 3 : i32
    %swap3A_539 = arith.index_cast %swap3A_538 : i32 to index
    %swap3A_540 = arith.constant 64 : index
    %swap3A_541 = tpu.vector_load %arg17[%swap3A_539, %swap3A_540] {strides = array<i32>} : memref<4x128xi32, #tpu.memory_space<vmem>>, vector<16xi32>,
    tpu.vector_store %arg17[%swap3A_539, %swap3A_540], %get3A_537 {strides = array<i32>} : memref<4x128xi32, #tpu.memory_space<vmem>>, vector<16xi32>,
    %get3A_542 = arith.constant 464 : index
    %get3A_543 = tpu.vector_load %arg14[%get3A_542] {strides = array<i32>} : memref<544xi32, #tpu.memory_space<vmem>>, vector<16xi32>,
    %swap3A_544 = arith.constant 3 : i32
    %swap3A_545 = arith.index_cast %swap3A_544 : i32 to index
    %swap3A_546 = arith.constant 80 : index
    %swap3A_547 = tpu.vector_load %arg16[%swap3A_545, %swap3A_546] {strides = array<i32>} : memref<4x128xi32, #tpu.memory_space<vmem>>, vector<16xi32>,
    tpu.vector_store %arg16[%swap3A_545, %swap3A_546], %get3A_543 {strides = array<i32>} : memref<4x128xi32, #tpu.memory_space<vmem>>, vector<16xi32>,
    %get3A_548 = arith.constant 464 : index
    %get3A_549 = tpu.vector_load %arg15[%get3A_548] {strides = array<i32>} : memref<544xi32, #tpu.memory_space<vmem>>, vector<16xi32>,
    %swap3A_550 = arith.constant 3 : i32
    %swap3A_551 = arith.index_cast %swap3A_550 : i32 to index
    %swap3A_552 = arith.constant 80 : index
    %swap3A_553 = tpu.vector_load %arg17[%swap3A_551, %swap3A_552] {strides = array<i32>} : memref<4x128xi32, #tpu.memory_space<vmem>>, vector<16xi32>,
    tpu.vector_store %arg17[%swap3A_551, %swap3A_552], %get3A_549 {strides = array<i32>} : memref<4x128xi32, #tpu.memory_space<vmem>>, vector<16xi32>,
    %get3A_554 = arith.constant 480 : index
    %get3A_555 = tpu.vector_load %arg14[%get3A_554] {strides = array<i32>} : memref<544xi32, #tpu.memory_space<vmem>>, vector<16xi32>,
    %swap3A_556 = arith.constant 3 : i32
    %swap3A_557 = arith.index_cast %swap3A_556 : i32 to index
    %swap3A_558 = arith.constant 96 : index
    %swap3A_559 = tpu.vector_load %arg16[%swap3A_557, %swap3A_558] {strides = array<i32>} : memref<4x128xi32, #tpu.memory_space<vmem>>, vector<16xi32>,
    tpu.vector_store %arg16[%swap3A_557, %swap3A_558], %get3A_555 {strides = array<i32>} : memref<4x128xi32, #tpu.memory_space<vmem>>, vector<16xi32>,
    %get3A_560 = arith.constant 480 : index
    %get3A_561 = tpu.vector_load %arg15[%get3A_560] {strides = array<i32>} : memref<544xi32, #tpu.memory_space<vmem>>, vector<16xi32>,
    %swap3A_562 = arith.constant 3 : i32
    %swap3A_563 = arith.index_cast %swap3A_562 : i32 to index
    %swap3A_564 = arith.constant 96 : index
    %swap3A_565 = tpu.vector_load %arg17[%swap3A_563, %swap3A_564] {strides = array<i32>} : memref<4x128xi32, #tpu.memory_space<vmem>>, vector<16xi32>,
    tpu.vector_store %arg17[%swap3A_563, %swap3A_564], %get3A_561 {strides = array<i32>} : memref<4x128xi32, #tpu.memory_space<vmem>>, vector<16xi32>,
    %get3A_566 = arith.constant 496 : index
    %get3A_567 = tpu.vector_load %arg14[%get3A_566] {strides = array<i32>} : memref<544xi32, #tpu.memory_space<vmem>>, vector<16xi32>,
    %swap3A_568 = arith.constant 3 : i32
    %swap3A_569 = arith.index_cast %swap3A_568 : i32 to index
    %swap3A_570 = arith.constant 112 : index
    %swap3A_571 = tpu.vector_load %arg16[%swap3A_569, %swap3A_570] {strides = array<i32>} : memref<4x128xi32, #tpu.memory_space<vmem>>, vector<16xi32>,
    tpu.vector_store %arg16[%swap3A_569, %swap3A_570], %get3A_567 {strides = array<i32>} : memref<4x128xi32, #tpu.memory_space<vmem>>, vector<16xi32>,
    %get3A_572 = arith.constant 496 : index
    %get3A_573 = tpu.vector_load %arg15[%get3A_572] {strides = array<i32>} : memref<544xi32, #tpu.memory_space<vmem>>, vector<16xi32>,
    %swap3A_574 = arith.constant 3 : i32
    %swap3A_575 = arith.index_cast %swap3A_574 : i32 to index
    %swap3A_576 = arith.constant 112 : index
    %swap3A_577 = tpu.vector_load %arg17[%swap3A_575, %swap3A_576] {strides = array<i32>} : memref<4x128xi32, #tpu.memory_space<vmem>>, vector<16xi32>,
    tpu.vector_store %arg17[%swap3A_575, %swap3A_576], %get3A_573 {strides = array<i32>} : memref<4x128xi32, #tpu.memory_space<vmem>>, vector<16xi32>,
    %dma_wait3A_578 = arith.constant 0 : i32
    %dma_wait3A_579 = arith.constant 0 : i32
    %dma_wait3A_580 = tpu.memref_slice %arg13[%dma_wait3A_578, %dma_wait3A_579] : memref<512x128xf32, #tpu.memory_space<vmem>> -> memref<128x128xf32, #tpu.memory_space<vmem>>
    %dma_wait3A_581 = arith.constant 0 : i32
    %dma_wait3A_582 = tpu.memref_slice %arg4[%add3A_106, %dma_wait3A_581] : memref<16384x128xf32, #tpu.memory_space<hbm>> -> memref<128x128xf32, #tpu.memory_space<hbm>>
    %dma_wait3A_583 = arith.constant 0 : i32
    %dma_wait3A_584 = tpu.memref_slice %arg4[%add3A_106, %dma_wait3A_583] : memref<16384x128xf32, #tpu.memory_space<hbm>> -> memref<128x128xf32, #tpu.memory_space<hbm>>
    %dma_wait3A_585 = arith.constant 0 : i32
    %dma_wait3A_586 = arith.constant 0 : i32
    %dma_wait3A_587 = tpu.memref_slice %arg13[%dma_wait3A_585, %dma_wait3A_586] : memref<512x128xf32, #tpu.memory_space<vmem>> -> memref<128x128xf32, #tpu.memory_space<vmem>>
    tpu.wait_dma2 semaphore(%arg20 : memref<!tpu.dma_semaphore, #tpu.memory_space<semaphore_mem>>) src(%dma_wait3A_587 : memref<128x128xf32, #tpu.memory_space<vmem>>) dst(%dma_wait3A_584 : memref<128x128xf32, #tpu.memory_space<hbm>>)
    %dma_wait3A_588 = arith.constant 128 : i32
    %dma_wait3A_589 = arith.constant 0 : i32
    %dma_wait3A_590 = tpu.memref_slice %arg13[%dma_wait3A_588, %dma_wait3A_589] : memref<512x128xf32, #tpu.memory_space<vmem>> -> memref<128x128xf32, #tpu.memory_space<vmem>>
    %dma_wait3A_591 = arith.constant 0 : i32
    %dma_wait3A_592 = tpu.memref_slice %arg4[%add3A_128, %dma_wait3A_591] : memref<16384x128xf32, #tpu.memory_space<hbm>> -> memref<128x128xf32, #tpu.memory_space<hbm>>
    %dma_wait3A_593 = arith.constant 0 : i32
    %dma_wait3A_594 = tpu.memref_slice %arg4[%add3A_128, %dma_wait3A_593] : memref<16384x128xf32, #tpu.memory_space<hbm>> -> memref<128x128xf32, #tpu.memory_space<hbm>>
    %dma_wait3A_595 = arith.constant 128 : i32
    %dma_wait3A_596 = arith.constant 0 : i32
    %dma_wait3A_597 = tpu.memref_slice %arg13[%dma_wait3A_595, %dma_wait3A_596] : memref<512x128xf32, #tpu.memory_space<vmem>> -> memref<128x128xf32, #tpu.memory_space<vmem>>
    tpu.wait_dma2 semaphore(%arg20 : memref<!tpu.dma_semaphore, #tpu.memory_space<semaphore_mem>>) src(%dma_wait3A_597 : memref<128x128xf32, #tpu.memory_space<vmem>>) dst(%dma_wait3A_594 : memref<128x128xf32, #tpu.memory_space<hbm>>)
    %dma_wait3A_598 = arith.constant 256 : i32
    %dma_wait3A_599 = arith.constant 0 : i32
    %dma_wait3A_600 = tpu.memref_slice %arg13[%dma_wait3A_598, %dma_wait3A_599] : memref<512x128xf32, #tpu.memory_space<vmem>> -> memref<128x128xf32, #tpu.memory_space<vmem>>
    %dma_wait3A_601 = arith.constant 0 : i32
    %dma_wait3A_602 = tpu.memref_slice %arg4[%add3A_150, %dma_wait3A_601] : memref<16384x128xf32, #tpu.memory_space<hbm>> -> memref<128x128xf32, #tpu.memory_space<hbm>>
    %dma_wait3A_603 = arith.constant 0 : i32
    %dma_wait3A_604 = tpu.memref_slice %arg4[%add3A_150, %dma_wait3A_603] : memref<16384x128xf32, #tpu.memory_space<hbm>> -> memref<128x128xf32, #tpu.memory_space<hbm>>
    %dma_wait3A_605 = arith.constant 256 : i32
    %dma_wait3A_606 = arith.constant 0 : i32
    %dma_wait3A_607 = tpu.memref_slice %arg13[%dma_wait3A_605, %dma_wait3A_606] : memref<512x128xf32, #tpu.memory_space<vmem>> -> memref<128x128xf32, #tpu.memory_space<vmem>>
    tpu.wait_dma2 semaphore(%arg20 : memref<!tpu.dma_semaphore, #tpu.memory_space<semaphore_mem>>) src(%dma_wait3A_607 : memref<128x128xf32, #tpu.memory_space<vmem>>) dst(%dma_wait3A_604 : memref<128x128xf32, #tpu.memory_space<hbm>>)
    %dma_wait3A_608 = arith.constant 384 : i32
    %dma_wait3A_609 = arith.constant 0 : i32
    %dma_wait3A_610 = tpu.memref_slice %arg13[%dma_wait3A_608, %dma_wait3A_609] : memref<512x128xf32, #tpu.memory_space<vmem>> -> memref<128x128xf32, #tpu.memory_space<vmem>>
    %dma_wait3A_611 = arith.constant 0 : i32
    %dma_wait3A_612 = tpu.memref_slice %arg4[%add3A_172, %dma_wait3A_611] : memref<16384x128xf32, #tpu.memory_space<hbm>> -> memref<128x128xf32, #tpu.memory_space<hbm>>
    %dma_wait3A_613 = arith.constant 0 : i32
    %dma_wait3A_614 = tpu.memref_slice %arg4[%add3A_172, %dma_wait3A_613] : memref<16384x128xf32, #tpu.memory_space<hbm>> -> memref<128x128xf32, #tpu.memory_space<hbm>>
    %dma_wait3A_615 = arith.constant 384 : i32
    %dma_wait3A_616 = arith.constant 0 : i32
    %dma_wait3A_617 = tpu.memref_slice %arg13[%dma_wait3A_615, %dma_wait3A_616] : memref<512x128xf32, #tpu.memory_space<vmem>> -> memref<128x128xf32, #tpu.memory_space<vmem>>
    tpu.wait_dma2 semaphore(%arg20 : memref<!tpu.dma_semaphore, #tpu.memory_space<semaphore_mem>>) src(%dma_wait3A_617 : memref<128x128xf32, #tpu.memory_space<vmem>>) dst(%dma_wait3A_614 : memref<128x128xf32, #tpu.memory_space<hbm>>)
    %gt3A = arith.constant 0 : i32
    %gt3A_618 = arith.cmpi sgt, %scan3A_194, %gt3A : i32
    %convert_element_type3A = arith.extui %gt3A_618 : i1 to i32
    %cond3A = arith.constant 0 : i32
    %cond3A_619 = arith.cmpi ne, %convert_element_type3A, %cond3A : i32
    scf.if %cond3A_619 {
      %dma_start3A_635 = arith.constant 0 : i32
      %dma_start3A_636 = arith.constant 0 : i32
      %dma_start3A_637 = tpu.memref_slice %arg17[%dma_start3A_635, %dma_start3A_636] : memref<4x128xi32, #tpu.memory_space<vmem>> -> memref<1x128xi32, #tpu.memory_space<vmem>>
      %dma_start3A_638 = tpu.memref_squeeze %dma_start3A_637 : memref<1x128xi32, #tpu.memory_space<vmem>> -> memref<128xi32, #tpu.memory_space<vmem>>
      %dma_start3A_639 = arith.constant 0 : i32
      %dma_start3A_640 = arith.constant 0 : i32
      %dma_start3A_641 = tpu.memref_slice %arg3[%dma_start3A_639, %dma_start3A_640] : memref<16384x128xf32, #tpu.memory_space<hbm>> -> memref<16384x128xf32, #tpu.memory_space<hbm>>
      tpu.enqueue_indirect_dma source(%dma_start3A_641 : memref<16384x128xf32, #tpu.memory_space<hbm>>) target(%arg18 : memref<128x128xf32, #tpu.memory_space<vmem>>) offsets(%dma_start3A_638 : memref<128xi32, #tpu.memory_space<vmem>>) semaphore(%arg19 : memref<!tpu.dma_semaphore, #tpu.memory_space<semaphore_mem>>)
      %dma_wait3A_642 = arith.constant 0 : i32
      %dma_wait3A_643 = arith.constant 0 : i32
      %dma_wait3A_644 = tpu.memref_slice %arg17[%dma_wait3A_642, %dma_wait3A_643] : memref<4x128xi32, #tpu.memory_space<vmem>> -> memref<1x128xi32, #tpu.memory_space<vmem>>
      %dma_wait3A_645 = tpu.memref_squeeze %dma_wait3A_644 : memref<1x128xi32, #tpu.memory_space<vmem>> -> memref<128xi32, #tpu.memory_space<vmem>>
      %dma_wait3A_646 = arith.constant 0 : i32
      %dma_wait3A_647 = arith.constant 0 : i32
      %dma_wait3A_648 = tpu.memref_slice %arg3[%dma_wait3A_646, %dma_wait3A_647] : memref<16384x128xf32, #tpu.memory_space<hbm>> -> memref<16384x128xf32, #tpu.memory_space<hbm>>
      tpu.wait_indirect_dma semaphore(%arg19 : memref<!tpu.dma_semaphore, #tpu.memory_space<semaphore_mem>>) src(%dma_wait3A_648 : memref<16384x128xf32, #tpu.memory_space<hbm>>) dst(%arg18 : memref<128x128xf32, #tpu.memory_space<vmem>>)
      %dma_start3A_649 = arith.constant 0 : i32
      %dma_start3A_650 = arith.constant 0 : i32
      %dma_start3A_651 = tpu.memref_slice %arg16[%dma_start3A_649, %dma_start3A_650] : memref<4x128xi32, #tpu.memory_space<vmem>> -> memref<1x128xi32, #tpu.memory_space<vmem>>
      %dma_start3A_652 = tpu.memref_squeeze %dma_start3A_651 : memref<1x128xi32, #tpu.memory_space<vmem>> -> memref<128xi32, #tpu.memory_space<vmem>>
      %dma_start3A_653 = arith.constant 0 : i32
      %dma_start3A_654 = arith.constant 0 : i32
      %dma_start3A_655 = tpu.memref_slice %arg4[%dma_start3A_653, %dma_start3A_654] : memref<16384x128xf32, #tpu.memory_space<hbm>> -> memref<16384x128xf32, #tpu.memory_space<hbm>>
      tpu.enqueue_indirect_dma source(%arg18 : memref<128x128xf32, #tpu.memory_space<vmem>>) target(%dma_start3A_655 : memref<16384x128xf32, #tpu.memory_space<hbm>>) offsets(%dma_start3A_652 : memref<128xi32, #tpu.memory_space<vmem>>) semaphore(%arg19 : memref<!tpu.dma_semaphore, #tpu.memory_space<semaphore_mem>>)
      %dma_wait3A_656 = arith.constant 0 : i32
      %dma_wait3A_657 = arith.constant 0 : i32
      %dma_wait3A_658 = tpu.memref_slice %arg16[%dma_wait3A_656, %dma_wait3A_657] : memref<4x128xi32, #tpu.memory_space<vmem>> -> memref<1x128xi32, #tpu.memory_space<vmem>>
      %dma_wait3A_659 = tpu.memref_squeeze %dma_wait3A_658 : memref<1x128xi32, #tpu.memory_space<vmem>> -> memref<128xi32, #tpu.memory_space<vmem>>
      %dma_wait3A_660 = arith.constant 0 : i32
      %dma_wait3A_661 = arith.constant 0 : i32
      %dma_wait3A_662 = tpu.memref_slice %arg4[%dma_wait3A_660, %dma_wait3A_661] : memref<16384x128xf32, #tpu.memory_space<hbm>> -> memref<16384x128xf32, #tpu.memory_space<hbm>>
      tpu.wait_indirect_dma semaphore(%arg19 : memref<!tpu.dma_semaphore, #tpu.memory_space<semaphore_mem>>) src(%arg18 : memref<128x128xf32, #tpu.memory_space<vmem>>) dst(%dma_wait3A_662 : memref<16384x128xf32, #tpu.memory_space<hbm>>)
    } else {
    }
    %gt3A_620 = arith.constant 128 : i32
    %gt3A_621 = arith.cmpi sgt, %scan3A_194, %gt3A_620 : i32
    %convert_element_type3A_622 = arith.extui %gt3A_621 : i1 to i32
    %cond3A_623 = arith.constant 0 : i32
    %cond3A_624 = arith.cmpi ne, %convert_element_type3A_622, %cond3A_623 : i32
    scf.if %cond3A_624 {
      %dma_start3A_635 = arith.constant 1 : i32
      %dma_start3A_636 = arith.constant 0 : i32
      %dma_start3A_637 = tpu.memref_slice %arg17[%dma_start3A_635, %dma_start3A_636] : memref<4x128xi32, #tpu.memory_space<vmem>> -> memref<1x128xi32, #tpu.memory_space<vmem>>
      %dma_start3A_638 = tpu.memref_squeeze %dma_start3A_637 : memref<1x128xi32, #tpu.memory_space<vmem>> -> memref<128xi32, #tpu.memory_space<vmem>>
      %dma_start3A_639 = arith.constant 0 : i32
      %dma_start3A_640 = arith.constant 0 : i32
      %dma_start3A_641 = tpu.memref_slice %arg3[%dma_start3A_639, %dma_start3A_640] : memref<16384x128xf32, #tpu.memory_space<hbm>> -> memref<16384x128xf32, #tpu.memory_space<hbm>>
      tpu.enqueue_indirect_dma source(%dma_start3A_641 : memref<16384x128xf32, #tpu.memory_space<hbm>>) target(%arg18 : memref<128x128xf32, #tpu.memory_space<vmem>>) offsets(%dma_start3A_638 : memref<128xi32, #tpu.memory_space<vmem>>) semaphore(%arg19 : memref<!tpu.dma_semaphore, #tpu.memory_space<semaphore_mem>>)
      %dma_wait3A_642 = arith.constant 1 : i32
      %dma_wait3A_643 = arith.constant 0 : i32
      %dma_wait3A_644 = tpu.memref_slice %arg17[%dma_wait3A_642, %dma_wait3A_643] : memref<4x128xi32, #tpu.memory_space<vmem>> -> memref<1x128xi32, #tpu.memory_space<vmem>>
      %dma_wait3A_645 = tpu.memref_squeeze %dma_wait3A_644 : memref<1x128xi32, #tpu.memory_space<vmem>> -> memref<128xi32, #tpu.memory_space<vmem>>
      %dma_wait3A_646 = arith.constant 0 : i32
      %dma_wait3A_647 = arith.constant 0 : i32
      %dma_wait3A_648 = tpu.memref_slice %arg3[%dma_wait3A_646, %dma_wait3A_647] : memref<16384x128xf32, #tpu.memory_space<hbm>> -> memref<16384x128xf32, #tpu.memory_space<hbm>>
      tpu.wait_indirect_dma semaphore(%arg19 : memref<!tpu.dma_semaphore, #tpu.memory_space<semaphore_mem>>) src(%dma_wait3A_648 : memref<16384x128xf32, #tpu.memory_space<hbm>>) dst(%arg18 : memref<128x128xf32, #tpu.memory_space<vmem>>)
      %dma_start3A_649 = arith.constant 1 : i32
      %dma_start3A_650 = arith.constant 0 : i32
      %dma_start3A_651 = tpu.memref_slice %arg16[%dma_start3A_649, %dma_start3A_650] : memref<4x128xi32, #tpu.memory_space<vmem>> -> memref<1x128xi32, #tpu.memory_space<vmem>>
      %dma_start3A_652 = tpu.memref_squeeze %dma_start3A_651 : memref<1x128xi32, #tpu.memory_space<vmem>> -> memref<128xi32, #tpu.memory_space<vmem>>
      %dma_start3A_653 = arith.constant 0 : i32
      %dma_start3A_654 = arith.constant 0 : i32
      %dma_start3A_655 = tpu.memref_slice %arg4[%dma_start3A_653, %dma_start3A_654] : memref<16384x128xf32, #tpu.memory_space<hbm>> -> memref<16384x128xf32, #tpu.memory_space<hbm>>
      tpu.enqueue_indirect_dma source(%arg18 : memref<128x128xf32, #tpu.memory_space<vmem>>) target(%dma_start3A_655 : memref<16384x128xf32, #tpu.memory_space<hbm>>) offsets(%dma_start3A_652 : memref<128xi32, #tpu.memory_space<vmem>>) semaphore(%arg19 : memref<!tpu.dma_semaphore, #tpu.memory_space<semaphore_mem>>)
      %dma_wait3A_656 = arith.constant 1 : i32
      %dma_wait3A_657 = arith.constant 0 : i32
      %dma_wait3A_658 = tpu.memref_slice %arg16[%dma_wait3A_656, %dma_wait3A_657] : memref<4x128xi32, #tpu.memory_space<vmem>> -> memref<1x128xi32, #tpu.memory_space<vmem>>
      %dma_wait3A_659 = tpu.memref_squeeze %dma_wait3A_658 : memref<1x128xi32, #tpu.memory_space<vmem>> -> memref<128xi32, #tpu.memory_space<vmem>>
      %dma_wait3A_660 = arith.constant 0 : i32
      %dma_wait3A_661 = arith.constant 0 : i32
      %dma_wait3A_662 = tpu.memref_slice %arg4[%dma_wait3A_660, %dma_wait3A_661] : memref<16384x128xf32, #tpu.memory_space<hbm>> -> memref<16384x128xf32, #tpu.memory_space<hbm>>
      tpu.wait_indirect_dma semaphore(%arg19 : memref<!tpu.dma_semaphore, #tpu.memory_space<semaphore_mem>>) src(%arg18 : memref<128x128xf32, #tpu.memory_space<vmem>>) dst(%dma_wait3A_662 : memref<16384x128xf32, #tpu.memory_space<hbm>>)
    } else {
    }
    %gt3A_625 = arith.constant 256 : i32
    %gt3A_626 = arith.cmpi sgt, %scan3A_194, %gt3A_625 : i32
    %convert_element_type3A_627 = arith.extui %gt3A_626 : i1 to i32
    %cond3A_628 = arith.constant 0 : i32
    %cond3A_629 = arith.cmpi ne, %convert_element_type3A_627, %cond3A_628 : i32
    scf.if %cond3A_629 {
      %dma_start3A_635 = arith.constant 2 : i32
      %dma_start3A_636 = arith.constant 0 : i32
      %dma_start3A_637 = tpu.memref_slice %arg17[%dma_start3A_635, %dma_start3A_636] : memref<4x128xi32, #tpu.memory_space<vmem>> -> memref<1x128xi32, #tpu.memory_space<vmem>>
      %dma_start3A_638 = tpu.memref_squeeze %dma_start3A_637 : memref<1x128xi32, #tpu.memory_space<vmem>> -> memref<128xi32, #tpu.memory_space<vmem>>
      %dma_start3A_639 = arith.constant 0 : i32
      %dma_start3A_640 = arith.constant 0 : i32
      %dma_start3A_641 = tpu.memref_slice %arg3[%dma_start3A_639, %dma_start3A_640] : memref<16384x128xf32, #tpu.memory_space<hbm>> -> memref<16384x128xf32, #tpu.memory_space<hbm>>
      tpu.enqueue_indirect_dma source(%dma_start3A_641 : memref<16384x128xf32, #tpu.memory_space<hbm>>) target(%arg18 : memref<128x128xf32, #tpu.memory_space<vmem>>) offsets(%dma_start3A_638 : memref<128xi32, #tpu.memory_space<vmem>>) semaphore(%arg19 : memref<!tpu.dma_semaphore, #tpu.memory_space<semaphore_mem>>)
      %dma_wait3A_642 = arith.constant 2 : i32
      %dma_wait3A_643 = arith.constant 0 : i32
      %dma_wait3A_644 = tpu.memref_slice %arg17[%dma_wait3A_642, %dma_wait3A_643] : memref<4x128xi32, #tpu.memory_space<vmem>> -> memref<1x128xi32, #tpu.memory_space<vmem>>
      %dma_wait3A_645 = tpu.memref_squeeze %dma_wait3A_644 : memref<1x128xi32, #tpu.memory_space<vmem>> -> memref<128xi32, #tpu.memory_space<vmem>>
      %dma_wait3A_646 = arith.constant 0 : i32
      %dma_wait3A_647 = arith.constant 0 : i32
      %dma_wait3A_648 = tpu.memref_slice %arg3[%dma_wait3A_646, %dma_wait3A_647] : memref<16384x128xf32, #tpu.memory_space<hbm>> -> memref<16384x128xf32, #tpu.memory_space<hbm>>
      tpu.wait_indirect_dma semaphore(%arg19 : memref<!tpu.dma_semaphore, #tpu.memory_space<semaphore_mem>>) src(%dma_wait3A_648 : memref<16384x128xf32, #tpu.memory_space<hbm>>) dst(%arg18 : memref<128x128xf32, #tpu.memory_space<vmem>>)
      %dma_start3A_649 = arith.constant 2 : i32
      %dma_start3A_650 = arith.constant 0 : i32
      %dma_start3A_651 = tpu.memref_slice %arg16[%dma_start3A_649, %dma_start3A_650] : memref<4x128xi32, #tpu.memory_space<vmem>> -> memref<1x128xi32, #tpu.memory_space<vmem>>
      %dma_start3A_652 = tpu.memref_squeeze %dma_start3A_651 : memref<1x128xi32, #tpu.memory_space<vmem>> -> memref<128xi32, #tpu.memory_space<vmem>>
      %dma_start3A_653 = arith.constant 0 : i32
      %dma_start3A_654 = arith.constant 0 : i32
      %dma_start3A_655 = tpu.memref_slice %arg4[%dma_start3A_653, %dma_start3A_654] : memref<16384x128xf32, #tpu.memory_space<hbm>> -> memref<16384x128xf32, #tpu.memory_space<hbm>>
      tpu.enqueue_indirect_dma source(%arg18 : memref<128x128xf32, #tpu.memory_space<vmem>>) target(%dma_start3A_655 : memref<16384x128xf32, #tpu.memory_space<hbm>>) offsets(%dma_start3A_652 : memref<128xi32, #tpu.memory_space<vmem>>) semaphore(%arg19 : memref<!tpu.dma_semaphore, #tpu.memory_space<semaphore_mem>>)
      %dma_wait3A_656 = arith.constant 2 : i32
      %dma_wait3A_657 = arith.constant 0 : i32
      %dma_wait3A_658 = tpu.memref_slice %arg16[%dma_wait3A_656, %dma_wait3A_657] : memref<4x128xi32, #tpu.memory_space<vmem>> -> memref<1x128xi32, #tpu.memory_space<vmem>>
      %dma_wait3A_659 = tpu.memref_squeeze %dma_wait3A_658 : memref<1x128xi32, #tpu.memory_space<vmem>> -> memref<128xi32, #tpu.memory_space<vmem>>
      %dma_wait3A_660 = arith.constant 0 : i32
      %dma_wait3A_661 = arith.constant 0 : i32
      %dma_wait3A_662 = tpu.memref_slice %arg4[%dma_wait3A_660, %dma_wait3A_661] : memref<16384x128xf32, #tpu.memory_space<hbm>> -> memref<16384x128xf32, #tpu.memory_space<hbm>>
      tpu.wait_indirect_dma semaphore(%arg19 : memref<!tpu.dma_semaphore, #tpu.memory_space<semaphore_mem>>) src(%arg18 : memref<128x128xf32, #tpu.memory_space<vmem>>) dst(%dma_wait3A_662 : memref<16384x128xf32, #tpu.memory_space<hbm>>)
    } else {
    }
    %gt3A_630 = arith.constant 384 : i32
    %gt3A_631 = arith.cmpi sgt, %scan3A_194, %gt3A_630 : i32
    %convert_element_type3A_632 = arith.extui %gt3A_631 : i1 to i32
    %cond3A_633 = arith.constant 0 : i32
    %cond3A_634 = arith.cmpi ne, %convert_element_type3A_632, %cond3A_633 : i32
    scf.if %cond3A_634 {
      %dma_start3A_635 = arith.constant 3 : i32
      %dma_start3A_636 = arith.constant 0 : i32
      %dma_start3A_637 = tpu.memref_slice %arg17[%dma_start3A_635, %dma_start3A_636] : memref<4x128xi32, #tpu.memory_space<vmem>> -> memref<1x128xi32, #tpu.memory_space<vmem>>
      %dma_start3A_638 = tpu.memref_squeeze %dma_start3A_637 : memref<1x128xi32, #tpu.memory_space<vmem>> -> memref<128xi32, #tpu.memory_space<vmem>>
      %dma_start3A_639 = arith.constant 0 : i32
      %dma_start3A_640 = arith.constant 0 : i32
      %dma_start3A_641 = tpu.memref_slice %arg3[%dma_start3A_639, %dma_start3A_640] : memref<16384x128xf32, #tpu.memory_space<hbm>> -> memref<16384x128xf32, #tpu.memory_space<hbm>>
      tpu.enqueue_indirect_dma source(%dma_start3A_641 : memref<16384x128xf32, #tpu.memory_space<hbm>>) target(%arg18 : memref<128x128xf32, #tpu.memory_space<vmem>>) offsets(%dma_start3A_638 : memref<128xi32, #tpu.memory_space<vmem>>) semaphore(%arg19 : memref<!tpu.dma_semaphore, #tpu.memory_space<semaphore_mem>>)
      %dma_wait3A_642 = arith.constant 3 : i32
      %dma_wait3A_643 = arith.constant 0 : i32
      %dma_wait3A_644 = tpu.memref_slice %arg17[%dma_wait3A_642, %dma_wait3A_643] : memref<4x128xi32, #tpu.memory_space<vmem>> -> memref<1x128xi32, #tpu.memory_space<vmem>>
      %dma_wait3A_645 = tpu.memref_squeeze %dma_wait3A_644 : memref<1x128xi32, #tpu.memory_space<vmem>> -> memref<128xi32, #tpu.memory_space<vmem>>
      %dma_wait3A_646 = arith.constant 0 : i32
      %dma_wait3A_647 = arith.constant 0 : i32
      %dma_wait3A_648 = tpu.memref_slice %arg3[%dma_wait3A_646, %dma_wait3A_647] : memref<16384x128xf32, #tpu.memory_space<hbm>> -> memref<16384x128xf32, #tpu.memory_space<hbm>>
      tpu.wait_indirect_dma semaphore(%arg19 : memref<!tpu.dma_semaphore, #tpu.memory_space<semaphore_mem>>) src(%dma_wait3A_648 : memref<16384x128xf32, #tpu.memory_space<hbm>>) dst(%arg18 : memref<128x128xf32, #tpu.memory_space<vmem>>)
      %dma_start3A_649 = arith.constant 3 : i32
      %dma_start3A_650 = arith.constant 0 : i32
      %dma_start3A_651 = tpu.memref_slice %arg16[%dma_start3A_649, %dma_start3A_650] : memref<4x128xi32, #tpu.memory_space<vmem>> -> memref<1x128xi32, #tpu.memory_space<vmem>>
      %dma_start3A_652 = tpu.memref_squeeze %dma_start3A_651 : memref<1x128xi32, #tpu.memory_space<vmem>> -> memref<128xi32, #tpu.memory_space<vmem>>
      %dma_start3A_653 = arith.constant 0 : i32
      %dma_start3A_654 = arith.constant 0 : i32
      %dma_start3A_655 = tpu.memref_slice %arg4[%dma_start3A_653, %dma_start3A_654] : memref<16384x128xf32, #tpu.memory_space<hbm>> -> memref<16384x128xf32, #tpu.memory_space<hbm>>
      tpu.enqueue_indirect_dma source(%arg18 : memref<128x128xf32, #tpu.memory_space<vmem>>) target(%dma_start3A_655 : memref<16384x128xf32, #tpu.memory_space<hbm>>) offsets(%dma_start3A_652 : memref<128xi32, #tpu.memory_space<vmem>>) semaphore(%arg19 : memref<!tpu.dma_semaphore, #tpu.memory_space<semaphore_mem>>)
      %dma_wait3A_656 = arith.constant 3 : i32
      %dma_wait3A_657 = arith.constant 0 : i32
      %dma_wait3A_658 = tpu.memref_slice %arg16[%dma_wait3A_656, %dma_wait3A_657] : memref<4x128xi32, #tpu.memory_space<vmem>> -> memref<1x128xi32, #tpu.memory_space<vmem>>
      %dma_wait3A_659 = tpu.memref_squeeze %dma_wait3A_658 : memref<1x128xi32, #tpu.memory_space<vmem>> -> memref<128xi32, #tpu.memory_space<vmem>>
      %dma_wait3A_660 = arith.constant 0 : i32
      %dma_wait3A_661 = arith.constant 0 : i32
      %dma_wait3A_662 = tpu.memref_slice %arg4[%dma_wait3A_660, %dma_wait3A_661] : memref<16384x128xf32, #tpu.memory_space<hbm>> -> memref<16384x128xf32, #tpu.memory_space<hbm>>
      tpu.wait_indirect_dma semaphore(%arg19 : memref<!tpu.dma_semaphore, #tpu.memory_space<semaphore_mem>>) src(%arg18 : memref<128x128xf32, #tpu.memory_space<vmem>>) dst(%dma_wait3A_662 : memref<16384x128xf32, #tpu.memory_space<hbm>>)
    } else {
    }
    return
  }
}

</mosaic_0001>

<sc_bundles>
// kernel: kernel.3.cloned.1.call-start
scs
__scs_entry_jumppad:
0x0: {  	(pc) =	sbr.rel $0x88, $3  }
0x1: {  	(tag) =	ssettag $0x0;
	lr =	simm.s32 $0x1  }
0x2: {  	[smem:$0x3F9F] =	sst lr;
	_ =	strace $0xD0000000  }
0x3: {  	_ = 	snop  }
0x4: {  	_ = 	snop  }
0x5: {  	_ = 	snop  }
0x6: {  	_ = 	snop  }
0x7: {  	_ = 	snop  }
__scs_overlays_trampoline_lowered:
0x8: {  	[smem:$0x3FAE] =	sst s0  }
0x9: {  	[smem:$0x3FAF] =	sst s1  }
0xa: {  	[smem:$0x3FB0] =	sst s2  }
0xb: {  	[smem:$0x3FB1] =	sst s3  }
0xc: {  	[smem:$0x3FB2] =	sst s4  }
0xd: {  	[smem:$0x3FB3] =	sst s5  }
0xe: {  	[smem:$0x3FB4] =	sst s6  }
0xf: {  	[smem:$0x3FB5] =	sst s7  }
0x10: {  	[smem:$0x3FB6] =	sst s8  }
0x11: {  	[smem:$0x3FB7] =	sst s9;
	s0 =	simm.s32 @!p0 $0x0  }
0x12: {  	s1 =	sld [smem:$0x3F9D];
	s0 =	simm.s32 @p0 $0x1  }
0x13: {  	[smem:$0x3FB8] =	sst s0;
	s0 =	simm.s32 @!p1 $0x0  }
0x14: {  	s2 =	sld [smem:$0x3F9C];
	s0 =	simm.s32 @p1 $0x1  }
0x15: {  	[smem:$0x3FB9] =	sst s0;
	s0 =	simm.s32 @!p2 $0x0  }
0x16: {  	s3 =	sld [smem:$0x3FDB];
	s0 =	simm.s32 @p2 $0x1  }
0x17: {  	s4 =	simm.s32 $0x1BF5;
	[smem:$0x3FBB] =	sst s0  }
0x18: {  	s0 =	sld [smem:$0x3F9E];
	_ =	swait.ge [sflag:s4], $0x0  }
0x19: {  	s7 =	sld [smem:$0x3F9F]  }
0x1a: {  	s8 =	sadd.s32 $0xFFFFE003, lr  }
0x1b: {  	s9 =	sadd.s32 $0xFFFFFEF7, lr;
	s5 =	simm.s32 $0xFFFFFFFF;
	p2 =	slt.u32 s8, $0xFFFFF086  }
0x1c: {  	p1 =	slt.u32 s9, $0xF7A;
	s5 =	simm.s32 @!p2 $0x0  }
0x1d: {  	s5 =	simm.s32 @p1 $0x1;
	p0 =	seq.s32 s7, s2  }
0x1e: {  	s7 =	smul.u32 @!p0 $0xF7A, s2;
	p2 =	seq.s32 @!p0 s5, $0x0  }
0x1f: {  	s9 =	smul.u32 $0xF7A, s1;
	s8 =	simm.s32 @!p0 $0x1BF5;
	p2 =	por !p2, p0  }
0x20: {  	[sflag:s8] =	ssyncset.s32 @!p0 $0xFFFFF086;
	s6 =	sadd.s32 @!p0 s3, s7;
	s7 =	simm.s32 @!p0 $0x108  }
0x21: {  	s3 =	sadd.s32 s3, s9;
	s6 =	sadd.s32 @!p0 $0x88, s6;
	s7 =	simm.s32 @p2 $0x1082  }
0x22: {  	[simem:s7], [sflag:s8] =	dma.local @!p0 [hbm:s6], $0xF7A  }
0x23: {  	s9 =	sor.u32 $0xD0000000, s2;
	s6 =	simm.s32 $0x108;
	_ =	swait.ge @!p0 [sflag:s8], $0x0  }
0x24: {  	s3 =	sadd.s32 $0x88, s3;
	s6 =	simm.s32 @!p1 $0x1082;
	[sflag:s4] =	ssyncset.s32 $0xFFFFF086  }
0x25: {  	[simem:s6], [sflag:s4] =	dma.local [hbm:s3], $0xF7A  }
0x26: {  	[smem:$0x3F9F] =	sst s1;
	(tag) =	ssettag s2;
	_ =	strace s9  }
0x27: {  	s1 =	sld [smem:$0x3FAF]  }
0x28: {  	s2 =	sld [smem:$0x3FB0]  }
0x29: {  	s4 =	sld [smem:$0x3FB2]  }
0x2a: {  	p0 =	seq.s32 s5, $0x0;
	s5 =	sld [smem:$0x3FB3]  }
0x2b: {  	s6 =	sld [smem:$0x3FB4]  }
0x2c: {  	s7 =	sld [smem:$0x3FB5]  }
0x2d: {  	s3 =	simm.s32 $0x108;
	s8 =	sld [smem:$0x3FB6]  }
0x2e: {  	s3 =	simm.s32 @!p0 $0x1082;
	s9 =	sld [smem:$0x3FB7]  }
0x2f: {  	lr =	sadd.s32 s0, s3;
	s0 =	sld [smem:$0x3FAE]  }
0x30: {  	s3 =	sld [smem:$0x3FB1]  }
0x31: {  	[smem:$0x3FBA] =	sst s10  }
0x32: {  	s10 =	sld [smem:$0x3FB8];
	_ =	sdelay $0x3  }
0x33: {  	p0 =	seq.s32 s10, $0x1;
	s10 =	sld [smem:$0x3FBA];
	_ =	sdelay $0x3  }
0x34: {  	[smem:$0x3FBA] =	sst s10  }
0x35: {  	s10 =	sld [smem:$0x3FB9];
	_ =	sdelay $0x3  }
0x36: {  	p1 =	seq.s32 s10, $0x1;
	s10 =	sld [smem:$0x3FBA];
	_ =	sdelay $0x3  }
0x37: {  	[smem:$0x3FBA] =	sst s10  }
0x38: {  	s10 =	sld [smem:$0x3FBB]  }
0x39: {  	_ = 	snop;
	(pc) =	sbr.ind lr, $3  }
0x3a: {  	_ = 	snop  }
0x3b: {  	_ = 	snop  }
0x3c: {  	p2 =	seq.s32 s10, $0x1;
	s10 =	sld [smem:$0x3FBA]  }
0x3d: {  	_ =	shalt  }
0x3e: {  	_ =	shalt  }
0x3f: {  	_ =	shalt  }
0x40: {  	_ =	shalt  }
0x41: {  	_ =	shalt  }
0x42: {  	_ =	shalt  }
0x43: {  	_ =	shalt  }
0x44: {  	_ =	shalt  }
0x45: {  	_ =	shalt  }
0x46: {  	_ =	shalt  }
0x47: {  	_ =	shalt  }
0x48: {  	_ =	shalt  }
0x49: {  	_ =	shalt  }
0x4a: {  	_ =	shalt  }
0x4b: {  	_ =	shalt  }
0x4c: {  	_ =	shalt  }
0x4d: {  	_ =	shalt  }
0x4e: {  	_ =	shalt  }
0x4f: {  	_ =	shalt  }
0x50: {  	_ =	shalt  }
0x51: {  	_ =	shalt  }
0x52: {  	_ =	shalt  }
0x53: {  	_ =	shalt  }
0x54: {  	_ =	shalt  }
0x55: {  	_ =	shalt  }
0x56: {  	_ =	shalt  }
0x57: {  	_ =	shalt  }
0x58: {  	_ =	shalt  }
0x59: {  	_ =	shalt  }
0x5a: {  	_ =	shalt  }
0x5b: {  	_ =	shalt  }
0x5c: {  	_ =	shalt  }
0x5d: {  	_ =	shalt  }
0x5e: {  	_ =	shalt  }
0x5f: {  	_ =	shalt  }
0x60: {  	_ =	shalt  }
0x61: {  	_ =	shalt  }
0x62: {  	_ =	shalt  }
0x63: {  	_ =	shalt  }
0x64: {  	_ =	shalt  }
0x65: {  	_ =	shalt  }
0x66: {  	_ =	shalt  }
0x67: {  	_ =	shalt  }
0x68: {  	_ =	shalt  }
0x69: {  	_ =	shalt  }
0x6a: {  	_ =	shalt  }
0x6b: {  	_ =	shalt  }
0x6c: {  	_ =	shalt  }
0x6d: {  	_ =	shalt  }
0x6e: {  	_ =	shalt  }
0x6f: {  	_ =	shalt  }
0x70: {  	_ =	shalt  }
0x71: {  	_ =	shalt  }
0x72: {  	_ =	shalt  }
0x73: {  	_ =	shalt  }
0x74: {  	_ =	shalt  }
0x75: {  	_ =	shalt  }
0x76: {  	_ =	shalt  }
0x77: {  	_ =	shalt  }
0x78: {  	_ =	shalt  }
0x79: {  	_ =	shalt  }
0x7a: {  	_ =	shalt  }
0x7b: {  	_ =	shalt  }
0x7c: {  	_ =	shalt  }
0x7d: {  	_ =	shalt  }
0x7e: {  	_ =	shalt  }
0x7f: {  	_ =	shalt  }
0x80: {  	_ =	shalt  }
0x81: {  	_ =	shalt  }
0x82: {  	_ =	shalt  }
0x83: {  	_ =	shalt  }
0x84: {  	_ =	shalt  }
0x85: {  	_ =	shalt  }
0x86: {  	_ =	shalt  }
0x87: {  	_ =	shalt  }
.Lfunc_end0:
.L_simem_size_0:
called_computation_lowered:
.L_overlay_start_0:
0x88: {  	s2 =	sld [smem:$0x3FD9]  }
0x89: {  	s3 =	sld [smem:$0x3FFE];
	_ =	sdelay $0x1  }
0x8a: {  	s1 =	srdreg.scid  }
0x8b: {  	s0 =	sand.u32 $0x1, s1  }
0x8c: {  	s18 =	sshll.u32 s0, $0xA;
	s2 =	sadd.s32 s3, s2  }
0x8d: {  	s2 =	sadd.s32 s2, s18  }
0x8e: {  	[smem:$0x3FC6] =	sst s2  }
0x8f: {  	_ = 	snop  }
0x90: {  	s2 =	sld [smem:$0x3FC9]  }
0x91: {  	s19 =	sld [smem:$0x3FC8]  }
0x92: {  	s4 =	sld [smem:$0x3FD0];
	(tm) =	ssettm $0x1  }
0x93: {  	s5 =	sld [smem:$0x3FFB];
	_ =	sdelay $0x3  }
0x94: {  	_ =	strace s5  }
0x95: {  	s5 =	sld [smem:$0x3FFC];
	_ =	sdelay $0x3  }
0x96: {  	_ =	strace s5  }
0x97: {  	s5 =	sld [smem:$0x3FFD];
	_ =	sdelay $0x3  }
0x98: {  	_ =	strace s5  }
0x99: {  	_ =	strace $0x8FFFFFFF  }
0x9a: {  	s20 =	sld [smem:$0x3FDB];
	_ =	sdelay $0x1  }
0x9b: {  	s6 =	simm.s32 $_scs_section_size  }
0x9c: {  	s7 =	simm.s32 $_size__tile_overlayer_lowered;
	s8 =	simm.s32 $_tile_overlayer_lowered  }
0x9d: {  	s23 =	simm.s32 $0x1BFF;
	s22 =	sshll.u32 s8, $0x1;
	s5 =	sadd.s32 s6, s20  }
0x9e: {  	s9 =	simm.s32 $0x0;
	s21 =	sshll.u32 s7, $0x1;
	s7 =	sadd.s32 s22, s5  }
0x9f: {  	[timem:s9], [sflag:s23] =	dma.local [hbm:s7], s21  }
0xa0: {  	_ =	swait.ge [sflag:s23], s21  }
0xa1: {  	s6 =	ssub.s32 $0x0, s21;
	[sflag:s23] =	ssyncset.done $0x0  }
0xa2: {  	[sflag:s23] =	ssyncadd.s32 s6;
	_ =	sdelay $0x1  }
0xa3: {  	s24 =	simm.s32 $0x1B8B  }
0xa4: {  	_ =	swait.ge [sflag:s24], $0x1  }
0xa5: {  	[sflag:s24] =	ssyncset.done $0x0  }
0xa6: {  	s25 =	simm.s32 $0x1B8E;
	[sflag:s24] =	ssyncadd.s32 $0xFFFFFFFF  }
0xa7: {  	s26 =	simm.s32 $execute0_lowered;
	[smem:$0x3FD2] =	sst s25  }
0xa8: {  	s6 =	sshll.u32 s26, $0x1;
	_ =	strace $0x80000046;
	[dreg:$0x1] =	wrdreg $0xFFFFFFFF  }
0xa9: {  	s28 =	simm.s32 $_size_execute0_lowered;
	s5 =	sadd.s32 s5, s6;
	[dreg:$0x0] =	wrdreg $0x0  }
0xaa: {  	s6 =	sshll.u32 s28, $0x1;
	[dreg:$0x2] =	wrdreg s5  }
0xab: {  	[dreg:$0x3] =	wrdreg s6  }
0xac: {  	[dreg:$0x4] =	wrdreg $0xC0  }
0xad: {  	_ =	task [dreg:s9], $0x5FFFF  }
0xae: {  	[dreg:$0x1] =	wrdreg $0xFFFFFFFF  }
0xaf: {  	[dreg:$0x0] =	wrdreg $0x60  }
0xb0: {  	[dreg:$0x2] =	wrdreg s2  }
0xb1: {  	[dreg:$0x3] =	wrdreg s19  }
0xb2: {  	[dreg:$0x4] =	wrdreg s4  }
0xb3: {  	[dreg:$0x5] =	wrdreg $0x0  }
0xb4: {  	[dreg:$0x6] =	wrdreg $0x18F00  }
0xb5: {  	[dreg:$0x7] =	wrdreg $0x9  }
0xb6: {  	_ =	task.clear_ibuf [dreg:s9], $0x8FFFF;
	_ =	strace $0x90000046  }
0xb7: {  	s29 =	simm.s32 $0x9;
	_ =	strace $0x80000048  }
0xb8: {  	_ =	swait.ge [sflag:s29], $0x1  }
0xb9: {  	[sflag:s29] =	ssyncadd.s32 $0xFFFFFFFF  }
0xba: {  	_ =	strace $0x90000048  }
0xbb: {  	_ =	sfence  }
0xbc: {  	s30 =	sld [smem:$0x0];
	_ =	sdelay $0x2  }
0xbd: {  	s31 =	sshll.u32 s1, $0xD;
	s1 =	sshrl.u32 s1, $0x2  }
0xbe: {  	s3 =	sand.u32 $0x4000, s31;
	s1 =	sadd.s32 s1, s30  }
0xbf: {  	s0 =	sor.u32 s3, s0;
	s1 =	sshll.u32 s1, $0x11  }
0xc0: {  	s0 =	sor.u32 s1, s0  }
0xc1: {  	s0 =	sadd.s32 $0x8F2B, s0  }
0xc2: {  	[sflag:s0] =	ssyncadd.remote.s32 $0x1  }
0xc3: {  	_ =	sfence.sel $0xFFFF  }
0xc4: {  	[dreg:$0x0] =	wrdreg $0xFFFFFFFF;
	(pc) =	sbr.abs _section_cstart, $3  }
0xc5: {  	[dreg:$0x1] =	wrdreg $0xFFFFFFFF  }
0xc6: {  	_ =	task.clear_ibuf [dreg:s9], $0x2FFFF;
	_ =	strace $0x9FFFFFFF  }
0xc7: {  	(tm) =	ssettm $0x7FFFFFFF  }
tec
execute0_lowered:
.L_overlay_start_1:
0x0: {  	(tag) =	ssettag $0x1  }
0x1: {  	s0 =	rddreg [dreg:$0x0]  }
0x2: {  	s12 =	rddreg [dreg:$0x1]  }
0x3: {  	s13 =	rddreg [dreg:$0x2]  }
0x4: {  	s3 =	rddreg [dreg:$0x3]  }
0x5: {  	s14 =	rddreg [dreg:$0x4];
	s1 =	simm.s32 $0x0  }
0x6: {  	s16 =	srdreg.scid;
	s15 =	stileid.u32;
	s30 =	simm.s32 $0x1C80  }
0x7: {  	s31 =	simm.s32 $0x2900;
	[smem:$0x7FF] =	sst s1;
	s1 =	sand.u32 $0x1, s16  }
0x8: {  	s7 =	sshll.u32 s15, $0xA;
	s5 =	sshll.u32 s15, $0x7;
	s21 =	sshll.u32 s15, $0x4  }
0x9: {  	s16 =	simm.s32 $0x2880;
	_ =	strace $0x80000047;
	s2 =	ssub.s32 $0x2, s1  }
0xa: {  	s1 =	sshll.u32 s1, $0x9;
	s9 =	sadd.s32 $0x186A0, s5;
	s0 =	sadd.s32 s0, s5  }
0xb: {  	s15 =	sadd.s32 s21, s14;
	s28 =	sor.u32 $0x300, s7;
	s29 =	sor.u32 $0x380, s7  }
0xc: {  	s21 =	simm.s32 $0x0;
	s4 =	sshrl.u32 s2, $0x1;
	s8 =	sor.u32 s1, s7  }
0xd: {  	[dreg:$0xa] =	wrdreg s0;
	s0 =	simm.s32 $0x2980;
	s17 =	sshll.u32 s8, $0x4  }
0xe: {  	s2 =	ssub.s32 s2, s4;
	s4 =	simm.s32 $0x2800;
	s6 =	sadd.s32 s12, s17  }
0xf: {  	s18 =	sor.u32 $0x800, s17;
	s22 =	sadd.s32 s13, s17;
	[dreg:$0x6] =	wrdreg s6  }
0x10: {  	s10 =	sor.u32 $0x1000, s17;
	s26 =	smax.u32 s2, $0x1;
	[dreg:$0xb] =	wrdreg s22  }
0x11: {  	s20 =	sor.u32 $0x1800, s17;
	s11 =	sadd.s32 s12, s18;
	[dreg:$0xf] =	wrdreg s26  }
0x12: {  	s17 =	simm.s32 $0x3;
	s19 =	sadd.s32 s12, s10;
	[dreg:$0x7] =	wrdreg s11  }
0x13: {  	s12 =	sadd.s32 s12, s20;
	s23 =	sadd.s32 s13, s18;
	[dreg:$0x8] =	wrdreg s19  }
0x14: {  	s24 =	sadd.s32 s13, s10;
	s25 =	sadd.s32 s13, s20;
	[dreg:$0x9] =	wrdreg s12  }
.Ltmp0:
0x15: {  	s20 =	sor.u32 $0x2500, s1;
	[dreg:$0xc] =	wrdreg s23;
	(pc) =	sbr.rel .LBB2_1-.Ltmp0, $4  }
0x16: {  	s22 =	sor.u32 $0x80, s7;
	s26 =	sor.u32 $0x280, s7;
	[dreg:$0xd] =	wrdreg s24  }
0x17: {  	s13 =	simm.s32 $0x80;
	s6 =	simm.s32 $0x1C00;
	[dreg:$0xe] =	wrdreg s25  }
0x18: {  	s23 =	sor.u32 $0x100, s7;
	s24 =	sor.u32 $0x180, s7;
	s25 =	sor.u32 $0x200, s7  }
0x19: {  	v0 =	vlaneseq.u32;
	v1 =	vimm.s32 $0x0;
	s11 =	simm.s32 $0x2A80;
	s19 =	simm.s32 $0x6A80;
	s12 =	simm.s32 $0x1  }
.LBB2_27:
0x1a: {  	s21 =	sadd.s32 $0x1, s21;
	s1 =	rddreg [dreg:$0xf]  }
0x1b: {  	p0 =	sne.s32 s21, s1  }
.Ltmp1:
0x1c: {  	_ = 	snop;
	(pc) =	sbr.rel @!p0 .LBB2_28-.Ltmp1, $2  }
0x1d: {  	_ =	sdelay $0x2  }
0x1e: {  	s14 =	rddreg [dreg:$0x4];
	s11 =	simm.s32 $0x2A80;
	s19 =	simm.s32 $0x6A80  }
.LBB2_1:
0x1f: {  	[dreg:$0x10] =	wrdreg s21  }
0x20: {  	s1 =	simm.s32 $0x0;
	s2 =	rddreg [dreg:$0x6]  }
0x21: {  	[tilespmem:s11], [sflag:$0x2] =	stream.linear.gather [hbm4b:s2+s1], $0x4000, $0x38;
	[tilespmem:$0x17380] =	vst v63  }
0x22: {  	s5 =	rddreg [dreg:$0x7]  }
0x23: {  	[tilespmem:s19], [sflag:$0x2] =	stream.linear.gather [hbm4b:s5+s1], $0x4000, $0x38;
	[tilespmem:$0x17380] =	vst v63  }
0x24: {  	s10 =	rddreg [dreg:$0x8];
	s21 =	simm.s32 $0xAA80  }
0x25: {  	[tilespmem:s21], [sflag:$0x2] =	stream.linear.gather [hbm4b:s10+s1], $0x4000, $0x38;
	[tilespmem:$0x17380] =	vst v63  }
0x26: {  	s18 =	rddreg [dreg:$0x9];
	s5 =	simm.s32 $0xEA80  }
0x27: {  	[tilespmem:s5], [sflag:$0x2] =	stream.linear.gather [hbm4b:s18+s1], $0x4000, $0x38;
	[tilespmem:$0x17380] =	vst v63  }
0x28: {  	s2 =	rddreg [dreg:$0xa];
	s10 =	simm.s32 $0x1900  }
0x29: {  	[tilespmem:s10], [sflag:$0x1] =	stream.linear.gather [hbm4b:s2+s1], $0x400, $0x38;
	[tilespmem:$0x17380] =	vst v63  }
0x2a: {  	s18 =	simm.s32 $0x2100  }
0x2b: {  	[tilespmem:s18], [sflag:$0x1] =	stream.linear.gather [hbm4b:s2+s1], $0x400, $0x38;
	[tilespmem:$0x17380] =	vst v63  }
0x2c: {  	v2 =	vor.u32 s7, v0;
	s5 =	smov.u32 s7;
	s1 =	simm.s32 $0x40;
	s2 =	simm.s32 $0x0  }
.LBB2_2:
0x2d: {  	p0 =	sne.s32 s1, $0xFC0  }
0x2e: {  	[tilespmem:s2+$0x1D00] =	vst v2;
	s5 =	sadd.s32 $0x10, s5;
	s2 =	smov.u32 s1;
	s1 =	sadd.s32 $0x40, s1  }
.Ltmp2:
0x2f: {  	(pc) =	sbr.rel @p0 .LBB2_2-.Ltmp2, $2  }
0x30: {  	_ =	sdelay $0x2  }
0x31: {  	v2 =	vor.u32 s5, v0;
	s2 =	sshra.s32 s2, $0x2  }
0x32: {  	[tilespmem:s2+$0x1D00] =	vst v2  }
0x33: {  	_ =	swait.ge [sflag:s12], $0x400  }
0x34: {  	[sflag:s12] =	ssyncset.done $0x0  }
0x35: {  	[sflag:s12] =	ssyncadd.s32 $0xFFFFFC00  }
0x36: {  	_ =	swait.ge [sflag:s12], $0x400  }
0x37: {  	[sflag:s12] =	ssyncset.done $0x0  }
0x38: {  	[sflag:s12] =	ssyncadd.s32 $0xFFFFFC00  }
.LBB2_4:
0x39: {  	s1 =	simm.s32 $0x2100;
	s2 =	simm.s32 $0x1D00  }
0x3a: {  	[spmem:s3] =	stream.indirect.scatter [tilespmem:s2], [sflag:$0x1], $0x1, s1, s13, $0xb8;
	[tilespmem:$0x17380] =	vst v63  }
0x3b: {  	s10 =	simm.s32 $0x2180;
	s18 =	simm.s32 $0x1D80  }
0x3c: {  	[spmem:s3] =	stream.indirect.scatter [tilespmem:s18], [sflag:$0x1], $0x1, s10, s13, $0xb8;
	[tilespmem:$0x17380] =	vst v63  }
0x3d: {  	s5 =	simm.s32 $0x1E00;
	s2 =	simm.s32 $0x2200  }
0x3e: {  	[spmem:s3] =	stream.indirect.scatter [tilespmem:s5], [sflag:$0x1], $0x1, s2, s13, $0xb8;
	[tilespmem:$0x17380] =	vst v63  }
0x3f: {  	s10 =	simm.s32 $0x2280;
	s18 =	simm.s32 $0x1E80  }
0x40: {  	[spmem:s3] =	stream.indirect.scatter [tilespmem:s18], [sflag:$0x1], $0x1, s10, s13, $0xb8;
	[tilespmem:$0x17380] =	vst v63  }
0x41: {  	s2 =	simm.s32 $0x2300;
	s5 =	simm.s32 $0x1F00  }
0x42: {  	[spmem:s3] =	stream.indirect.scatter [tilespmem:s5], [sflag:$0x1], $0x1, s2, s13, $0xb8;
	[tilespmem:$0x17380] =	vst v63  }
0x43: {  	s10 =	simm.s32 $0x2380;
	s18 =	simm.s32 $0x1F80  }
0x44: {  	[spmem:s3] =	stream.indirect.scatter [tilespmem:s18], [sflag:$0x1], $0x1, s10, s13, $0xb8;
	[tilespmem:$0x17380] =	vst v63  }
0x45: {  	s2 =	simm.s32 $0x2400;
	s5 =	simm.s32 $0x2000  }
0x46: {  	[spmem:s3] =	stream.indirect.scatter [tilespmem:s5], [sflag:$0x1], $0x1, s2, s13, $0xb8;
	[tilespmem:$0x17380] =	vst v63  }
0x47: {  	s10 =	simm.s32 $0x2480;
	s18 =	simm.s32 $0x2080  }
0x48: {  	[spmem:s3] =	stream.indirect.scatter [tilespmem:s18], [sflag:$0x1], $0x1, s10, s13, $0xb8;
	[tilespmem:$0x17380] =	vst v63  }
0x49: {  	_ =	swait.ge [sflag:s12], $0x80  }
0x4a: {  	[sflag:s12] =	ssyncset.done $0x0  }
0x4b: {  	[sflag:s12] =	ssyncadd.s32 $0xFFFFFF80  }
0x4c: {  	_ =	swait.ge [sflag:s12], $0x80  }
0x4d: {  	[sflag:s12] =	ssyncset.done $0x0  }
0x4e: {  	[sflag:s12] =	ssyncadd.s32 $0xFFFFFF80  }
0x4f: {  	_ =	swait.ge [sflag:s12], $0x80  }
0x50: {  	[sflag:s12] =	ssyncset.done $0x0  }
0x51: {  	[sflag:s12] =	ssyncadd.s32 $0xFFFFFF80  }
0x52: {  	_ =	swait.ge [sflag:s12], $0x80  }
0x53: {  	[sflag:s12] =	ssyncset.done $0x0  }
0x54: {  	[sflag:s12] =	ssyncadd.s32 $0xFFFFFF80  }
0x55: {  	_ =	swait.ge [sflag:s12], $0x80  }
0x56: {  	[sflag:s12] =	ssyncset.done $0x0  }
0x57: {  	[sflag:s12] =	ssyncadd.s32 $0xFFFFFF80  }
0x58: {  	_ =	swait.ge [sflag:s12], $0x80  }
0x59: {  	[sflag:s12] =	ssyncset.done $0x0  }
0x5a: {  	[sflag:s12] =	ssyncadd.s32 $0xFFFFFF80  }
0x5b: {  	_ =	swait.ge [sflag:s12], $0x80  }
0x5c: {  	[sflag:s12] =	ssyncset.done $0x0  }
0x5d: {  	[sflag:s12] =	ssyncadd.s32 $0xFFFFFF80  }
0x5e: {  	_ =	swait.ge [sflag:s12], $0x80  }
0x5f: {  	[sflag:s12] =	ssyncset.done $0x0  }
0x60: {  	[sflag:s12] =	ssyncadd.s32 $0xFFFFFF80  }
0x61: {  	s2 =	simm.s32 $0x1900;
	s5 =	simm.s32 $0x2500;
	[bflag:$0x0] =	sbarrier.arrive $0xFFFF  }
0x62: {  	[tilespmem:s5], [sflag:$0x1] =	stream.indirect.gather [spmem:s3], $0x1, s2, s13, $0xb8;
	[tilespmem:$0x17380] =	vst v63  }
0x63: {  	s10 =	simm.s32 $0x1980;
	s18 =	simm.s32 $0x2580  }
0x64: {  	[tilespmem:s18], [sflag:$0x1] =	stream.indirect.gather [spmem:s3], $0x1, s10, s13, $0xb8;
	[tilespmem:$0x17380] =	vst v63  }
0x65: {  	s2 =	simm.s32 $0x1A00;
	s5 =	simm.s32 $0x2600  }
0x66: {  	[tilespmem:s5], [sflag:$0x1] =	stream.indirect.gather [spmem:s3], $0x1, s2, s13, $0xb8;
	[tilespmem:$0x17380] =	vst v63  }
0x67: {  	s10 =	simm.s32 $0x1A80;
	s18 =	simm.s32 $0x2680  }
0x68: {  	[tilespmem:s18], [sflag:$0x1] =	stream.indirect.gather [spmem:s3], $0x1, s10, s13, $0xb8;
	[tilespmem:$0x17380] =	vst v63  }
0x69: {  	s2 =	simm.s32 $0x1B00;
	s5 =	simm.s32 $0x2700  }
0x6a: {  	[tilespmem:s5], [sflag:$0x1] =	stream.indirect.gather [spmem:s3], $0x1, s2, s13, $0xb8;
	[tilespmem:$0x17380] =	vst v63  }
0x6b: {  	s10 =	simm.s32 $0x1B80;
	s18 =	simm.s32 $0x2780  }
0x6c: {  	[tilespmem:s18], [sflag:$0x1] =	stream.indirect.gather [spmem:s3], $0x1, s10, s13, $0xb8;
	[tilespmem:$0x17380] =	vst v63  }
0x6d: {  	_ = 	snop  }
0x6e: {  	[tilespmem:s4], [sflag:$0x1] =	stream.indirect.gather [spmem:s3], $0x1, s6, s13, $0xb8;
	[tilespmem:$0x17380] =	vst v63  }
0x6f: {  	_ = 	snop  }
0x70: {  	[tilespmem:s16], [sflag:$0x1] =	stream.indirect.gather [spmem:s3], $0x1, s30, s13, $0xb8;
	[tilespmem:$0x17380] =	vst v63  }
0x71: {  	_ =	swait.ge [sflag:s12], $0x80  }
0x72: {  	[sflag:s12] =	ssyncset.done $0x0  }
0x73: {  	s5 =	simm.s32 $0x0;
	[sflag:s12] =	ssyncadd.s32 $0xFFFFFF80  }
0x74: {  	v3 =	vld [tilespmem:s5+$0x2500]  }
0x75: {  	v4 =	vld [tilespmem:s5+$0x1900];
	_ =	sdelay $0x2  }
0x76: {  	v2 =	vimm.s32 $0x0;
	v5 =	vor.u32 s7, v0;
	s1 =	smov.u32 s7;
	s10 =	simm.s32 $0x40;
	s18 =	smov.u32 s9  }
.LBB2_5:
0x77: {  	s2 =	sshra.s32 s10, $0x2;
	p0 =	sne.s32 s10, $0x1C0;
	s10 =	sadd.s32 $0x40, s10;
	vm0 =	vgt.s32 v5, v3;
	v5 =	vor.u32 s18, v0  }
.Ltmp3:
0x78: {  	v3 =	vld [tilespmem:s2+$0x2500];
	v5 =	vsel vm0, v4, v5;
	v6 =	vsel vm0, $0x1, v1;
	(pc) =	sbr.rel @p0 .LBB2_5-.Ltmp3, $3  }
0x79: {  	v4 =	vld [tilespmem:s2+$0x1900];
	[tilespmem:s5+$0x2100] =	vst v5;
	v2 =	vadd.s32 v6, v2;
	s5 =	smov.u32 s2;
	_ =	sdelay $0x1  }
0x7a: {  	s1 =	sadd.s32 $0x10, s1  }
0x7b: {  	s18 =	sadd.s32 $0x10, s18;
	v5 =	vor.u32 s1, v0  }
0x7c: {  	vm0 =	vgt.s32 v5, v3;
	v3 =	vor.u32 s18, v0  }
0x7d: {  	v3 =	vsel vm0, v4, v3  }
0x7e: {  	[tilespmem:s5+$0x2100] =	vst v3  }
0x7f: {  	_ =	swait.ge [sflag:s12], $0x80  }
0x80: {  	[sflag:s12] =	ssyncset.done $0x0  }
0x81: {  	s5 =	simm.s32 $0x0;
	[sflag:s12] =	ssyncadd.s32 $0xFFFFFF80  }
0x82: {  	v4 =	vsel vm0, $0x1, v1;
	v3 =	vld [tilespmem:s5+$0x2580]  }
0x83: {  	v2 =	vadd.s32 v4, v2;
	v4 =	vld [tilespmem:s5+$0x1980];
	_ =	sdelay $0x2  }
0x84: {  	s10 =	simm.s32 $0x40;
	v5 =	vor.u32 s22, v0;
	s18 =	smov.u32 s9;
	s1 =	smov.u32 s22  }
.LBB2_7:
0x85: {  	s2 =	sshra.s32 s10, $0x2;
	p0 =	sne.s32 s10, $0x1C0;
	s10 =	sadd.s32 $0x40, s10;
	vm0 =	vgt.s32 v5, v3;
	v5 =	vor.u32 s18, v0  }
.Ltmp4:
0x86: {  	v3 =	vld [tilespmem:s2+$0x2580];
	v5 =	vsel vm0, v4, v5;
	v6 =	vsel vm0, $0x1, v1;
	(pc) =	sbr.rel @p0 .LBB2_7-.Ltmp4, $3  }
0x87: {  	v4 =	vld [tilespmem:s2+$0x1980];
	[tilespmem:s5+$0x2180] =	vst v5;
	v2 =	vadd.s32 v6, v2;
	s5 =	smov.u32 s2;
	_ =	sdelay $0x1  }
0x88: {  	s1 =	sadd.s32 $0x10, s1  }
0x89: {  	s18 =	sadd.s32 $0x10, s18;
	v5 =	vor.u32 s1, v0  }
0x8a: {  	vm0 =	vgt.s32 v5, v3;
	v3 =	vor.u32 s18, v0  }
0x8b: {  	v3 =	vsel vm0, v4, v3  }
0x8c: {  	[tilespmem:s5+$0x2180] =	vst v3  }
0x8d: {  	_ =	swait.ge [sflag:s12], $0x80  }
0x8e: {  	[sflag:s12] =	ssyncset.done $0x0  }
0x8f: {  	s5 =	simm.s32 $0x0;
	[sflag:s12] =	ssyncadd.s32 $0xFFFFFF80  }
0x90: {  	v4 =	vsel vm0, $0x1, v1;
	v3 =	vld [tilespmem:s5+$0x2600]  }
0x91: {  	v2 =	vadd.s32 v4, v2;
	v4 =	vld [tilespmem:s5+$0x1A00];
	_ =	sdelay $0x2  }
0x92: {  	s10 =	simm.s32 $0x40;
	v5 =	vor.u32 s23, v0;
	s18 =	smov.u32 s9;
	s1 =	smov.u32 s23  }
.LBB2_9:
0x93: {  	s2 =	sshra.s32 s10, $0x2;
	p0 =	sne.s32 s10, $0x1C0;
	s10 =	sadd.s32 $0x40, s10;
	vm0 =	vgt.s32 v5, v3;
	v5 =	vor.u32 s18, v0  }
.Ltmp5:
0x94: {  	v3 =	vld [tilespmem:s2+$0x2600];
	v5 =	vsel vm0, v4, v5;
	v6 =	vsel vm0, $0x1, v1;
	(pc) =	sbr.rel @p0 .LBB2_9-.Ltmp5, $3  }
0x95: {  	v4 =	vld [tilespmem:s2+$0x1A00];
	[tilespmem:s5+$0x2200] =	vst v5;
	v2 =	vadd.s32 v6, v2;
	s5 =	smov.u32 s2;
	_ =	sdelay $0x1  }
0x96: {  	s1 =	sadd.s32 $0x10, s1  }
0x97: {  	s18 =	sadd.s32 $0x10, s18;
	v5 =	vor.u32 s1, v0  }
0x98: {  	vm0 =	vgt.s32 v5, v3;
	v3 =	vor.u32 s18, v0  }
0x99: {  	v3 =	vsel vm0, v4, v3  }
0x9a: {  	[tilespmem:s5+$0x2200] =	vst v3  }
0x9b: {  	_ =	swait.ge [sflag:s12], $0x80  }
0x9c: {  	[sflag:s12] =	ssyncset.done $0x0  }
0x9d: {  	s5 =	simm.s32 $0x0;
	[sflag:s12] =	ssyncadd.s32 $0xFFFFFF80  }
0x9e: {  	v4 =	vsel vm0, $0x1, v1;
	v3 =	vld [tilespmem:s5+$0x2680]  }
0x9f: {  	v2 =	vadd.s32 v4, v2;
	v4 =	vld [tilespmem:s5+$0x1A80];
	_ =	sdelay $0x2  }
0xa0: {  	s10 =	simm.s32 $0x40;
	v5 =	vor.u32 s24, v0;
	s18 =	smov.u32 s9;
	s1 =	smov.u32 s24  }
.LBB2_11:
0xa1: {  	s2 =	sshra.s32 s10, $0x2;
	p0 =	sne.s32 s10, $0x1C0;
	s10 =	sadd.s32 $0x40, s10;
	vm0 =	vgt.s32 v5, v3;
	v5 =	vor.u32 s18, v0  }
.Ltmp6:
0xa2: {  	v3 =	vld [tilespmem:s2+$0x2680];
	v5 =	vsel vm0, v4, v5;
	v6 =	vsel vm0, $0x1, v1;
	(pc) =	sbr.rel @p0 .LBB2_11-.Ltmp6, $3  }
0xa3: {  	v4 =	vld [tilespmem:s2+$0x1A80];
	[tilespmem:s5+$0x2280] =	vst v5;
	v2 =	vadd.s32 v6, v2;
	s5 =	smov.u32 s2;
	_ =	sdelay $0x1  }
0xa4: {  	s1 =	sadd.s32 $0x10, s1  }
0xa5: {  	s18 =	sadd.s32 $0x10, s18;
	v5 =	vor.u32 s1, v0  }
0xa6: {  	vm0 =	vgt.s32 v5, v3;
	v3 =	vor.u32 s18, v0  }
0xa7: {  	v3 =	vsel vm0, v4, v3  }
0xa8: {  	[tilespmem:s5+$0x2280] =	vst v3  }
0xa9: {  	_ =	swait.ge [sflag:s12], $0x80  }
0xaa: {  	[sflag:s12] =	ssyncset.done $0x0  }
0xab: {  	s5 =	simm.s32 $0x0;
	[sflag:s12] =	ssyncadd.s32 $0xFFFFFF80  }
0xac: {  	v4 =	vsel vm0, $0x1, v1;
	v3 =	vld [tilespmem:s5+$0x2700]  }
0xad: {  	v2 =	vadd.s32 v4, v2;
	v4 =	vld [tilespmem:s5+$0x1B00];
	_ =	sdelay $0x2  }
0xae: {  	s10 =	simm.s32 $0x40;
	v5 =	vor.u32 s25, v0;
	s18 =	smov.u32 s9;
	s1 =	smov.u32 s25  }
.LBB2_13:
0xaf: {  	s2 =	sshra.s32 s10, $0x2;
	p0 =	sne.s32 s10, $0x1C0;
	s10 =	sadd.s32 $0x40, s10;
	vm0 =	vgt.s32 v5, v3;
	v5 =	vor.u32 s18, v0  }
.Ltmp7:
0xb0: {  	v3 =	vld [tilespmem:s2+$0x2700];
	v5 =	vsel vm0, v4, v5;
	v6 =	vsel vm0, $0x1, v1;
	(pc) =	sbr.rel @p0 .LBB2_13-.Ltmp7, $3  }
0xb1: {  	v4 =	vld [tilespmem:s2+$0x1B00];
	[tilespmem:s5+$0x2300] =	vst v5;
	v2 =	vadd.s32 v6, v2;
	s5 =	smov.u32 s2;
	_ =	sdelay $0x1  }
0xb2: {  	s1 =	sadd.s32 $0x10, s1  }
0xb3: {  	s18 =	sadd.s32 $0x10, s18;
	v5 =	vor.u32 s1, v0  }
0xb4: {  	vm0 =	vgt.s32 v5, v3;
	v3 =	vor.u32 s18, v0  }
0xb5: {  	v3 =	vsel vm0, v4, v3  }
0xb6: {  	[tilespmem:s5+$0x2300] =	vst v3  }
0xb7: {  	_ =	swait.ge [sflag:s12], $0x80  }
0xb8: {  	[sflag:s12] =	ssyncset.done $0x0  }
0xb9: {  	s5 =	simm.s32 $0x0;
	[sflag:s12] =	ssyncadd.s32 $0xFFFFFF80  }
0xba: {  	v4 =	vsel vm0, $0x1, v1;
	v3 =	vld [tilespmem:s5+$0x2780]  }
0xbb: {  	v2 =	vadd.s32 v4, v2;
	v4 =	vld [tilespmem:s5+$0x1B80];
	_ =	sdelay $0x2  }
0xbc: {  	s10 =	simm.s32 $0x40;
	v5 =	vor.u32 s26, v0;
	s18 =	smov.u32 s9;
	s1 =	smov.u32 s26  }
.LBB2_15:
0xbd: {  	s2 =	sshra.s32 s10, $0x2;
	p0 =	sne.s32 s10, $0x1C0;
	s10 =	sadd.s32 $0x40, s10;
	vm0 =	vgt.s32 v5, v3;
	v5 =	vor.u32 s18, v0  }
.Ltmp8:
0xbe: {  	v3 =	vld [tilespmem:s2+$0x2780];
	v5 =	vsel vm0, v4, v5;
	v6 =	vsel vm0, $0x1, v1;
	(pc) =	sbr.rel @p0 .LBB2_15-.Ltmp8, $3  }
0xbf: {  	v4 =	vld [tilespmem:s2+$0x1B80];
	[tilespmem:s5+$0x2380] =	vst v5;
	v2 =	vadd.s32 v6, v2;
	s5 =	smov.u32 s2;
	_ =	sdelay $0x1  }
0xc0: {  	s1 =	sadd.s32 $0x10, s1  }
0xc1: {  	s18 =	sadd.s32 $0x10, s18;
	v5 =	vor.u32 s1, v0  }
0xc2: {  	vm0 =	vgt.s32 v5, v3;
	v3 =	vor.u32 s18, v0  }
0xc3: {  	v3 =	vsel vm0, v4, v3  }
0xc4: {  	[tilespmem:s5+$0x2380] =	vst v3  }
0xc5: {  	_ =	swait.ge [sflag:s12], $0x80  }
0xc6: {  	[sflag:s12] =	ssyncset.done $0x0  }
0xc7: {  	s5 =	simm.s32 $0x0;
	[sflag:s12] =	ssyncadd.s32 $0xFFFFFF80  }
0xc8: {  	v4 =	vsel vm0, $0x1, v1;
	v3 =	vld [tilespmem:s5+$0x2800]  }
0xc9: {  	v2 =	vadd.s32 v4, v2;
	v4 =	vld [tilespmem:s5+$0x1C00];
	_ =	sdelay $0x2  }
0xca: {  	s10 =	simm.s32 $0x40;
	v5 =	vor.u32 s28, v0;
	s18 =	smov.u32 s9;
	s1 =	smov.u32 s28  }
.LBB2_17:
0xcb: {  	s2 =	sshra.s32 s10, $0x2;
	p0 =	sne.s32 s10, $0x1C0;
	s10 =	sadd.s32 $0x40, s10;
	vm0 =	vgt.s32 v5, v3;
	v5 =	vor.u32 s18, v0  }
.Ltmp9:
0xcc: {  	v3 =	vld [tilespmem:s2+$0x2800];
	v5 =	vsel vm0, v4, v5;
	v6 =	vsel vm0, $0x1, v1;
	(pc) =	sbr.rel @p0 .LBB2_17-.Ltmp9, $3  }
0xcd: {  	v4 =	vld [tilespmem:s2+$0x1C00];
	[tilespmem:s5+$0x2400] =	vst v5;
	v2 =	vadd.s32 v6, v2;
	s5 =	smov.u32 s2;
	_ =	sdelay $0x1  }
0xce: {  	s1 =	sadd.s32 $0x10, s1  }
0xcf: {  	s18 =	sadd.s32 $0x10, s18;
	v5 =	vor.u32 s1, v0  }
0xd0: {  	vm0 =	vgt.s32 v5, v3;
	v3 =	vor.u32 s18, v0  }
0xd1: {  	v3 =	vsel vm0, v4, v3  }
0xd2: {  	[tilespmem:s5+$0x2400] =	vst v3  }
0xd3: {  	_ =	swait.ge [sflag:s12], $0x80  }
0xd4: {  	[sflag:s12] =	ssyncset.done $0x0  }
0xd5: {  	s5 =	simm.s32 $0x0;
	[sflag:s12] =	ssyncadd.s32 $0xFFFFFF80  }
0xd6: {  	v3 =	vsel vm0, $0x1, v1;
	v4 =	vld [tilespmem:s5+$0x2880]  }
0xd7: {  	v2 =	vadd.s32 v3, v2;
	v3 =	vld [tilespmem:s5+$0x1C80];
	_ =	sdelay $0x2  }
0xd8: {  	s18 =	simm.s32 $0x40;
	v5 =	vor.u32 s29, v0;
	s10 =	smov.u32 s9;
	s1 =	smov.u32 s29  }
.LBB2_19:
0xd9: {  	s2 =	sshra.s32 s18, $0x2;
	p0 =	sne.s32 s18, $0x1C0;
	s18 =	sadd.s32 $0x40, s18;
	vm0 =	vgt.s32 v5, v4;
	v5 =	vor.u32 s10, v0  }
.Ltmp10:
0xda: {  	v4 =	vld [tilespmem:s2+$0x2880];
	v5 =	vsel vm0, v3, v5;
	v6 =	vsel vm0, $0x1, v1;
	(pc) =	sbr.rel @p0 .LBB2_19-.Ltmp10, $3  }
0xdb: {  	v3 =	vld [tilespmem:s2+$0x1C80];
	[tilespmem:s5+$0x2480] =	vst v5;
	v2 =	vadd.s32 v6, v2;
	s5 =	smov.u32 s2;
	_ =	sdelay $0x1  }
0xdc: {  	s1 =	sadd.s32 $0x10, s1  }
0xdd: {  	s10 =	sadd.s32 $0x10, s10;
	v5 =	vor.u32 s1, v0  }
0xde: {  	vm0 =	vgt.s32 v5, v4  }
0xdf: {  	v4 =	vsel vm0, $0x1, v1  }
0xe0: {  	v2 =	vadd.s32 v4, v2  }
0xe1: {  	(xrf0) =	vadd.scan.msk.s32 $0xffff, v2;
	_ =	sdelay $0x5  }
0xe2: {  	v2 =	vor.u32 s10, v0;
	v53, _, _ =	vpop (xrf0)  }
0xe3: {  	v2 =	vsel vm0, v3, v2;
	v3 =	vbroadcast v53, $0xF  }
0xe4: {  	[tilespmem:s5+$0x2480] =	vst v2  }
0xe5: {  	[tilespmem:$0x2900] =	vst v3  }
0xe6: {  	[spmem:s15] =	stream.linear.scatter [tilespmem:s31], [sflag:$0x3], $0x10, $0x38;
	[tilespmem:$0x17380] =	vst v63  }
0xe7: {  	_ =	swait.ge [sflag:s17], $0x10  }
0xe8: {  	[sflag:s17] =	ssyncset.done $0x0  }
0xe9: {  	[sflag:s17] =	ssyncadd.s32 $0xFFFFFFF0  }
0xea: {  	[bflag:$0x0] =	sbarrier.arrive $0xFFFF  }
0xeb: {  	[tilespmem:s0], [sflag:$0x3] =	stream.linear.gather [spmem:s14], $0x100, $0x38;
	[tilespmem:$0x17380] =	vst v63  }
0xec: {  	_ =	swait.ge [sflag:s17], $0x100  }
0xed: {  	[sflag:s17] =	ssyncset.done $0x0  }
0xee: {  	[sflag:s17] =	ssyncadd.s32 $0xFFFFFF00  }
0xef: {  	v2 =	vld [tilespmem:$0x2980]  }
0xf0: {  	v3 =	vld [tilespmem:$0x2990]  }
0xf1: {  	v54 =	vld [tilespmem:$0x29A0]  }
0xf2: {  	v55 =	vld [tilespmem:$0x29B0]  }
0xf3: {  	v6 =	vld [tilespmem:$0x29C0]  }
0xf4: {  	v7 =	vld [tilespmem:$0x29D0]  }
0xf5: {  	v2 =	vadd.s32 v2, v3;
	v3 =	vld [tilespmem:$0x29E0]  }
0xf6: {  	v56 =	vld [tilespmem:$0x29F0];
	v2 =	vadd.s32 v54, v2  }
0xf7: {  	v57 =	vld [tilespmem:$0x2A00];
	v2 =	vadd.s32 v55, v2  }
0xf8: {  	v58 =	vld [tilespmem:$0x2A10];
	v2 =	vadd.s32 v6, v2  }
0xf9: {  	v59 =	vld [tilespmem:$0x2A20];
	v2 =	vadd.s32 v7, v2  }
0xfa: {  	v2 =	vadd.s32 v3, v2;
	v3 =	vld [tilespmem:$0x2A30]  }
0xfb: {  	v60 =	vld [tilespmem:$0x2A40];
	v2 =	vadd.s32 v56, v2  }
0xfc: {  	v61 =	vld [tilespmem:$0x2A50];
	v2 =	vadd.s32 v57, v2  }
0xfd: {  	v62 =	vld [tilespmem:$0x2A60];
	v2 =	vadd.s32 v58, v2  }
0xfe: {  	v63 =	vld [tilespmem:$0x2A70];
	v2 =	vadd.s32 v59, v2  }
0xff: {  	v2 =	vadd.s32 v3, v2  }
0x100: {  	v2 =	vadd.s32 v60, v2  }
0x101: {  	v2 =	vadd.s32 v61, v2  }
0x102: {  	v2 =	vadd.s32 v62, v2  }
0x103: {  	v2 =	vadd.s32 v63, v2  }
0x104: {  	(xrf0) =	vadd.scan.msk.s32 $0xffff, v2;
	_ =	sdelay $0x5  }
0x105: {  	v2, _, _ =	vpop (xrf0)  }
0x106: {  	(v2sf) =	vpush v2, $0xF;
	_ =	sdelay $0xe  }
0x107: {  	s1 =	spop (v2sf)  }
0x108: {  	p0 =	sgt.s32 s1, $0x0  }
.Ltmp11:
0x109: {  	_ = 	snop;
	(pc) =	sbr.rel @p0 .LBB2_4-.Ltmp11, $1  }
0x10a: {  	_ =	sdelay $0x3  }
0x10b: {  	s2 =	simm.s32 $0x2  }
0x10c: {  	_ =	swait.ge [sflag:s2], $0x4000  }
0x10d: {  	[sflag:s2] =	ssyncset.done $0x0  }
0x10e: {  	s18 =	simm.s32 $0x0;
	s1 =	rddreg [dreg:$0xb];
	[sflag:s2] =	ssyncadd.s32 $0xFFFFC000  }
0x10f: {  	[hbm4b:s1+s18] =	stream.linear.scatter [tilespmem:s11], [sflag:$0x2], $0x4000, $0x38;
	[tilespmem:$0x17380] =	vst v63  }
0x110: {  	_ =	swait.ge [sflag:s2], $0x4000  }
0x111: {  	[sflag:s2] =	ssyncset.done $0x0  }
0x112: {  	s14 =	rddreg [dreg:$0xc];
	[sflag:s2] =	ssyncadd.s32 $0xFFFFC000  }
0x113: {  	[hbm4b:s14+s18] =	stream.linear.scatter [tilespmem:s19], [sflag:$0x2], $0x4000, $0x38;
	[tilespmem:$0x17380] =	vst v63  }
0x114: {  	_ =	swait.ge [sflag:s2], $0x4000  }
0x115: {  	[sflag:s2] =	ssyncset.done $0x0  }
0x116: {  	s19 =	rddreg [dreg:$0xd];
	[sflag:s2] =	ssyncadd.s32 $0xFFFFC000  }
0x117: {  	[hbm4b:s19+s18] =	stream.linear.scatter [tilespmem:s21], [sflag:$0x2], $0x4000, $0x38;
	[tilespmem:$0x17380] =	vst v63  }
0x118: {  	s10 =	sand.u32 $0x1F0, s18;
	_ =	swait.ge [sflag:s2], $0x4000  }
0x119: {  	s5 =	simm.s32 $0xEA80;
	s1 =	sor.u32 s8, s10;
	[sflag:s2] =	ssyncset.done $0x0  }
0x11a: {  	s11 =	sand.u32 $0x180, s18;
	[sflag:s2] =	ssyncadd.s32 $0xFFFFC000;
	s2 =	rddreg [dreg:$0xe]  }
0x11b: {  	[hbm4b:s2+s18] =	stream.linear.scatter [tilespmem:s5], [sflag:$0x2], $0x4000, $0x38;
	[tilespmem:$0x17380] =	vst v63  }
0x11c: {  	v2 =	vor.u32 s1, v0;
	s14 =	sand.u32 $0x70, s18;
	s21 =	simm.s32 $0x12A80;
	s2 =	sadd.s32 s11, s20  }
0x11d: {  	[tilespmem:s21+$0x0] =	vst v2;
	s10 =	sadd.s32 s14, s2  }
0x11e: {  	v2 =	vld [tilespmem:s10+$0x0];
	_ =	sdelay $0x1  }
0x11f: {  	s1 =	simm.s32 $0x20;
	s5 =	simm.s32 $0x10  }
0x120: {  	s19 =	simm.s32 $0x12D00;
	s11 =	simm.s32 $0x10;
	s2 =	sand.u32 $0x1F0, s5  }
.LBB2_22:
0x121: {  	p0 =	sne.s32 s1, $0x210;
	s2 =	sor.u32 s8, s2;
	s14 =	sand.u32 $0x180, s11  }
0x122: {  	s21 =	sadd.s32 $0x10, s21;
	v3 =	vor.u32 s2, v0;
	s2 =	sand.u32 $0x70, s11;
	s11 =	sadd.s32 s14, s20;
	[tilespmem:s19+$0x0] =	vst v2  }
.Ltmp12:
0x123: {  	[tilespmem:s21+$0x0] =	vst v3;
	s2 =	sadd.s32 s2, s11;
	s11 =	smov.u32 s1;
	(pc) =	sbr.rel @p0 .LBB2_22-.Ltmp12, $2  }
0x124: {  	v2 =	vld [tilespmem:s2+$0x0];
	_ =	sdelay $0x2  }
0x125: {  	s19 =	sadd.s32 $0x10, s19;
	s1 =	sadd.s32 $0x10, s1;
	s2 =	sand.u32 $0x1F0, s11  }
0x126: {  	s1 =	sor.u32 s8, s2;
	s14 =	sand.u32 $0x180, s11  }
0x127: {  	v3 =	vor.u32 s1, v0;
	s1 =	sand.u32 $0x70, s11;
	s2 =	sadd.s32 s14, s20;
	[tilespmem:s19+$0x0] =	vst v2;
	s14 =	sadd.s32 $0x10, s21  }
0x128: {  	[tilespmem:s14+$0x0] =	vst v3;
	s1 =	sadd.s32 s1, s2  }
0x129: {  	v2 =	vld [tilespmem:s1+$0x0];
	_ =	sdelay $0x3  }
0x12a: {  	s19 =	sadd.s32 $0x10, s19  }
0x12b: {  	[tilespmem:s19+$0x0] =	vst v2  }
0x12c: {  	v2 =	vld [tilespmem:s10+$0x0];
	_ =	sdelay $0x2  }
0x12d: {  	s21 =	sadd.s32 $0x0, s8  }
0x12e: {  	v3 =	vor.u32 s21, v0  }
0x12f: {  	vm0 =	vne.s32 v2, v3  }
0x130: {  	v4 =	vmpcnt.ones.xlane vm0;
	_ =	sdelay $0x1  }
0x131: {  	v4 =	vxor.u32 $0x80000000, v4  }
0x132: {  	(xrf0) =	vmax.scan.msk.u32 $0xffff, v4;
	_ =	sdelay $0x5  }
0x133: {  	s1 =	sand.u32 $0x180, s5;
	s19 =	simm.s32 $0x20;
	v4, _, _ =	vpop (xrf0)  }
.LBB2_24:
0x134: {  	p0 =	sne.s32 s19, $0x1F0;
	s2 =	sand.u32 $0x70, s5;
	s1 =	sadd.s32 s1, s20;
	[tilespmem:s18+$0x12A80] =	vst.msk vm0, v3;
	(v2sf) =	vpush v4, $0xF  }
0x135: {  	s1 =	sadd.s32 s2, s1;
	[tilespmem:s18+$0x12D00] =	vst.msk vm0, v2  }
0x136: {  	v2 =	vld [tilespmem:s1+$0x0];
	_ =	sdelay $0x2  }
0x137: {  	s1 =	sadd.s32 s5, s8;
	s5 =	smov.u32 s19  }
0x138: {  	v3 =	vor.u32 s1, v0  }
0x139: {  	vm0 =	vne.s32 v2, v3  }
0x13a: {  	v4 =	vmpcnt.ones.xlane vm0;
	_ =	sdelay $0x1  }
0x13b: {  	v4 =	vxor.u32 $0x80000000, v4  }
0x13c: {  	(xrf0) =	vmax.scan.msk.u32 $0xffff, v4;
	_ =	sdelay $0x1  }
.Ltmp13:
0x13d: {  	(pc) =	sbr.rel @p0 .LBB2_24-.Ltmp13, $4  }
0x13e: {  	_ = 	snop  }
0x13f: {  	s1 =	spop (v2sf)  }
0x140: {  	s2 =	sadd.s32 s1, s18  }
0x141: {  	s19 =	sadd.s32 $0x10, s19;
	s1 =	sand.u32 $0x180, s5;
	v4, _, _ =	vpop (xrf0);
	s18 =	sadd.s32 $0x80000000, s2  }
0x142: {  	(v2sf) =	vpush v4, $0xF;
	_ =	sdelay $0x9  }
0x143: {  	s2 =	sand.u32 $0x70, s5;
	s1 =	sadd.s32 s1, s20;
	[tilespmem:s18+$0x12A80] =	vst.msk vm0, v3  }
0x144: {  	s1 =	sadd.s32 s2, s1;
	[tilespmem:s18+$0x12D00] =	vst.msk vm0, v2  }
0x145: {  	v2 =	vld [tilespmem:s1+$0x0];
	_ =	sdelay $0x2  }
0x146: {  	s11 =	sadd.s32 s5, s8;
	s14 =	spop (v2sf)  }
0x147: {  	v3 =	vor.u32 s11, v0;
	s18 =	sadd.s32 s14, s18  }
0x148: {  	vm15 =	vne.s32 v2, v3;
	s18 =	sadd.s32 $0x80000000, s18  }
0x149: {  	[tilespmem:s18+$0x12A80] =	vst.msk vm15, v3  }
0x14a: {  	[tilespmem:s18+$0x12D00] =	vst.msk vm15, v2  }
0x14b: {  	v2 =	vld [tilespmem:$0x12A80]  }
0x14c: {  	v3 =	vld [tilespmem:$0x12D00]  }
0x14d: {  	v28 =	vld [tilespmem:$0x12A90]  }
0x14e: {  	v5 =	vld [tilespmem:$0x12D10]  }
0x14f: {  	v6 =	vld [tilespmem:$0x12AA0]  }
0x150: {  	v29 =	vld [tilespmem:$0x12D30];
	[tilespmem:$0x12F80] =	vst v2  }
0x151: {  	v30 =	vld [tilespmem:$0x12AC0];
	[tilespmem:$0x13180] =	vst v3  }
0x152: {  	v2 =	vld [tilespmem:$0x12D20];
	[tilespmem:$0x12F90] =	vst v28  }
0x153: {  	v3 =	vld [tilespmem:$0x12AB0];
	[tilespmem:$0x13190] =	vst v5  }
0x154: {  	v31 =	vld [tilespmem:$0x12D40];
	[tilespmem:$0x12FA0] =	vst v6  }
0x155: {  	v32 =	vld [tilespmem:$0x12AE0];
	[tilespmem:$0x131B0] =	vst v29  }
0x156: {  	v33 =	vld [tilespmem:$0x12D60];
	[tilespmem:$0x12FC0] =	vst v30  }
0x157: {  	[tilespmem:$0x131A0] =	vst v2;
	v2 =	vld [tilespmem:$0x12AD0]  }
0x158: {  	[tilespmem:$0x12FB0] =	vst v3;
	v3 =	vld [tilespmem:$0x12D50]  }
0x159: {  	v34 =	vld [tilespmem:$0x12AF0];
	[tilespmem:$0x131C0] =	vst v31  }
0x15a: {  	v35 =	vld [tilespmem:$0x12D80];
	[tilespmem:$0x12FE0] =	vst v32  }
0x15b: {  	v36 =	vld [tilespmem:$0x12B10];
	[tilespmem:$0x131E0] =	vst v33  }
0x15c: {  	[tilespmem:$0x12FD0] =	vst v2;
	v2 =	vld [tilespmem:$0x12D70]  }
0x15d: {  	[tilespmem:$0x131D0] =	vst v3;
	v3 =	vld [tilespmem:$0x12B00]  }
0x15e: {  	v37 =	vld [tilespmem:$0x12D90];
	[tilespmem:$0x12FF0] =	vst v34  }
0x15f: {  	v38 =	vld [tilespmem:$0x12B30];
	[tilespmem:$0x13200] =	vst v35  }
0x160: {  	v39 =	vld [tilespmem:$0x12DB0];
	[tilespmem:$0x13010] =	vst v36  }
0x161: {  	[tilespmem:$0x131F0] =	vst v2;
	v2 =	vld [tilespmem:$0x12B20]  }
0x162: {  	[tilespmem:$0x13000] =	vst v3;
	v3 =	vld [tilespmem:$0x12DA0]  }
0x163: {  	v40 =	vld [tilespmem:$0x12B40];
	[tilespmem:$0x13210] =	vst v37  }
0x164: {  	v41 =	vld [tilespmem:$0x12DD0];
	[tilespmem:$0x13030] =	vst v38  }
0x165: {  	v42 =	vld [tilespmem:$0x12B60];
	[tilespmem:$0x13230] =	vst v39  }
0x166: {  	[tilespmem:$0x13020] =	vst v2;
	v2 =	vld [tilespmem:$0x12DC0]  }
0x167: {  	[tilespmem:$0x13220] =	vst v3;
	v3 =	vld [tilespmem:$0x12B50]  }
0x168: {  	v43 =	vld [tilespmem:$0x12DE0];
	[tilespmem:$0x13040] =	vst v40  }
0x169: {  	v44 =	vld [tilespmem:$0x12B80];
	[tilespmem:$0x13250] =	vst v41  }
0x16a: {  	v45 =	vld [tilespmem:$0x12E00];
	[tilespmem:$0x13060] =	vst v42  }
0x16b: {  	[tilespmem:$0x13240] =	vst v2;
	v2 =	vld [tilespmem:$0x12B70]  }
0x16c: {  	[tilespmem:$0x13050] =	vst v3;
	v3 =	vld [tilespmem:$0x12DF0]  }
0x16d: {  	v46 =	vld [tilespmem:$0x12B90];
	[tilespmem:$0x13260] =	vst v43  }
0x16e: {  	v47 =	vld [tilespmem:$0x12E20];
	[tilespmem:$0x13080] =	vst v44  }
0x16f: {  	v48 =	vld [tilespmem:$0x12BB0];
	[tilespmem:$0x13280] =	vst v45  }
0x170: {  	[tilespmem:$0x13070] =	vst v2;
	v2 =	vld [tilespmem:$0x12E10]  }
0x171: {  	[tilespmem:$0x13270] =	vst v3;
	v3 =	vld [tilespmem:$0x12BA0]  }
0x172: {  	v49 =	vld [tilespmem:$0x12E30];
	[tilespmem:$0x13090] =	vst v46  }
0x173: {  	v50 =	vld [tilespmem:$0x12BD0];
	[tilespmem:$0x132A0] =	vst v47  }
0x174: {  	v51 =	vld [tilespmem:$0x12E50];
	[tilespmem:$0x130B0] =	vst v48  }
0x175: {  	[tilespmem:$0x13290] =	vst v2;
	v2 =	vld [tilespmem:$0x12BC0]  }
0x176: {  	v7 =	vmpcnt.ones.xlane vm15;
	[tilespmem:$0x130A0] =	vst v3;
	v3 =	vld [tilespmem:$0x12E40]  }
0x177: {  	v52 =	vld [tilespmem:$0x12BE0];
	[tilespmem:$0x132B0] =	vst v49  }
0x178: {  	v7 =	vxor.u32 $0x80000000, v7;
	v53 =	vld [tilespmem:$0x12E70];
	[tilespmem:$0x130D0] =	vst v50  }
0x179: {  	(xrf0) =	vmax.scan.msk.u32 $0xffff, v7;
	v54 =	vld [tilespmem:$0x12C00];
	[tilespmem:$0x132D0] =	vst v51  }
0x17a: {  	[tilespmem:$0x130C0] =	vst v2;
	v2 =	vld [tilespmem:$0x12E60]  }
0x17b: {  	[tilespmem:$0x132C0] =	vst v3;
	v3 =	vld [tilespmem:$0x12BF0]  }
0x17c: {  	v55 =	vld [tilespmem:$0x12E80];
	[tilespmem:$0x130E0] =	vst v52  }
0x17d: {  	v56 =	vld [tilespmem:$0x12C20];
	[tilespmem:$0x132F0] =	vst v53  }
0x17e: {  	v57 =	vld [tilespmem:$0x12EA0];
	[tilespmem:$0x13100] =	vst v54  }
0x17f: {  	v7, _, _ =	vpop (xrf0);
	[tilespmem:$0x132E0] =	vst v2;
	v2 =	vld [tilespmem:$0x12C10]  }
0x180: {  	(v2sf) =	vpush v7, $0xF;
	[tilespmem:$0x130F0] =	vst v3;
	v3 =	vld [tilespmem:$0x12E90]  }
0x181: {  	v58 =	vld [tilespmem:$0x12C30];
	[tilespmem:$0x13300] =	vst v55  }
0x182: {  	v59 =	vld [tilespmem:$0x12EC0];
	[tilespmem:$0x13120] =	vst v56  }
0x183: {  	v60 =	vld [tilespmem:$0x12C50];
	[tilespmem:$0x13320] =	vst v57  }
0x184: {  	[tilespmem:$0x13110] =	vst v2;
	v2 =	vld [tilespmem:$0x12EB0]  }
0x185: {  	[tilespmem:$0x13310] =	vst v3;
	v3 =	vld [tilespmem:$0x12C40]  }
0x186: {  	v61 =	vld [tilespmem:$0x12ED0];
	[tilespmem:$0x13130] =	vst v58  }
0x187: {  	v62 =	vld [tilespmem:$0x12C70];
	[tilespmem:$0x13340] =	vst v59  }
0x188: {  	v63 =	vld [tilespmem:$0x12EF0];
	[tilespmem:$0x13150] =	vst v60  }
0x189: {  	[tilespmem:$0x13330] =	vst v2;
	v2 =	vld [tilespmem:$0x12C60]  }
0x18a: {  	[tilespmem:$0x13140] =	vst v3;
	v3 =	vld [tilespmem:$0x12EE0]  }
0x18b: {  	[tilespmem:$0x13350] =	vst v61  }
0x18c: {  	[tilespmem:$0x13170] =	vst v62  }
0x18d: {  	[tilespmem:$0x13370] =	vst v63  }
0x18e: {  	[tilespmem:$0x13160] =	vst v2  }
0x18f: {  	s21 =	simm.s32 $0x2;
	s19 =	spop (v2sf);
	[tilespmem:$0x13360] =	vst v3  }
0x190: {  	_ =	swait.ge [sflag:s21], $0x4000  }
0x191: {  	[sflag:s21] =	ssyncset.done $0x0  }
0x192: {  	[sflag:s21] =	ssyncadd.s32 $0xFFFFC000  }
0x193: {  	_ =	swait.ge [sflag:s21], $0x4000  }
0x194: {  	s1 =	sadd.s32 s19, s18;
	[sflag:s21] =	ssyncset.done $0x0  }
0x195: {  	s5 =	sadd.s32 $0x80000000, s1;
	[sflag:s21] =	ssyncadd.s32 $0xFFFFC000  }
0x196: {  	p0 =	slt.s32 s5, $0x1;
	_ =	swait.ge [sflag:s21], $0x4000  }
.Ltmp14:
0x197: {  	[sflag:s21] =	ssyncset.done $0x0;
	(pc) =	sbr.rel @p0 .LBB2_27-.Ltmp14, $4  }
0x198: {  	[sflag:s21] =	ssyncadd.s32 $0xFFFFC000  }
0x199: {  	_ =	swait.ge [sflag:s21], $0x4000  }
0x19a: {  	[sflag:s21] =	ssyncset.done $0x0  }
0x19b: {  	[sflag:s21] =	ssyncadd.s32 $0xFFFFC000;
	s21 =	rddreg [dreg:$0x10]  }
0x19c: {  	s14 =	rddreg [dreg:$0x1];
	s1 =	simm.s32 $0x13180;
	s2 =	simm.s32 $0x13380  }
0x19d: {  	[tilespmem:s2], [sflag:$0x1] =	stream.indirect.gather [hbm4b:s14+s13], $0x80, s1, s13, $0xb8;
	[tilespmem:$0x17380] =	vst v63  }
0x19e: {  	_ =	swait.ge [sflag:s12], $0x4000  }
0x19f: {  	[sflag:s12] =	ssyncset.done $0x0  }
0x1a0: {  	[sflag:s12] =	ssyncadd.s32 $0xFFFFC000  }
0x1a1: {  	s19 =	simm.s32 $0x12F80;
	s18 =	rddreg [dreg:$0x2]  }
0x1a2: {  	[hbm4b:s18+s13] =	stream.indirect.scatter [tilespmem:s2], [sflag:$0x1], $0x80, s19, s13, $0xb8;
	[tilespmem:$0x17380] =	vst v63  }
0x1a3: {  	p0 =	slt.u32 s5, $0x81;
	_ =	swait.ge [sflag:s12], $0x4000  }
0x1a4: {  	s1 =	simm.s32 @!p0 $0x80;
	[sflag:s12] =	ssyncset.done $0x0  }
0x1a5: {  	s10 =	simm.s32 @!p0 $0x13380;
	s2 =	simm.s32 @!p0 $0x13200;
	[sflag:s12] =	ssyncadd.s32 $0xFFFFC000  }
0x1a6: {  	[tilespmem:s10], [sflag:$0x1] =	stream.indirect.gather @!p0 [hbm4b:s14+s1], $0x80, s2, s1, $0xb8;
	[tilespmem:$0x17380] =	vst v63  }
0x1a7: {  	s2 =	simm.s32 @!p0 $0x1  }
0x1a8: {  	_ =	swait.ge @!p0 [sflag:s2], $0x4000  }
0x1a9: {  	[sflag:s2] =	ssyncset.done @!p0 $0x0  }
0x1aa: {  	s11 =	simm.s32 @!p0 $0x13000;
	p1 =	slt.u32 @!p0 s5, $0x101;
	[sflag:s2] =	ssyncadd.s32 @!p0 $0xFFFFC000  }
0x1ab: {  	[hbm4b:s18+s1] =	stream.indirect.scatter @!p0 [tilespmem:s10], [sflag:$0x1], $0x80, s11, s1, $0xb8;
	[tilespmem:$0x17380] =	vst v63  }
0x1ac: {  	p2 =	por p1, p0;
	_ =	swait.ge @!p0 [sflag:s2], $0x4000  }
0x1ad: {  	s1 =	simm.s32 @!p2 $0x80;
	[sflag:s2] =	ssyncset.done @!p0 $0x0  }
0x1ae: {  	s10 =	simm.s32 @!p2 $0x13380;
	[sflag:s2] =	ssyncadd.s32 @!p0 $0xFFFFC000;
	s2 =	simm.s32 @!p2 $0x13280  }
0x1af: {  	[tilespmem:s10], [sflag:$0x1] =	stream.indirect.gather @!p2 [hbm4b:s14+s1], $0x80, s2, s1, $0xb8;
	[tilespmem:$0x17380] =	vst v63  }
0x1b0: {  	s2 =	simm.s32 @!p2 $0x1  }
0x1b1: {  	_ =	swait.ge @!p2 [sflag:s2], $0x4000  }
0x1b2: {  	p3 =	slt.u32 @!p2 s5, $0x181;
	[sflag:s2] =	ssyncset.done @!p2 $0x0  }
0x1b3: {  	p1 =	por @!p0 p3, p1;
	s11 =	simm.s32 @!p2 $0x13080;
	[sflag:s2] =	ssyncadd.s32 @!p2 $0xFFFFC000  }
0x1b4: {  	[hbm4b:s18+s1] =	stream.indirect.scatter @!p2 [tilespmem:s10], [sflag:$0x1], $0x80, s11, s1, $0xb8;
	[tilespmem:$0x17380] =	vst v63  }
0x1b5: {  	p0 =	por p1, p0;
	_ =	swait.ge @!p2 [sflag:s2], $0x4000  }
0x1b6: {  	s5 =	simm.s32 @!p0 $0x13380;
	[sflag:s2] =	ssyncset.done @!p2 $0x0  }
0x1b7: {  	s1 =	simm.s32 @!p0 $0x80;
	[sflag:s2] =	ssyncadd.s32 @!p2 $0xFFFFC000;
	s2 =	simm.s32 @!p0 $0x13300  }
0x1b8: {  	[tilespmem:s5], [sflag:$0x1] =	stream.indirect.gather @!p0 [hbm4b:s14+s1], $0x80, s2, s1, $0xb8;
	[tilespmem:$0x17380] =	vst v63  }
0x1b9: {  	s2 =	simm.s32 @!p0 $0x1  }
0x1ba: {  	_ =	swait.ge @!p0 [sflag:s2], $0x4000  }
0x1bb: {  	[sflag:s2] =	ssyncset.done @!p0 $0x0  }
.Ltmp15:
0x1bc: {  	s10 =	simm.s32 @!p0 $0x13100;
	[sflag:s2] =	ssyncadd.s32 @!p0 $0xFFFFC000;
	(pc) =	sbr.rel .LBB2_27-.Ltmp15, $4  }
0x1bd: {  	[hbm4b:s18+s1] =	stream.indirect.scatter @!p0 [tilespmem:s5], [sflag:$0x1], $0x80, s10, s1, $0xb8;
	[tilespmem:$0x17380] =	vst v63  }
0x1be: {  	_ =	swait.ge @!p0 [sflag:s2], $0x4000  }
0x1bf: {  	[sflag:s2] =	ssyncset.done @!p0 $0x0  }
0x1c0: {  	[sflag:s2] =	ssyncadd.s32 @!p0 $0xFFFFC000  }
.LBB2_28:
0x1c1: {  	_ =	sfence.sel $0x180000  }
0x1c2: {  	[bflag:$0x0] =	sbarrier.arrive $0xFFFF  }
0x1c3: {  	_ =	strace $0x90000047  }
0x1c4: {  	s0 =	stileid.u32;
	[bflag:$0x2] =	sbarrier.arrive $0xFFFF  }
0x1c5: {  	p0 =	sne.s32 s0, $0x0;
	s0 =	rddreg [dreg:$0x5]  }
0x1c6: {  	s0 =	sadd.s32 @!p0 $0x100000, s0  }
0x1c7: {  	[sflag:s0] =	ssyncadd.tile.s32 @!p0 $0x1;
	_ =	shalt  }
.Lfunc_end2:
_tile_overlayer_lowered:
.L_overlay_start_2:
0x1c8: {  	(tag) =	ssettag $0x2  }
0x1c9: {  	s0 =	rddreg [dreg:$0x0];
	s2 =	stileid.u32  }
0x1ca: {  	s1 =	rddreg [dreg:$0x1];
	p0 =	sne.s32 s2, $0x0  }
0x1cb: {  	s3 =	rddreg [dreg:$0x2];
	[bflag:$0x3] =	sbarrier.arrive $0xFFFF;
	s2 =	simm.s32 @!p0 $0x1C03  }
0x1cc: {  	[timem:s3], [sflag:s2] =	dma.local @!p0 [hbm:s0], s1  }
0x1cd: {  	s0 =	simm.s32 @!p0 $0x3  }
0x1ce: {  	_ =	swait.ge @!p0 [sflag:s0], s1  }
0x1cf: {  	s1 =	ssub.s32 @!p0 $0x0, s1;
	[sflag:s0] =	ssyncset.done @!p0 $0x0  }
0x1d0: {  	[sflag:s0] =	ssyncadd.s32 @!p0 s1  }
0x1d1: {  	[bflag:$0x3] =	sbarrier.arrive $0xFFFF  }
0x1d2: {  	_ =	shalt  }

</sc_bundles>
